<compile_context>
chip_gen: v7x
topology: tpu7x:2x2x1
jax: 0.10.2.dev20260603
libtpu: 0.0.44.dev20260713+nightly
codegen_flags: <defaults>
</compile_context>

<pallas_src>
import functools

import jax
import jax.numpy as jnp
from jax import lax
from jax.experimental import pallas as pl
from jax.experimental.pallas import tpu as pltpu
from jax.experimental.pallas import tpu_sc as plsc

N = 2000
E = 16000
NWORK = 32
NREG = 64
REGION = 62512
APAD = NREG * REGION
ECHUNK = 2000
NCH = E // ECHUNK
LANES = 16


def _build_adj_sc(src, dst, zeros_pad):
  mesh = plsc.VectorSubcoreMesh(core_axis_name="c", subcore_axis_name="s")

  @functools.partial(
      pl.kernel,
      out_type=jax.ShapeDtypeStruct((APAD,), jnp.float32),
      mesh=mesh,
      compiler_params=pltpu.CompilerParams(needs_layout_passes=False),
      scratch_types=[
          pltpu.VMEM((REGION,), jnp.float32),
          pltpu.VMEM((N,), jnp.float32),
          pltpu.VMEM((ECHUNK,), jnp.int32),
          pltpu.VMEM((ECHUNK,), jnp.int32),
          pltpu.VMEM((ECHUNK,), jnp.int32),
          pltpu.VMEM((ECHUNK,), jnp.int32),
          pltpu.SemaphoreType.DMA,
          pltpu.SemaphoreType.DMA,
      ],
  )
  def k(src_hbm, dst_hbm, zeros_hbm, a_hbm, a_v, deg_v, src0_v, src1_v,
        dst0_v, dst1_v, sem_e, sem_a):
    srcb = [src0_v, src1_v]
    dstb = [dst0_v, dst1_v]
    wid = lax.axis_index("s") * 2 + lax.axis_index("c")
    ones = jnp.ones((LANES,), jnp.float32)

    zero_h = pltpu.async_copy(zeros_hbm.at[pl.ds(0, REGION)], a_v, sem_a)

    def zero_deg(i, _):
      deg_v[pl.ds(i * LANES, LANES)] = jnp.zeros((LANES,), jnp.float32)
      return 0
    lax.fori_loop(0, N // LANES, zero_deg, 0)

    hs = [pltpu.async_copy(dst_hbm.at[pl.ds(0, ECHUNK)], dstb[0], sem_e)]
    for c in range(NCH):
      if c + 1 < NCH:
        hs.append(pltpu.async_copy(
            dst_hbm.at[pl.ds((c + 1) * ECHUNK, ECHUNK)],
            dstb[(c + 1) % 2], sem_e))
      hs.pop(0).wait()
      buf = dstb[c % 2]
      def body(j, _, buf=buf):
        d = buf[pl.ds(j * LANES, LANES)]
        plsc.addupdate_scatter(deg_v, [d], ones)
        return 0
      lax.fori_loop(0, ECHUNK // LANES, body, 0)

    def dinv_body(i, _):
      sl = pl.ds(i * LANES, LANES)
      x = deg_v[sl] + 1.0
      xi = plsc.bitcast(x, jnp.int32)
      yi = 0x5F3759DF - lax.shift_right_logical(xi, 1)
      y = plsc.bitcast(yi, jnp.float32)
      for _ in range(4):
        y = y * (1.5 - (0.5 * x) * (y * y))
      deg_v[sl] = y
      return 0
    lax.fori_loop(0, N // LANES, dinv_body, 0)

    for r in range(NREG // NWORK):
      base = (wid + NWORK * r) * REGION
      zero_h.wait()

      hs = [pltpu.async_copy(src_hbm.at[pl.ds(0, ECHUNK)], srcb[0], sem_e),
            pltpu.async_copy(dst_hbm.at[pl.ds(0, ECHUNK)], dstb[0], sem_e)]
      for c in range(NCH):
        if c + 1 < NCH:
          nxt = pl.ds((c + 1) * ECHUNK, ECHUNK)
          hs.append(pltpu.async_copy(src_hbm.at[nxt], srcb[(c + 1) % 2],
                                     sem_e))
          hs.append(pltpu.async_copy(dst_hbm.at[nxt], dstb[(c + 1) % 2],
                                     sem_e))
        hs.pop(0).wait()
        hs.pop(0).wait()
        sbuf, dbuf = srcb[c % 2], dstb[c % 2]
        def body(j, _, sbuf=sbuf, dbuf=dbuf, base=base):
          sl = pl.ds(j * LANES, LANES)
          s = sbuf[sl]
          d = dbuf[sl]
          dv = plsc.load_gather(deg_v, [d])
          sv = plsc.load_gather(deg_v, [s])
          flat = d * N + s
          local = flat - base
          m = (local >= 0) & (local < REGION)
          local = jnp.where(m, local, 0)
          plsc.addupdate_scatter(a_v, [local], dv * sv, mask=m)
          return 0
        lax.fori_loop(0, ECHUNK // LANES, body, 0)

      def diag_body(i, _, base=base):
        dv = deg_v[pl.ds(i * LANES, LANES)]
        node = lax.broadcasted_iota(jnp.int32, (LANES,), 0) + i * LANES
        local = node * (N + 1) - base
        m = (local >= 0) & (local < REGION)
        local = jnp.where(m, local, 0)
        plsc.addupdate_scatter(a_v, [local], dv * dv, mask=m)
        return 0
      lax.fori_loop(0, N // LANES, diag_body, 0)

      pltpu.async_copy(a_v, a_hbm.at[pl.ds(base, REGION)], sem_a).wait()
      if r + 1 < NREG // NWORK:
        zero_h = pltpu.async_copy(zeros_hbm.at[pl.ds(0, REGION)], a_v, sem_a)

  return k(src, dst, zeros_pad)


def _silu(x):
  return x * jax.nn.sigmoid(x)


def _prop1_body(x_ref, a_ref, sc_ref, sh_ref, o_ref):
  xn = x_ref[...] * sc_ref[...] + sh_ref[...]
  o_ref[...] = jnp.dot(a_ref[...], xn.astype(jnp.bfloat16),
                       preferred_element_type=jnp.float32)


def _gcn_body(p_ref, a_ref, w1_ref, w2_ref, w3_ref,
              b1_ref, b2_ref, b3_ref, o_ref):
  f32, bf16 = jnp.float32, jnp.bfloat16
  P = p_ref.shape[2] // 8
  D = w2_ref.shape[0]
  a = a_ref[...]
  z = jnp.dot(p_ref[0].astype(bf16), w1_ref[...], preferred_element_type=f32)
  h = _silu(z + b1_ref[...])
  for w_ref, b_ref in ((w2_ref, b2_ref), (w3_ref, b3_ref)):
    w = w_ref[...]
    z = jnp.concatenate(
        [jnp.dot(h[:, k * D:(k + 1) * D].astype(bf16), w,
                 preferred_element_type=f32).astype(bf16)
         for k in range(P)], axis=1)
    h = _silu(jnp.dot(a, z, preferred_element_type=f32) + b_ref[...])
  o_ref[0, 0] = jnp.sum(h, axis=0) * (1.0 / N)


def _lstm_head_body(emb_ref, wi0_ref, wh0_ref, b0_ref, wi1_ref, wh1_ref,
                    b1_ref, hw1_ref, hb1_ref, hw2_ref, hb2_ref, hw3_ref,
                    hb3_ref, o_ref):
  f32 = jnp.float32
  T, B, D = emb_ref.shape

  def step(t, carry):
    h1, c1, h2, c2 = carry
    xt = emb_ref[t]
    g = (jnp.dot(xt, wi0_ref[...], preferred_element_type=f32)
         + jnp.dot(h1, wh0_ref[...], preferred_element_type=f32)
         + b0_ref[...])
    i = jax.nn.sigmoid(g[:, 0:D])
    f = jax.nn.sigmoid(g[:, D:2 * D])
    gg = jnp.tanh(g[:, 2 * D:3 * D])
    o = jax.nn.sigmoid(g[:, 3 * D:4 * D])
    c1 = f * c1 + i * gg
    h1 = o * jnp.tanh(c1)
    g = (jnp.dot(h1, wi1_ref[...], preferred_element_type=f32)
         + jnp.dot(h2, wh1_ref[...], preferred_element_type=f32)
         + b1_ref[...])
    i = jax.nn.sigmoid(g[:, 0:D])
    f = jax.nn.sigmoid(g[:, D:2 * D])
    gg = jnp.tanh(g[:, 2 * D:3 * D])
    o = jax.nn.sigmoid(g[:, 3 * D:4 * D])
    c2 = f * c2 + i * gg
    h2 = o * jnp.tanh(c2)
    return (h1, c1, h2, c2)

  zero = jnp.zeros((B, D), f32)
  h1, c1, h2, c2 = lax.fori_loop(0, T, step, (zero, zero, zero, zero))
  hh = _silu(jnp.dot(h2, hw1_ref[...], preferred_element_type=f32)
             + hb1_ref[...])
  hh = _silu(jnp.dot(hh, hw2_ref[...], preferred_element_type=f32)
             + hb2_ref[...])
  p = jnp.dot(hh, hw3_ref[...], preferred_element_type=f32) + hb3_ref[...]
  o_ref[...] = jnp.maximum(p, 0.0) + jnp.log1p(jnp.exp(-jnp.abs(p))) + 1e-06


def kernel(snapshot_sequence, edge_index, norm_scale, norm_shift, gc1_W,
           gc1_b, gc2_W, gc2_b, gc3_W, gc3_b, lstm_Wih0, lstm_Whh0, lstm_bih0,
           lstm_bhh0, lstm_Wih1, lstm_Whh1, lstm_bih1, lstm_bhh1, head_W1,
           head_b1, head_W2, head_b2, head_W3, head_b3):
  B, T, n, F = snapshot_sequence.shape
  G = B * T
  D = gc3_W.shape[0]

  src = edge_index[0].astype(jnp.int32)
  dst = edge_index[1].astype(jnp.int32)
  zeros_pad = jnp.zeros((REGION,), jnp.float32)
  a_flat = _build_adj_sc(src, dst, zeros_pad)
  a = a_flat[:N * N].reshape(N, N).astype(jnp.bfloat16)

  xall = snapshot_sequence.reshape(G, n, F).transpose(1, 0, 2).reshape(n, G * F)
  scall = jnp.tile(norm_scale, G).reshape(1, G * F)
  shall = jnp.tile(norm_shift, G).reshape(1, G * F)
  prop = pl.pallas_call(
      _prop1_body,
      out_shape=jax.ShapeDtypeStruct((n, G * F), jnp.float32),
  )(xall, a, scall, shall)

  P = 8
  NS = G // P
  p8 = prop.reshape(n, NS, P * F).transpose(1, 0, 2)
  w1 = jnp.kron(jnp.eye(P, dtype=jnp.float32), gc1_W.T).astype(jnp.bfloat16)
  w2 = gc2_W.T.astype(jnp.bfloat16)
  w3 = gc3_W.T.astype(jnp.bfloat16)
  b1 = jnp.tile(gc1_b, P).reshape(1, P * D)
  b2 = jnp.tile(gc2_b, P).reshape(1, P * D)
  b3 = jnp.tile(gc3_b, P).reshape(1, P * D)

  pooled2 = pl.pallas_call(
      _gcn_body,
      grid=(NS,),
      in_specs=[
          pl.BlockSpec((1, n, P * F), lambda i: (i, 0, 0)),
          pl.BlockSpec((N, N), lambda i: (0, 0)),
          pl.BlockSpec((P * F, P * D), lambda i: (0, 0)),
          pl.BlockSpec((D, D), lambda i: (0, 0)),
          pl.BlockSpec((D, D), lambda i: (0, 0)),
          pl.BlockSpec((1, P * D), lambda i: (0, 0)),
          pl.BlockSpec((1, P * D), lambda i: (0, 0)),
          pl.BlockSpec((1, P * D), lambda i: (0, 0)),
      ],
      out_specs=pl.BlockSpec((1, 1, P * D), lambda i: (i, 0, 0)),
      out_shape=jax.ShapeDtypeStruct((NS, 1, P * D), jnp.float32),
  )(p8, a, w1, w2, w3, b1, b2, b3)

  emb = pooled2.reshape(B, T, D).transpose(1, 0, 2)

  out = pl.pallas_call(
      _lstm_head_body,
      out_shape=jax.ShapeDtypeStruct((B, head_W3.shape[0]), jnp.float32),
  )(emb,
    lstm_Wih0.T, lstm_Whh0.T, (lstm_bih0 + lstm_bhh0).reshape(1, 4 * D),
    lstm_Wih1.T, lstm_Whh1.T, (lstm_bih1 + lstm_bhh1).reshape(1, 4 * D),
    head_W1.T, head_b1.reshape(1, -1),
    head_W2.T, head_b2.reshape(1, -1),
    head_W3.T, head_b3.reshape(1, -1))
  return out

# --- scband reference (transcript-rebuilt; emitter-appended) ---
"""Pipeline reference for scband-graph-mamba-model-54065048322842 (READ-ONLY COPY).

The authoritative reference and input builder live on the scoring server;
editing this copy changes nothing except your own understanding.
"""

import jax, jax.numpy as jnp
import numpy as np


def _gcn_layer(x, src, dst, n, W, b):
    loop = jnp.arange(n)
    s = jnp.concatenate([src, loop])
    d = jnp.concatenate([dst, loop])
    deg = jnp.zeros((n,), x.dtype).at[d].add(1.0)
    dinv = jnp.where(deg > 0, 1.0 / jnp.sqrt(deg), 0.0)
    norm = dinv[s] * dinv[d]
    xw = x @ W.T
    msg = xw[s] * norm[:, None]
    out = jnp.zeros((n, W.shape[0]), x.dtype).at[d].add(msg)
    return out + b


def _lstm_layer(x_seq, Wih, Whh, bih, bhh):
    B, T, D = x_seq.shape
    H = Whh.shape[1]
    def step(carry, xt):
        h, c = carry
        gates = xt @ Wih.T + bih + h @ Whh.T + bhh
        i, f, g, o = jnp.split(gates, 4, axis=-1)
        i = jax.nn.sigmoid(i)
        f = jax.nn.sigmoid(f)
        g = jnp.tanh(g)
        o = jax.nn.sigmoid(o)
        c = f * c + i * g
        h = o * jnp.tanh(c)
        return (h, c), h
    init = (jnp.zeros((B, H), x_seq.dtype), jnp.zeros((B, H), x_seq.dtype))
    _, hs = jax.lax.scan(step, init, jnp.transpose(x_seq, (1, 0, 2)))
    return jnp.transpose(hs, (1, 0, 2))


def _forward(snapshot_sequence, edge_index, norm_scale, norm_shift, gc1_W, gc1_b, gc2_W, gc2_b, gc3_W, gc3_b,
             lstm_Wih0, lstm_Whh0, lstm_bih0, lstm_bhh0, lstm_Wih1, lstm_Whh1, lstm_bih1, lstm_bhh1,
             head_W1, head_b1, head_W2, head_b2, head_W3, head_b3):
    B, T, N, F = snapshot_sequence.shape
    d_model = gc3_W.shape[0]
    x = snapshot_sequence * norm_scale + norm_shift
    G = B * T
    flat = x.reshape(G * N, F)
    E = edge_index.shape[1]
    offsets = jnp.repeat(jnp.arange(G) * N, E)
    ei = jnp.tile(edge_index, (1, G)) + offsets[None, :]
    src, dst = ei[0], ei[1]
    n_total = G * N
    h = jax.nn.silu(_gcn_layer(flat, src, dst, n_total, gc1_W, gc1_b))
    h = jax.nn.silu(_gcn_layer(h, src, dst, n_total, gc2_W, gc2_b))
    h = jax.nn.silu(_gcn_layer(h, src, dst, n_total, gc3_W, gc3_b))
    batch_idx = jnp.repeat(jnp.arange(G), N)
    sums = jax.ops.segment_sum(h, batch_idx, num_segments=G)
    counts = jax.ops.segment_sum(jnp.ones((n_total,), h.dtype), batch_idx, num_segments=G)
    pooled = sums / counts[:, None]
    emb = pooled.reshape(B, T, d_model)
    out1 = _lstm_layer(emb, lstm_Wih0, lstm_Whh0, lstm_bih0, lstm_bhh0)
    out2 = _lstm_layer(out1, lstm_Wih1, lstm_Whh1, lstm_bih1, lstm_bhh1)
    final = out2[:, -1, :]
    hh = jax.nn.silu(final @ head_W1.T + head_b1)
    hh = jax.nn.silu(hh @ head_W2.T + head_b2)
    p = hh @ head_W3.T + head_b3
    return jax.nn.softplus(p) + 1e-06


def setup_inputs(seed: int = 0):
    key = jax.random.key(seed)
    ks = jax.random.split(key, 32)
    B, T, N, F = 4, 16, 2000, 8
    E = 16000
    d_model = 128
    inp = {}
    inp['snapshot_sequence'] = jax.random.normal(ks[0], (B, T, N, F), dtype=jnp.float32)
    inp['edge_index'] = jax.random.randint(ks[1], (2, E), 0, N)
    inp['norm_scale'] = jnp.ones((F,), jnp.float32)
    inp['norm_shift'] = jnp.zeros((F,), jnp.float32)
    inp['gc1_W'] = jax.random.normal(ks[2], (d_model, F), dtype=jnp.float32) * (1.0 / np.sqrt(F))
    inp['gc1_b'] = jnp.zeros((d_model,), jnp.float32)
    inp['gc2_W'] = jax.random.normal(ks[3], (d_model, d_model), dtype=jnp.float32) * (1.0 / np.sqrt(d_model))
    inp['gc2_b'] = jnp.zeros((d_model,), jnp.float32)
    inp['gc3_W'] = jax.random.normal(ks[4], (d_model, d_model), dtype=jnp.float32) * (1.0 / np.sqrt(d_model))
    inp['gc3_b'] = jnp.zeros((d_model,), jnp.float32)
    s = 1.0 / np.sqrt(d_model)
    inp['lstm_Wih0'] = jax.random.uniform(ks[5], (4 * d_model, d_model), jnp.float32, -s, s)
    inp['lstm_Whh0'] = jax.random.uniform(ks[6], (4 * d_model, d_model), jnp.float32, -s, s)
    inp['lstm_bih0'] = jax.random.uniform(ks[7], (4 * d_model,), jnp.float32, -s, s)
    inp['lstm_bhh0'] = jax.random.uniform(ks[8], (4 * d_model,), jnp.float32, -s, s)
    inp['lstm_Wih1'] = jax.random.uniform(ks[9], (4 * d_model, d_model), jnp.float32, -s, s)
    inp['lstm_Whh1'] = jax.random.uniform(ks[10], (4 * d_model, d_model), jnp.float32, -s, s)
    inp['lstm_bih1'] = jax.random.uniform(ks[11], (4 * d_model,), jnp.float32, -s, s)
    inp['lstm_bhh1'] = jax.random.uniform(ks[12], (4 * d_model,), jnp.float32, -s, s)
    inp['head_W1'] = jax.random.normal(ks[13], (128, d_model), dtype=jnp.float32) * (1.0 / np.sqrt(d_model))
    inp['head_b1'] = jnp.zeros((128,), jnp.float32)
    inp['head_W2'] = jax.random.normal(ks[14], (64, 128), dtype=jnp.float32) * (1.0 / np.sqrt(128))
    inp['head_b2'] = jnp.zeros((64,), jnp.float32)
    inp['head_W3'] = jax.random.normal(ks[15], (2, 64), dtype=jnp.float32) * (1.0 / np.sqrt(64))
    inp['head_b3'] = jnp.zeros((2,), jnp.float32)
    return inp


def reference(snapshot_sequence, edge_index, norm_scale, norm_shift, gc1_W, gc1_b, gc2_W, gc2_b, gc3_W, gc3_b,
              lstm_Wih0, lstm_Whh0, lstm_bih0, lstm_bhh0, lstm_Wih1, lstm_Whh1, lstm_bih1, lstm_bhh1,
              head_W1, head_b1, head_W2, head_b2, head_W3, head_b3):
    return _forward(snapshot_sequence, edge_index, norm_scale, norm_shift, gc1_W, gc1_b, gc2_W, gc2_b, gc3_W, gc3_b,
                    lstm_Wih0, lstm_Whh0, lstm_bih0, lstm_bhh0, lstm_Wih1, lstm_Whh1, lstm_bih1, lstm_bhh1,
                    head_W1, head_b1, head_W2, head_b2, head_W3, head_b3)

if __name__ == "__main__":
    import jax
    _d = setup_inputs()
    print(jax.jit(kernel)(*tuple(_d.values())))

</pallas_src>

<mosaic_0001>
#map = affine_map<(d0, d1) -> (0)>
module attributes {stable_mosaic.version = 14 : i64} {
  func.func @k(%arg0: i32, %arg1: i32, %arg2: memref<16000xi32, #tpu.memory_space<hbm>>, %arg3: memref<16000xi32, #tpu.memory_space<hbm>>, %arg4: memref<62512xf32, #tpu.memory_space<hbm>>, %arg5: memref<4000768xf32, #tpu.memory_space<hbm>>, %arg6: memref<62512xf32, #tpu.memory_space<vmem>>, %arg7: memref<2000xf32, #tpu.memory_space<vmem>>, %arg8: memref<2000xi32, #tpu.memory_space<vmem>>, %arg9: memref<2000xi32, #tpu.memory_space<vmem>>, %arg10: memref<2000xi32, #tpu.memory_space<vmem>>, %arg11: memref<2000xi32, #tpu.memory_space<vmem>>, %arg12: memref<!tpu.dma_semaphore, #tpu.memory_space<semaphore_mem>>, %arg13: memref<!tpu.dma_semaphore, #tpu.memory_space<semaphore_mem>>) attributes {dimension_semantics = [#tpu.dimension_semantics<core_parallel>, #tpu.dimension_semantics<subcore_parallel>], iteration_bounds = array<i64: 2, 16>, scalar_prefetch = 0 : i64, scratch_operands = 8 : i64, tpu.core_type = #tpu.core_type<sc_vector_subcore>, window_params = [{transform_indices = #map}, {transform_indices = #map}, {transform_indices = #map}, {transform_indices = #map}]} {
    %mul3A = arith.constant 2 : i32
    %mul3A_0 = arith.muli %arg1, %mul3A : i32
    %add3A = arith.addi %mul3A_0, %arg0 : i32
    %broadcast_in_dim3A = arith.constant 1.000000e+00 : f32
    %broadcast_in_dim3A_1 = vector.broadcast %broadcast_in_dim3A : f32 to vector<16xf32>
    %dma_start3A = arith.constant 0 : i32
    %dma_start3A_2 = tpu.memref_slice %arg4[%dma_start3A] : memref<62512xf32, #tpu.memory_space<hbm>> -> memref<62512xf32, #tpu.memory_space<hbm>>
    %dma_start3A_3 = arith.constant 0 : i32
    %dma_start3A_4 = tpu.memref_slice %arg4[%dma_start3A_3] : memref<62512xf32, #tpu.memory_space<hbm>> -> memref<62512xf32, #tpu.memory_space<hbm>>
    tpu.enqueue_dma source(%dma_start3A_4 : memref<62512xf32, #tpu.memory_space<hbm>>) target(%arg6 : memref<62512xf32, #tpu.memory_space<vmem>>) target_semaphore(%arg13 : memref<!tpu.dma_semaphore, #tpu.memory_space<semaphore_mem>>)
    %scan3A = arith.constant 0 : i32
    %scan3A_5 = arith.constant 0 : i32
    %scan3A_6 = arith.constant 125 : i32
    %scan3A_7 = arith.addi %scan3A_5, %scan3A_6 : i32
    %scan3A_8 = arith.constant 1 : i32
    %scan3A_9 = scf.for %scan3A_547 = %scan3A_5 to %scan3A_7 step %scan3A_8 iter_args(%scan3A_548 = %scan3A) -> (i32)  : i32 {
      %broadcast_in_dim3A_549 = arith.constant 0.000000e+00 : f32
      %broadcast_in_dim3A_550 = vector.broadcast %broadcast_in_dim3A_549 : f32 to vector<16xf32>
      %mul3A_551 = arith.constant 16 : i32
      %mul3A_552 = arith.muli %scan3A_547, %mul3A_551 : i32
      %swap3A = arith.index_cast %mul3A_552 : i32 to index
      %swap3A_553 = tpu.vector_load %arg7[%swap3A] {strides = array<i32>} : memref<2000xf32, #tpu.memory_space<vmem>>, vector<16xf32>,
      tpu.vector_store %arg7[%swap3A], %broadcast_in_dim3A_550 {strides = array<i32>} : memref<2000xf32, #tpu.memory_space<vmem>>, vector<16xf32>,
      %scan3A_554 = arith.constant 0 : i32
      scf.yield %scan3A_554 : i32
    }
    %scan3A_10 = arith.constant 125 : i32
    %dma_start3A_11 = arith.constant 0 : i32
    %dma_start3A_12 = tpu.memref_slice %arg3[%dma_start3A_11] : memref<16000xi32, #tpu.memory_space<hbm>> -> memref<2000xi32, #tpu.memory_space<hbm>>
    %dma_start3A_13 = arith.constant 0 : i32
    %dma_start3A_14 = tpu.memref_slice %arg3[%dma_start3A_13] : memref<16000xi32, #tpu.memory_space<hbm>> -> memref<2000xi32, #tpu.memory_space<hbm>>
    tpu.enqueue_dma source(%dma_start3A_14 : memref<2000xi32, #tpu.memory_space<hbm>>) target(%arg10 : memref<2000xi32, #tpu.memory_space<vmem>>) target_semaphore(%arg12 : memref<!tpu.dma_semaphore, #tpu.memory_space<semaphore_mem>>)
    %dma_start3A_15 = arith.constant 2000 : i32
    %dma_start3A_16 = tpu.memref_slice %arg3[%dma_start3A_15] : memref<16000xi32, #tpu.memory_space<hbm>> -> memref<2000xi32, #tpu.memory_space<hbm>>
    %dma_start3A_17 = arith.constant 2000 : i32
    %dma_start3A_18 = tpu.memref_slice %arg3[%dma_start3A_17] : memref<16000xi32, #tpu.memory_space<hbm>> -> memref<2000xi32, #tpu.memory_space<hbm>>
    tpu.enqueue_dma source(%dma_start3A_18 : memref<2000xi32, #tpu.memory_space<hbm>>) target(%arg11 : memref<2000xi32, #tpu.memory_space<vmem>>) target_semaphore(%arg12 : memref<!tpu.dma_semaphore, #tpu.memory_space<semaphore_mem>>)
    %dma_wait3A = arith.constant 0 : i32
    %dma_wait3A_19 = tpu.memref_slice %arg3[%dma_wait3A] : memref<16000xi32, #tpu.memory_space<hbm>> -> memref<2000xi32, #tpu.memory_space<hbm>>
    %dma_wait3A_20 = arith.constant 0 : i32
    %dma_wait3A_21 = tpu.memref_slice %arg3[%dma_wait3A_20] : memref<16000xi32, #tpu.memory_space<hbm>> -> memref<2000xi32, #tpu.memory_space<hbm>>
    tpu.wait_dma2 semaphore(%arg12 : memref<!tpu.dma_semaphore, #tpu.memory_space<semaphore_mem>>) src(%dma_wait3A_21 : memref<2000xi32, #tpu.memory_space<hbm>>) dst(%arg10 : memref<2000xi32, #tpu.memory_space<vmem>>)
    %scan3A_22 = arith.constant 0 : i32
    %scan3A_23 = arith.constant 0 : i32
    %scan3A_24 = arith.constant 125 : i32
    %scan3A_25 = arith.addi %scan3A_23, %scan3A_24 : i32
    %scan3A_26 = arith.constant 1 : i32
    %scan3A_27 = scf.for %scan3A_547 = %scan3A_23 to %scan3A_25 step %scan3A_26 iter_args(%scan3A_548 = %scan3A_22) -> (i32)  : i32 {
      %mul3A_549 = arith.constant 16 : i32
      %mul3A_550 = arith.muli %scan3A_547, %mul3A_549 : i32
      %get3A = arith.index_cast %mul3A_550 : i32 to index
      %get3A_551 = tpu.vector_load %arg10[%get3A] {strides = array<i32>} : memref<2000xi32, #tpu.memory_space<vmem>>, vector<16xi32>,
      tpu.vector_store_idx %arg7[%get3A_551], %broadcast_in_dim3A_1 {add = true} : memref<2000xf32, #tpu.memory_space<vmem>>[vector<16xi32>], vector<16xf32>,
      %scan3A_552 = arith.constant 0 : i32
      scf.yield %scan3A_552 : i32
    }
    %scan3A_28 = arith.constant 125 : i32
    %dma_start3A_29 = arith.constant 4000 : i32
    %dma_start3A_30 = tpu.memref_slice %arg3[%dma_start3A_29] : memref<16000xi32, #tpu.memory_space<hbm>> -> memref<2000xi32, #tpu.memory_space<hbm>>
    %dma_start3A_31 = arith.constant 4000 : i32
    %dma_start3A_32 = tpu.memref_slice %arg3[%dma_start3A_31] : memref<16000xi32, #tpu.memory_space<hbm>> -> memref<2000xi32, #tpu.memory_space<hbm>>
    tpu.enqueue_dma source(%dma_start3A_32 : memref<2000xi32, #tpu.memory_space<hbm>>) target(%arg10 : memref<2000xi32, #tpu.memory_space<vmem>>) target_semaphore(%arg12 : memref<!tpu.dma_semaphore, #tpu.memory_space<semaphore_mem>>)
    %dma_wait3A_33 = arith.constant 2000 : i32
    %dma_wait3A_34 = tpu.memref_slice %arg3[%dma_wait3A_33] : memref<16000xi32, #tpu.memory_space<hbm>> -> memref<2000xi32, #tpu.memory_space<hbm>>
    %dma_wait3A_35 = arith.constant 2000 : i32
    %dma_wait3A_36 = tpu.memref_slice %arg3[%dma_wait3A_35] : memref<16000xi32, #tpu.memory_space<hbm>> -> memref<2000xi32, #tpu.memory_space<hbm>>
    tpu.wait_dma2 semaphore(%arg12 : memref<!tpu.dma_semaphore, #tpu.memory_space<semaphore_mem>>) src(%dma_wait3A_36 : memref<2000xi32, #tpu.memory_space<hbm>>) dst(%arg11 : memref<2000xi32, #tpu.memory_space<vmem>>)
    %scan3A_37 = arith.constant 0 : i32
    %scan3A_38 = arith.constant 0 : i32
    %scan3A_39 = arith.constant 125 : i32
    %scan3A_40 = arith.addi %scan3A_38, %scan3A_39 : i32
    %scan3A_41 = arith.constant 1 : i32
    %scan3A_42 = scf.for %scan3A_547 = %scan3A_38 to %scan3A_40 step %scan3A_41 iter_args(%scan3A_548 = %scan3A_37) -> (i32)  : i32 {
      %mul3A_549 = arith.constant 16 : i32
      %mul3A_550 = arith.muli %scan3A_547, %mul3A_549 : i32
      %get3A = arith.index_cast %mul3A_550 : i32 to index
      %get3A_551 = tpu.vector_load %arg11[%get3A] {strides = array<i32>} : memref<2000xi32, #tpu.memory_space<vmem>>, vector<16xi32>,
      tpu.vector_store_idx %arg7[%get3A_551], %broadcast_in_dim3A_1 {add = true} : memref<2000xf32, #tpu.memory_space<vmem>>[vector<16xi32>], vector<16xf32>,
      %scan3A_552 = arith.constant 0 : i32
      scf.yield %scan3A_552 : i32
    }
    %scan3A_43 = arith.constant 125 : i32
    %dma_start3A_44 = arith.constant 6000 : i32
    %dma_start3A_45 = tpu.memref_slice %arg3[%dma_start3A_44] : memref<16000xi32, #tpu.memory_space<hbm>> -> memref<2000xi32, #tpu.memory_space<hbm>>
    %dma_start3A_46 = arith.constant 6000 : i32
    %dma_start3A_47 = tpu.memref_slice %arg3[%dma_start3A_46] : memref<16000xi32, #tpu.memory_space<hbm>> -> memref<2000xi32, #tpu.memory_space<hbm>>
    tpu.enqueue_dma source(%dma_start3A_47 : memref<2000xi32, #tpu.memory_space<hbm>>) target(%arg11 : memref<2000xi32, #tpu.memory_space<vmem>>) target_semaphore(%arg12 : memref<!tpu.dma_semaphore, #tpu.memory_space<semaphore_mem>>)
    %dma_wait3A_48 = arith.constant 4000 : i32
    %dma_wait3A_49 = tpu.memref_slice %arg3[%dma_wait3A_48] : memref<16000xi32, #tpu.memory_space<hbm>> -> memref<2000xi32, #tpu.memory_space<hbm>>
    %dma_wait3A_50 = arith.constant 4000 : i32
    %dma_wait3A_51 = tpu.memref_slice %arg3[%dma_wait3A_50] : memref<16000xi32, #tpu.memory_space<hbm>> -> memref<2000xi32, #tpu.memory_space<hbm>>
    tpu.wait_dma2 semaphore(%arg12 : memref<!tpu.dma_semaphore, #tpu.memory_space<semaphore_mem>>) src(%dma_wait3A_51 : memref<2000xi32, #tpu.memory_space<hbm>>) dst(%arg10 : memref<2000xi32, #tpu.memory_space<vmem>>)
    %scan3A_52 = arith.constant 0 : i32
    %scan3A_53 = arith.constant 0 : i32
    %scan3A_54 = arith.constant 125 : i32
    %scan3A_55 = arith.addi %scan3A_53, %scan3A_54 : i32
    %scan3A_56 = arith.constant 1 : i32
    %scan3A_57 = scf.for %scan3A_547 = %scan3A_53 to %scan3A_55 step %scan3A_56 iter_args(%scan3A_548 = %scan3A_52) -> (i32)  : i32 {
      %mul3A_549 = arith.constant 16 : i32
      %mul3A_550 = arith.muli %scan3A_547, %mul3A_549 : i32
      %get3A = arith.index_cast %mul3A_550 : i32 to index
      %get3A_551 = tpu.vector_load %arg10[%get3A] {strides = array<i32>} : memref<2000xi32, #tpu.memory_space<vmem>>, vector<16xi32>,
      tpu.vector_store_idx %arg7[%get3A_551], %broadcast_in_dim3A_1 {add = true} : memref<2000xf32, #tpu.memory_space<vmem>>[vector<16xi32>], vector<16xf32>,
      %scan3A_552 = arith.constant 0 : i32
      scf.yield %scan3A_552 : i32
    }
    %scan3A_58 = arith.constant 125 : i32
    %dma_start3A_59 = arith.constant 8000 : i32
    %dma_start3A_60 = tpu.memref_slice %arg3[%dma_start3A_59] : memref<16000xi32, #tpu.memory_space<hbm>> -> memref<2000xi32, #tpu.memory_space<hbm>>
    %dma_start3A_61 = arith.constant 8000 : i32
    %dma_start3A_62 = tpu.memref_slice %arg3[%dma_start3A_61] : memref<16000xi32, #tpu.memory_space<hbm>> -> memref<2000xi32, #tpu.memory_space<hbm>>
    tpu.enqueue_dma source(%dma_start3A_62 : memref<2000xi32, #tpu.memory_space<hbm>>) target(%arg10 : memref<2000xi32, #tpu.memory_space<vmem>>) target_semaphore(%arg12 : memref<!tpu.dma_semaphore, #tpu.memory_space<semaphore_mem>>)
    %dma_wait3A_63 = arith.constant 6000 : i32
    %dma_wait3A_64 = tpu.memref_slice %arg3[%dma_wait3A_63] : memref<16000xi32, #tpu.memory_space<hbm>> -> memref<2000xi32, #tpu.memory_space<hbm>>
    %dma_wait3A_65 = arith.constant 6000 : i32
    %dma_wait3A_66 = tpu.memref_slice %arg3[%dma_wait3A_65] : memref<16000xi32, #tpu.memory_space<hbm>> -> memref<2000xi32, #tpu.memory_space<hbm>>
    tpu.wait_dma2 semaphore(%arg12 : memref<!tpu.dma_semaphore, #tpu.memory_space<semaphore_mem>>) src(%dma_wait3A_66 : memref<2000xi32, #tpu.memory_space<hbm>>) dst(%arg11 : memref<2000xi32, #tpu.memory_space<vmem>>)
    %scan3A_67 = arith.constant 0 : i32
    %scan3A_68 = arith.constant 0 : i32
    %scan3A_69 = arith.constant 125 : i32
    %scan3A_70 = arith.addi %scan3A_68, %scan3A_69 : i32
    %scan3A_71 = arith.constant 1 : i32
    %scan3A_72 = scf.for %scan3A_547 = %scan3A_68 to %scan3A_70 step %scan3A_71 iter_args(%scan3A_548 = %scan3A_67) -> (i32)  : i32 {
      %mul3A_549 = arith.constant 16 : i32
      %mul3A_550 = arith.muli %scan3A_547, %mul3A_549 : i32
      %get3A = arith.index_cast %mul3A_550 : i32 to index
      %get3A_551 = tpu.vector_load %arg11[%get3A] {strides = array<i32>} : memref<2000xi32, #tpu.memory_space<vmem>>, vector<16xi32>,
      tpu.vector_store_idx %arg7[%get3A_551], %broadcast_in_dim3A_1 {add = true} : memref<2000xf32, #tpu.memory_space<vmem>>[vector<16xi32>], vector<16xf32>,
      %scan3A_552 = arith.constant 0 : i32
      scf.yield %scan3A_552 : i32
    }
    %scan3A_73 = arith.constant 125 : i32
    %dma_start3A_74 = arith.constant 10000 : i32
    %dma_start3A_75 = tpu.memref_slice %arg3[%dma_start3A_74] : memref<16000xi32, #tpu.memory_space<hbm>> -> memref<2000xi32, #tpu.memory_space<hbm>>
    %dma_start3A_76 = arith.constant 10000 : i32
    %dma_start3A_77 = tpu.memref_slice %arg3[%dma_start3A_76] : memref<16000xi32, #tpu.memory_space<hbm>> -> memref<2000xi32, #tpu.memory_space<hbm>>
    tpu.enqueue_dma source(%dma_start3A_77 : memref<2000xi32, #tpu.memory_space<hbm>>) target(%arg11 : memref<2000xi32, #tpu.memory_space<vmem>>) target_semaphore(%arg12 : memref<!tpu.dma_semaphore, #tpu.memory_space<semaphore_mem>>)
    %dma_wait3A_78 = arith.constant 8000 : i32
    %dma_wait3A_79 = tpu.memref_slice %arg3[%dma_wait3A_78] : memref<16000xi32, #tpu.memory_space<hbm>> -> memref<2000xi32, #tpu.memory_space<hbm>>
    %dma_wait3A_80 = arith.constant 8000 : i32
    %dma_wait3A_81 = tpu.memref_slice %arg3[%dma_wait3A_80] : memref<16000xi32, #tpu.memory_space<hbm>> -> memref<2000xi32, #tpu.memory_space<hbm>>
    tpu.wait_dma2 semaphore(%arg12 : memref<!tpu.dma_semaphore, #tpu.memory_space<semaphore_mem>>) src(%dma_wait3A_81 : memref<2000xi32, #tpu.memory_space<hbm>>) dst(%arg10 : memref<2000xi32, #tpu.memory_space<vmem>>)
    %scan3A_82 = arith.constant 0 : i32
    %scan3A_83 = arith.constant 0 : i32
    %scan3A_84 = arith.constant 125 : i32
    %scan3A_85 = arith.addi %scan3A_83, %scan3A_84 : i32
    %scan3A_86 = arith.constant 1 : i32
    %scan3A_87 = scf.for %scan3A_547 = %scan3A_83 to %scan3A_85 step %scan3A_86 iter_args(%scan3A_548 = %scan3A_82) -> (i32)  : i32 {
      %mul3A_549 = arith.constant 16 : i32
      %mul3A_550 = arith.muli %scan3A_547, %mul3A_549 : i32
      %get3A = arith.index_cast %mul3A_550 : i32 to index
      %get3A_551 = tpu.vector_load %arg10[%get3A] {strides = array<i32>} : memref<2000xi32, #tpu.memory_space<vmem>>, vector<16xi32>,
      tpu.vector_store_idx %arg7[%get3A_551], %broadcast_in_dim3A_1 {add = true} : memref<2000xf32, #tpu.memory_space<vmem>>[vector<16xi32>], vector<16xf32>,
      %scan3A_552 = arith.constant 0 : i32
      scf.yield %scan3A_552 : i32
    }
    %scan3A_88 = arith.constant 125 : i32
    %dma_start3A_89 = arith.constant 12000 : i32
    %dma_start3A_90 = tpu.memref_slice %arg3[%dma_start3A_89] : memref<16000xi32, #tpu.memory_space<hbm>> -> memref<2000xi32, #tpu.memory_space<hbm>>
    %dma_start3A_91 = arith.constant 12000 : i32
    %dma_start3A_92 = tpu.memref_slice %arg3[%dma_start3A_91] : memref<16000xi32, #tpu.memory_space<hbm>> -> memref<2000xi32, #tpu.memory_space<hbm>>
    tpu.enqueue_dma source(%dma_start3A_92 : memref<2000xi32, #tpu.memory_space<hbm>>) target(%arg10 : memref<2000xi32, #tpu.memory_space<vmem>>) target_semaphore(%arg12 : memref<!tpu.dma_semaphore, #tpu.memory_space<semaphore_mem>>)
    %dma_wait3A_93 = arith.constant 10000 : i32
    %dma_wait3A_94 = tpu.memref_slice %arg3[%dma_wait3A_93] : memref<16000xi32, #tpu.memory_space<hbm>> -> memref<2000xi32, #tpu.memory_space<hbm>>
    %dma_wait3A_95 = arith.constant 10000 : i32
    %dma_wait3A_96 = tpu.memref_slice %arg3[%dma_wait3A_95] : memref<16000xi32, #tpu.memory_space<hbm>> -> memref<2000xi32, #tpu.memory_space<hbm>>
    tpu.wait_dma2 semaphore(%arg12 : memref<!tpu.dma_semaphore, #tpu.memory_space<semaphore_mem>>) src(%dma_wait3A_96 : memref<2000xi32, #tpu.memory_space<hbm>>) dst(%arg11 : memref<2000xi32, #tpu.memory_space<vmem>>)
    %scan3A_97 = arith.constant 0 : i32
    %scan3A_98 = arith.constant 0 : i32
    %scan3A_99 = arith.constant 125 : i32
    %scan3A_100 = arith.addi %scan3A_98, %scan3A_99 : i32
    %scan3A_101 = arith.constant 1 : i32
    %scan3A_102 = scf.for %scan3A_547 = %scan3A_98 to %scan3A_100 step %scan3A_101 iter_args(%scan3A_548 = %scan3A_97) -> (i32)  : i32 {
      %mul3A_549 = arith.constant 16 : i32
      %mul3A_550 = arith.muli %scan3A_547, %mul3A_549 : i32
      %get3A = arith.index_cast %mul3A_550 : i32 to index
      %get3A_551 = tpu.vector_load %arg11[%get3A] {strides = array<i32>} : memref<2000xi32, #tpu.memory_space<vmem>>, vector<16xi32>,
      tpu.vector_store_idx %arg7[%get3A_551], %broadcast_in_dim3A_1 {add = true} : memref<2000xf32, #tpu.memory_space<vmem>>[vector<16xi32>], vector<16xf32>,
      %scan3A_552 = arith.constant 0 : i32
      scf.yield %scan3A_552 : i32
    }
    %scan3A_103 = arith.constant 125 : i32
    %dma_start3A_104 = arith.constant 14000 : i32
    %dma_start3A_105 = tpu.memref_slice %arg3[%dma_start3A_104] : memref<16000xi32, #tpu.memory_space<hbm>> -> memref<2000xi32, #tpu.memory_space<hbm>>
    %dma_start3A_106 = arith.constant 14000 : i32
    %dma_start3A_107 = tpu.memref_slice %arg3[%dma_start3A_106] : memref<16000xi32, #tpu.memory_space<hbm>> -> memref<2000xi32, #tpu.memory_space<hbm>>
    tpu.enqueue_dma source(%dma_start3A_107 : memref<2000xi32, #tpu.memory_space<hbm>>) target(%arg11 : memref<2000xi32, #tpu.memory_space<vmem>>) target_semaphore(%arg12 : memref<!tpu.dma_semaphore, #tpu.memory_space<semaphore_mem>>)
    %dma_wait3A_108 = arith.constant 12000 : i32
    %dma_wait3A_109 = tpu.memref_slice %arg3[%dma_wait3A_108] : memref<16000xi32, #tpu.memory_space<hbm>> -> memref<2000xi32, #tpu.memory_space<hbm>>
    %dma_wait3A_110 = arith.constant 12000 : i32
    %dma_wait3A_111 = tpu.memref_slice %arg3[%dma_wait3A_110] : memref<16000xi32, #tpu.memory_space<hbm>> -> memref<2000xi32, #tpu.memory_space<hbm>>
    tpu.wait_dma2 semaphore(%arg12 : memref<!tpu.dma_semaphore, #tpu.memory_space<semaphore_mem>>) src(%dma_wait3A_111 : memref<2000xi32, #tpu.memory_space<hbm>>) dst(%arg10 : memref<2000xi32, #tpu.memory_space<vmem>>)
    %scan3A_112 = arith.constant 0 : i32
    %scan3A_113 = arith.constant 0 : i32
    %scan3A_114 = arith.constant 125 : i32
    %scan3A_115 = arith.addi %scan3A_113, %scan3A_114 : i32
    %scan3A_116 = arith.constant 1 : i32
    %scan3A_117 = scf.for %scan3A_547 = %scan3A_113 to %scan3A_115 step %scan3A_116 iter_args(%scan3A_548 = %scan3A_112) -> (i32)  : i32 {
      %mul3A_549 = arith.constant 16 : i32
      %mul3A_550 = arith.muli %scan3A_547, %mul3A_549 : i32
      %get3A = arith.index_cast %mul3A_550 : i32 to index
      %get3A_551 = tpu.vector_load %arg10[%get3A] {strides = array<i32>} : memref<2000xi32, #tpu.memory_space<vmem>>, vector<16xi32>,
      tpu.vector_store_idx %arg7[%get3A_551], %broadcast_in_dim3A_1 {add = true} : memref<2000xf32, #tpu.memory_space<vmem>>[vector<16xi32>], vector<16xf32>,
      %scan3A_552 = arith.constant 0 : i32
      scf.yield %scan3A_552 : i32
    }
    %scan3A_118 = arith.constant 125 : i32
    %dma_wait3A_119 = arith.constant 14000 : i32
    %dma_wait3A_120 = tpu.memref_slice %arg3[%dma_wait3A_119] : memref<16000xi32, #tpu.memory_space<hbm>> -> memref<2000xi32, #tpu.memory_space<hbm>>
    %dma_wait3A_121 = arith.constant 14000 : i32
    %dma_wait3A_122 = tpu.memref_slice %arg3[%dma_wait3A_121] : memref<16000xi32, #tpu.memory_space<hbm>> -> memref<2000xi32, #tpu.memory_space<hbm>>
    tpu.wait_dma2 semaphore(%arg12 : memref<!tpu.dma_semaphore, #tpu.memory_space<semaphore_mem>>) src(%dma_wait3A_122 : memref<2000xi32, #tpu.memory_space<hbm>>) dst(%arg11 : memref<2000xi32, #tpu.memory_space<vmem>>)
    %scan3A_123 = arith.constant 0 : i32
    %scan3A_124 = arith.constant 0 : i32
    %scan3A_125 = arith.constant 125 : i32
    %scan3A_126 = arith.addi %scan3A_124, %scan3A_125 : i32
    %scan3A_127 = arith.constant 1 : i32
    %scan3A_128 = scf.for %scan3A_547 = %scan3A_124 to %scan3A_126 step %scan3A_127 iter_args(%scan3A_548 = %scan3A_123) -> (i32)  : i32 {
      %mul3A_549 = arith.constant 16 : i32
      %mul3A_550 = arith.muli %scan3A_547, %mul3A_549 : i32
      %get3A = arith.index_cast %mul3A_550 : i32 to index
      %get3A_551 = tpu.vector_load %arg11[%get3A] {strides = array<i32>} : memref<2000xi32, #tpu.memory_space<vmem>>, vector<16xi32>,
      tpu.vector_store_idx %arg7[%get3A_551], %broadcast_in_dim3A_1 {add = true} : memref<2000xf32, #tpu.memory_space<vmem>>[vector<16xi32>], vector<16xf32>,
      %scan3A_552 = arith.constant 0 : i32
      scf.yield %scan3A_552 : i32
    }
    %scan3A_129 = arith.constant 125 : i32
    %scan3A_130 = arith.constant 0 : i32
    %scan3A_131 = arith.constant 0 : i32
    %scan3A_132 = arith.constant 125 : i32
    %scan3A_133 = arith.addi %scan3A_131, %scan3A_132 : i32
    %scan3A_134 = arith.constant 1 : i32
    %scan3A_135 = scf.for %scan3A_547 = %scan3A_131 to %scan3A_133 step %scan3A_134 iter_args(%scan3A_548 = %scan3A_130) -> (i32)  : i32 {
      %mul3A_549 = arith.constant 16 : i32
      %mul3A_550 = arith.muli %scan3A_547, %mul3A_549 : i32
      %get3A = arith.index_cast %mul3A_550 : i32 to index
      %get3A_551 = tpu.vector_load %arg7[%get3A] {strides = array<i32>} : memref<2000xf32, #tpu.memory_space<vmem>>, vector<16xf32>,
      %add3A_552 = arith.constant 1.000000e+00 : f32
      %add3A_553 = vector.broadcast %add3A_552 : f32 to vector<16xf32>
      %add3A_554 = arith.addf %get3A_551, %add3A_553 : vector<16xf32>
      %bitcast3A = vector.bitcast %add3A_554 : vector<16xf32> to vector<16xi32>
      %shift_right_logical3A = arith.constant 1 : i32
      %shift_right_logical3A_555 = vector.broadcast %shift_right_logical3A : i32 to vector<16xi32>
      %shift_right_logical3A_556 = arith.shrui %bitcast3A, %shift_right_logical3A_555 : vector<16xi32>
      %sub3A = arith.constant 1597463007 : i32
      %sub3A_557 = vector.broadcast %sub3A : i32 to vector<16xi32>
      %sub3A_558 = arith.subi %sub3A_557, %shift_right_logical3A_556 : vector<16xi32>
      %bitcast3A_559 = vector.bitcast %sub3A_558 : vector<16xi32> to vector<16xf32>
      %mul3A_560 = arith.constant 5.000000e-01 : f32
      %mul3A_561 = vector.broadcast %mul3A_560 : f32 to vector<16xf32>
      %mul3A_562 = arith.mulf %mul3A_561, %add3A_554 : vector<16xf32>
      %mul3A_563 = arith.mulf %bitcast3A_559, %bitcast3A_559 : vector<16xf32>
      %mul3A_564 = arith.mulf %mul3A_562, %mul3A_563 : vector<16xf32>
      %sub3A_565 = arith.constant 1.500000e+00 : f32
      %sub3A_566 = vector.broadcast %sub3A_565 : f32 to vector<16xf32>
      %sub3A_567 = arith.subf %sub3A_566, %mul3A_564 : vector<16xf32>
      %mul3A_568 = arith.mulf %bitcast3A_559, %sub3A_567 : vector<16xf32>
      %mul3A_569 = arith.constant 5.000000e-01 : f32
      %mul3A_570 = vector.broadcast %mul3A_569 : f32 to vector<16xf32>
      %mul3A_571 = arith.mulf %mul3A_570, %add3A_554 : vector<16xf32>
      %mul3A_572 = arith.mulf %mul3A_568, %mul3A_568 : vector<16xf32>
      %mul3A_573 = arith.mulf %mul3A_571, %mul3A_572 : vector<16xf32>
      %sub3A_574 = arith.constant 1.500000e+00 : f32
      %sub3A_575 = vector.broadcast %sub3A_574 : f32 to vector<16xf32>
      %sub3A_576 = arith.subf %sub3A_575, %mul3A_573 : vector<16xf32>
      %mul3A_577 = arith.mulf %mul3A_568, %sub3A_576 : vector<16xf32>
      %mul3A_578 = arith.constant 5.000000e-01 : f32
      %mul3A_579 = vector.broadcast %mul3A_578 : f32 to vector<16xf32>
      %mul3A_580 = arith.mulf %mul3A_579, %add3A_554 : vector<16xf32>
      %mul3A_581 = arith.mulf %mul3A_577, %mul3A_577 : vector<16xf32>
      %mul3A_582 = arith.mulf %mul3A_580, %mul3A_581 : vector<16xf32>
      %sub3A_583 = arith.constant 1.500000e+00 : f32
      %sub3A_584 = vector.broadcast %sub3A_583 : f32 to vector<16xf32>
      %sub3A_585 = arith.subf %sub3A_584, %mul3A_582 : vector<16xf32>
      %mul3A_586 = arith.mulf %mul3A_577, %sub3A_585 : vector<16xf32>
      %mul3A_587 = arith.constant 5.000000e-01 : f32
      %mul3A_588 = vector.broadcast %mul3A_587 : f32 to vector<16xf32>
      %mul3A_589 = arith.mulf %mul3A_588, %add3A_554 : vector<16xf32>
      %mul3A_590 = arith.mulf %mul3A_586, %mul3A_586 : vector<16xf32>
      %mul3A_591 = arith.mulf %mul3A_589, %mul3A_590 : vector<16xf32>
      %sub3A_592 = arith.constant 1.500000e+00 : f32
      %sub3A_593 = vector.broadcast %sub3A_592 : f32 to vector<16xf32>
      %sub3A_594 = arith.subf %sub3A_593, %mul3A_591 : vector<16xf32>
      %mul3A_595 = arith.mulf %mul3A_586, %sub3A_594 : vector<16xf32>
      %swap3A = arith.index_cast %mul3A_550 : i32 to index
      %swap3A_596 = tpu.vector_load %arg7[%swap3A] {strides = array<i32>} : memref<2000xf32, #tpu.memory_space<vmem>>, vector<16xf32>,
      tpu.vector_store %arg7[%swap3A], %mul3A_595 {strides = array<i32>} : memref<2000xf32, #tpu.memory_space<vmem>>, vector<16xf32>,
      %scan3A_597 = arith.constant 0 : i32
      scf.yield %scan3A_597 : i32
    }
    %scan3A_136 = arith.constant 125 : i32
    %add3A_137 = arith.constant 0 : i32
    %add3A_138 = arith.addi %add3A, %add3A_137 : i32
    %mul3A_139 = arith.constant 62512 : i32
    %mul3A_140 = arith.muli %add3A_138, %mul3A_139 : i32
    %dma_wait3A_141 = arith.constant 0 : i32
    %dma_wait3A_142 = tpu.memref_slice %arg4[%dma_wait3A_141] : memref<62512xf32, #tpu.memory_space<hbm>> -> memref<62512xf32, #tpu.memory_space<hbm>>
    %dma_wait3A_143 = arith.constant 0 : i32
    %dma_wait3A_144 = tpu.memref_slice %arg4[%dma_wait3A_143] : memref<62512xf32, #tpu.memory_space<hbm>> -> memref<62512xf32, #tpu.memory_space<hbm>>
    tpu.wait_dma2 semaphore(%arg13 : memref<!tpu.dma_semaphore, #tpu.memory_space<semaphore_mem>>) src(%dma_wait3A_144 : memref<62512xf32, #tpu.memory_space<hbm>>) dst(%arg6 : memref<62512xf32, #tpu.memory_space<vmem>>)
    %dma_start3A_145 = arith.constant 0 : i32
    %dma_start3A_146 = tpu.memref_slice %arg2[%dma_start3A_145] : memref<16000xi32, #tpu.memory_space<hbm>> -> memref<2000xi32, #tpu.memory_space<hbm>>
    %dma_start3A_147 = arith.constant 0 : i32
    %dma_start3A_148 = tpu.memref_slice %arg2[%dma_start3A_147] : memref<16000xi32, #tpu.memory_space<hbm>> -> memref<2000xi32, #tpu.memory_space<hbm>>
    tpu.enqueue_dma source(%dma_start3A_148 : memref<2000xi32, #tpu.memory_space<hbm>>) target(%arg8 : memref<2000xi32, #tpu.memory_space<vmem>>) target_semaphore(%arg12 : memref<!tpu.dma_semaphore, #tpu.memory_space<semaphore_mem>>)
    %dma_start3A_149 = arith.constant 0 : i32
    %dma_start3A_150 = tpu.memref_slice %arg3[%dma_start3A_149] : memref<16000xi32, #tpu.memory_space<hbm>> -> memref<2000xi32, #tpu.memory_space<hbm>>
    %dma_start3A_151 = arith.constant 0 : i32
    %dma_start3A_152 = tpu.memref_slice %arg3[%dma_start3A_151] : memref<16000xi32, #tpu.memory_space<hbm>> -> memref<2000xi32, #tpu.memory_space<hbm>>
    tpu.enqueue_dma source(%dma_start3A_152 : memref<2000xi32, #tpu.memory_space<hbm>>) target(%arg10 : memref<2000xi32, #tpu.memory_space<vmem>>) target_semaphore(%arg12 : memref<!tpu.dma_semaphore, #tpu.memory_space<semaphore_mem>>)
    %dma_start3A_153 = arith.constant 2000 : i32
    %dma_start3A_154 = tpu.memref_slice %arg2[%dma_start3A_153] : memref<16000xi32, #tpu.memory_space<hbm>> -> memref<2000xi32, #tpu.memory_space<hbm>>
    %dma_start3A_155 = arith.constant 2000 : i32
    %dma_start3A_156 = tpu.memref_slice %arg2[%dma_start3A_155] : memref<16000xi32, #tpu.memory_space<hbm>> -> memref<2000xi32, #tpu.memory_space<hbm>>
    tpu.enqueue_dma source(%dma_start3A_156 : memref<2000xi32, #tpu.memory_space<hbm>>) target(%arg9 : memref<2000xi32, #tpu.memory_space<vmem>>) target_semaphore(%arg12 : memref<!tpu.dma_semaphore, #tpu.memory_space<semaphore_mem>>)
    %dma_start3A_157 = arith.constant 2000 : i32
    %dma_start3A_158 = tpu.memref_slice %arg3[%dma_start3A_157] : memref<16000xi32, #tpu.memory_space<hbm>> -> memref<2000xi32, #tpu.memory_space<hbm>>
    %dma_start3A_159 = arith.constant 2000 : i32
    %dma_start3A_160 = tpu.memref_slice %arg3[%dma_start3A_159] : memref<16000xi32, #tpu.memory_space<hbm>> -> memref<2000xi32, #tpu.memory_space<hbm>>
    tpu.enqueue_dma source(%dma_start3A_160 : memref<2000xi32, #tpu.memory_space<hbm>>) target(%arg11 : memref<2000xi32, #tpu.memory_space<vmem>>) target_semaphore(%arg12 : memref<!tpu.dma_semaphore, #tpu.memory_space<semaphore_mem>>)
    %dma_wait3A_161 = arith.constant 0 : i32
    %dma_wait3A_162 = tpu.memref_slice %arg2[%dma_wait3A_161] : memref<16000xi32, #tpu.memory_space<hbm>> -> memref<2000xi32, #tpu.memory_space<hbm>>
    %dma_wait3A_163 = arith.constant 0 : i32
    %dma_wait3A_164 = tpu.memref_slice %arg2[%dma_wait3A_163] : memref<16000xi32, #tpu.memory_space<hbm>> -> memref<2000xi32, #tpu.memory_space<hbm>>
    tpu.wait_dma2 semaphore(%arg12 : memref<!tpu.dma_semaphore, #tpu.memory_space<semaphore_mem>>) src(%dma_wait3A_164 : memref<2000xi32, #tpu.memory_space<hbm>>) dst(%arg8 : memref<2000xi32, #tpu.memory_space<vmem>>)
    %dma_wait3A_165 = arith.constant 0 : i32
    %dma_wait3A_166 = tpu.memref_slice %arg3[%dma_wait3A_165] : memref<16000xi32, #tpu.memory_space<hbm>> -> memref<2000xi32, #tpu.memory_space<hbm>>
    %dma_wait3A_167 = arith.constant 0 : i32
    %dma_wait3A_168 = tpu.memref_slice %arg3[%dma_wait3A_167] : memref<16000xi32, #tpu.memory_space<hbm>> -> memref<2000xi32, #tpu.memory_space<hbm>>
    tpu.wait_dma2 semaphore(%arg12 : memref<!tpu.dma_semaphore, #tpu.memory_space<semaphore_mem>>) src(%dma_wait3A_168 : memref<2000xi32, #tpu.memory_space<hbm>>) dst(%arg10 : memref<2000xi32, #tpu.memory_space<vmem>>)
    %scan3A_169 = arith.constant 0 : i32
    %scan3A_170 = arith.constant 0 : i32
    %scan3A_171 = arith.constant 125 : i32
    %scan3A_172 = arith.addi %scan3A_170, %scan3A_171 : i32
    %scan3A_173 = arith.constant 1 : i32
    %scan3A_174 = scf.for %scan3A_547 = %scan3A_170 to %scan3A_172 step %scan3A_173 iter_args(%scan3A_548 = %scan3A_169) -> (i32)  : i32 {
      %mul3A_549 = arith.constant 16 : i32
      %mul3A_550 = arith.muli %scan3A_547, %mul3A_549 : i32
      %get3A = arith.index_cast %mul3A_550 : i32 to index
      %get3A_551 = tpu.vector_load %arg8[%get3A] {strides = array<i32>} : memref<2000xi32, #tpu.memory_space<vmem>>, vector<16xi32>,
      %get3A_552 = arith.index_cast %mul3A_550 : i32 to index
      %get3A_553 = tpu.vector_load %arg10[%get3A_552] {strides = array<i32>} : memref<2000xi32, #tpu.memory_space<vmem>>, vector<16xi32>,
      %gather3A = tpu.vector_load_idx %arg7[%get3A_553] : memref<2000xf32, #tpu.memory_space<vmem>>[vector<16xi32>], vector<16xf32>,
      %gather3A_554 = tpu.vector_load_idx %arg7[%get3A_551] : memref<2000xf32, #tpu.memory_space<vmem>>[vector<16xi32>], vector<16xf32>,
      %mul3A_555 = arith.constant 2000 : i32
      %mul3A_556 = vector.broadcast %mul3A_555 : i32 to vector<16xi32>
      %mul3A_557 = arith.muli %get3A_553, %mul3A_556 : vector<16xi32>
      %add3A_558 = arith.addi %mul3A_557, %get3A_551 : vector<16xi32>
      %sub3A = vector.broadcast %mul3A_140 : i32 to vector<16xi32>
      %sub3A_559 = arith.subi %add3A_558, %sub3A : vector<16xi32>
      %ge3A = arith.constant 0 : i32
      %ge3A_560 = vector.broadcast %ge3A : i32 to vector<16xi32>
      %ge3A_561 = arith.cmpi sge, %sub3A_559, %ge3A_560 : vector<16xi32>
      %lt3A = arith.constant 62512 : i32
      %lt3A_562 = vector.broadcast %lt3A : i32 to vector<16xi32>
      %lt3A_563 = arith.cmpi slt, %sub3A_559, %lt3A_562 : vector<16xi32>
      %and3A = arith.andi %ge3A_561, %lt3A_563 : vector<16xi1>
      %jit3A = arith.constant 0 : i32
      %broadcast_in_dim3A_564 = vector.broadcast %jit3A : i32 to vector<16xi32>
      %select_n3A = arith.select %and3A, %sub3A_559, %broadcast_in_dim3A_564 : vector<16xi1>, vector<16xi32>
      %mul3A_565 = arith.mulf %gather3A, %gather3A_554 : vector<16xf32>
      tpu.vector_store_idx %arg6[%select_n3A], %mul3A_565 masked %and3A {add = true} : memref<62512xf32, #tpu.memory_space<vmem>>[vector<16xi32>], vector<16xf32>, vector<16xi1>
      %scan3A_566 = arith.constant 0 : i32
      scf.yield %scan3A_566 : i32
    }
    %scan3A_175 = arith.constant 125 : i32
    %dma_start3A_176 = arith.constant 4000 : i32
    %dma_start3A_177 = tpu.memref_slice %arg2[%dma_start3A_176] : memref<16000xi32, #tpu.memory_space<hbm>> -> memref<2000xi32, #tpu.memory_space<hbm>>
    %dma_start3A_178 = arith.constant 4000 : i32
    %dma_start3A_179 = tpu.memref_slice %arg2[%dma_start3A_178] : memref<16000xi32, #tpu.memory_space<hbm>> -> memref<2000xi32, #tpu.memory_space<hbm>>
    tpu.enqueue_dma source(%dma_start3A_179 : memref<2000xi32, #tpu.memory_space<hbm>>) target(%arg8 : memref<2000xi32, #tpu.memory_space<vmem>>) target_semaphore(%arg12 : memref<!tpu.dma_semaphore, #tpu.memory_space<semaphore_mem>>)
    %dma_start3A_180 = arith.constant 4000 : i32
    %dma_start3A_181 = tpu.memref_slice %arg3[%dma_start3A_180] : memref<16000xi32, #tpu.memory_space<hbm>> -> memref<2000xi32, #tpu.memory_space<hbm>>
    %dma_start3A_182 = arith.constant 4000 : i32
    %dma_start3A_183 = tpu.memref_slice %arg3[%dma_start3A_182] : memref<16000xi32, #tpu.memory_space<hbm>> -> memref<2000xi32, #tpu.memory_space<hbm>>
    tpu.enqueue_dma source(%dma_start3A_183 : memref<2000xi32, #tpu.memory_space<hbm>>) target(%arg10 : memref<2000xi32, #tpu.memory_space<vmem>>) target_semaphore(%arg12 : memref<!tpu.dma_semaphore, #tpu.memory_space<semaphore_mem>>)
    %dma_wait3A_184 = arith.constant 2000 : i32
    %dma_wait3A_185 = tpu.memref_slice %arg2[%dma_wait3A_184] : memref<16000xi32, #tpu.memory_space<hbm>> -> memref<2000xi32, #tpu.memory_space<hbm>>
    %dma_wait3A_186 = arith.constant 2000 : i32
    %dma_wait3A_187 = tpu.memref_slice %arg2[%dma_wait3A_186] : memref<16000xi32, #tpu.memory_space<hbm>> -> memref<2000xi32, #tpu.memory_space<hbm>>
    tpu.wait_dma2 semaphore(%arg12 : memref<!tpu.dma_semaphore, #tpu.memory_space<semaphore_mem>>) src(%dma_wait3A_187 : memref<2000xi32, #tpu.memory_space<hbm>>) dst(%arg9 : memref<2000xi32, #tpu.memory_space<vmem>>)
    %dma_wait3A_188 = arith.constant 2000 : i32
    %dma_wait3A_189 = tpu.memref_slice %arg3[%dma_wait3A_188] : memref<16000xi32, #tpu.memory_space<hbm>> -> memref<2000xi32, #tpu.memory_space<hbm>>
    %dma_wait3A_190 = arith.constant 2000 : i32
    %dma_wait3A_191 = tpu.memref_slice %arg3[%dma_wait3A_190] : memref<16000xi32, #tpu.memory_space<hbm>> -> memref<2000xi32, #tpu.memory_space<hbm>>
    tpu.wait_dma2 semaphore(%arg12 : memref<!tpu.dma_semaphore, #tpu.memory_space<semaphore_mem>>) src(%dma_wait3A_191 : memref<2000xi32, #tpu.memory_space<hbm>>) dst(%arg11 : memref<2000xi32, #tpu.memory_space<vmem>>)
    %scan3A_192 = arith.constant 0 : i32
    %scan3A_193 = arith.constant 0 : i32
    %scan3A_194 = arith.constant 125 : i32
    %scan3A_195 = arith.addi %scan3A_193, %scan3A_194 : i32
    %scan3A_196 = arith.constant 1 : i32
    %scan3A_197 = scf.for %scan3A_547 = %scan3A_193 to %scan3A_195 step %scan3A_196 iter_args(%scan3A_548 = %scan3A_192) -> (i32)  : i32 {
      %mul3A_549 = arith.constant 16 : i32
      %mul3A_550 = arith.muli %scan3A_547, %mul3A_549 : i32
      %get3A = arith.index_cast %mul3A_550 : i32 to index
      %get3A_551 = tpu.vector_load %arg9[%get3A] {strides = array<i32>} : memref<2000xi32, #tpu.memory_space<vmem>>, vector<16xi32>,
      %get3A_552 = arith.index_cast %mul3A_550 : i32 to index
      %get3A_553 = tpu.vector_load %arg11[%get3A_552] {strides = array<i32>} : memref<2000xi32, #tpu.memory_space<vmem>>, vector<16xi32>,
      %gather3A = tpu.vector_load_idx %arg7[%get3A_553] : memref<2000xf32, #tpu.memory_space<vmem>>[vector<16xi32>], vector<16xf32>,
      %gather3A_554 = tpu.vector_load_idx %arg7[%get3A_551] : memref<2000xf32, #tpu.memory_space<vmem>>[vector<16xi32>], vector<16xf32>,
      %mul3A_555 = arith.constant 2000 : i32
      %mul3A_556 = vector.broadcast %mul3A_555 : i32 to vector<16xi32>
      %mul3A_557 = arith.muli %get3A_553, %mul3A_556 : vector<16xi32>
      %add3A_558 = arith.addi %mul3A_557, %get3A_551 : vector<16xi32>
      %sub3A = vector.broadcast %mul3A_140 : i32 to vector<16xi32>
      %sub3A_559 = arith.subi %add3A_558, %sub3A : vector<16xi32>
      %ge3A = arith.constant 0 : i32
      %ge3A_560 = vector.broadcast %ge3A : i32 to vector<16xi32>
      %ge3A_561 = arith.cmpi sge, %sub3A_559, %ge3A_560 : vector<16xi32>
      %lt3A = arith.constant 62512 : i32
      %lt3A_562 = vector.broadcast %lt3A : i32 to vector<16xi32>
      %lt3A_563 = arith.cmpi slt, %sub3A_559, %lt3A_562 : vector<16xi32>
      %and3A = arith.andi %ge3A_561, %lt3A_563 : vector<16xi1>
      %jit3A = arith.constant 0 : i32
      %broadcast_in_dim3A_564 = vector.broadcast %jit3A : i32 to vector<16xi32>
      %select_n3A = arith.select %and3A, %sub3A_559, %broadcast_in_dim3A_564 : vector<16xi1>, vector<16xi32>
      %mul3A_565 = arith.mulf %gather3A, %gather3A_554 : vector<16xf32>
      tpu.vector_store_idx %arg6[%select_n3A], %mul3A_565 masked %and3A {add = true} : memref<62512xf32, #tpu.memory_space<vmem>>[vector<16xi32>], vector<16xf32>, vector<16xi1>
      %scan3A_566 = arith.constant 0 : i32
      scf.yield %scan3A_566 : i32
    }
    %scan3A_198 = arith.constant 125 : i32
    %dma_start3A_199 = arith.constant 6000 : i32
    %dma_start3A_200 = tpu.memref_slice %arg2[%dma_start3A_199] : memref<16000xi32, #tpu.memory_space<hbm>> -> memref<2000xi32, #tpu.memory_space<hbm>>
    %dma_start3A_201 = arith.constant 6000 : i32
    %dma_start3A_202 = tpu.memref_slice %arg2[%dma_start3A_201] : memref<16000xi32, #tpu.memory_space<hbm>> -> memref<2000xi32, #tpu.memory_space<hbm>>
    tpu.enqueue_dma source(%dma_start3A_202 : memref<2000xi32, #tpu.memory_space<hbm>>) target(%arg9 : memref<2000xi32, #tpu.memory_space<vmem>>) target_semaphore(%arg12 : memref<!tpu.dma_semaphore, #tpu.memory_space<semaphore_mem>>)
    %dma_start3A_203 = arith.constant 6000 : i32
    %dma_start3A_204 = tpu.memref_slice %arg3[%dma_start3A_203] : memref<16000xi32, #tpu.memory_space<hbm>> -> memref<2000xi32, #tpu.memory_space<hbm>>
    %dma_start3A_205 = arith.constant 6000 : i32
    %dma_start3A_206 = tpu.memref_slice %arg3[%dma_start3A_205] : memref<16000xi32, #tpu.memory_space<hbm>> -> memref<2000xi32, #tpu.memory_space<hbm>>
    tpu.enqueue_dma source(%dma_start3A_206 : memref<2000xi32, #tpu.memory_space<hbm>>) target(%arg11 : memref<2000xi32, #tpu.memory_space<vmem>>) target_semaphore(%arg12 : memref<!tpu.dma_semaphore, #tpu.memory_space<semaphore_mem>>)
    %dma_wait3A_207 = arith.constant 4000 : i32
    %dma_wait3A_208 = tpu.memref_slice %arg2[%dma_wait3A_207] : memref<16000xi32, #tpu.memory_space<hbm>> -> memref<2000xi32, #tpu.memory_space<hbm>>
    %dma_wait3A_209 = arith.constant 4000 : i32
    %dma_wait3A_210 = tpu.memref_slice %arg2[%dma_wait3A_209] : memref<16000xi32, #tpu.memory_space<hbm>> -> memref<2000xi32, #tpu.memory_space<hbm>>
    tpu.wait_dma2 semaphore(%arg12 : memref<!tpu.dma_semaphore, #tpu.memory_space<semaphore_mem>>) src(%dma_wait3A_210 : memref<2000xi32, #tpu.memory_space<hbm>>) dst(%arg8 : memref<2000xi32, #tpu.memory_space<vmem>>)
    %dma_wait3A_211 = arith.constant 4000 : i32
    %dma_wait3A_212 = tpu.memref_slice %arg3[%dma_wait3A_211] : memref<16000xi32, #tpu.memory_space<hbm>> -> memref<2000xi32, #tpu.memory_space<hbm>>
    %dma_wait3A_213 = arith.constant 4000 : i32
    %dma_wait3A_214 = tpu.memref_slice %arg3[%dma_wait3A_213] : memref<16000xi32, #tpu.memory_space<hbm>> -> memref<2000xi32, #tpu.memory_space<hbm>>
    tpu.wait_dma2 semaphore(%arg12 : memref<!tpu.dma_semaphore, #tpu.memory_space<semaphore_mem>>) src(%dma_wait3A_214 : memref<2000xi32, #tpu.memory_space<hbm>>) dst(%arg10 : memref<2000xi32, #tpu.memory_space<vmem>>)
    %scan3A_215 = arith.constant 0 : i32
    %scan3A_216 = arith.constant 0 : i32
    %scan3A_217 = arith.constant 125 : i32
    %scan3A_218 = arith.addi %scan3A_216, %scan3A_217 : i32
    %scan3A_219 = arith.constant 1 : i32
    %scan3A_220 = scf.for %scan3A_547 = %scan3A_216 to %scan3A_218 step %scan3A_219 iter_args(%scan3A_548 = %scan3A_215) -> (i32)  : i32 {
      %mul3A_549 = arith.constant 16 : i32
      %mul3A_550 = arith.muli %scan3A_547, %mul3A_549 : i32
      %get3A = arith.index_cast %mul3A_550 : i32 to index
      %get3A_551 = tpu.vector_load %arg8[%get3A] {strides = array<i32>} : memref<2000xi32, #tpu.memory_space<vmem>>, vector<16xi32>,
      %get3A_552 = arith.index_cast %mul3A_550 : i32 to index
      %get3A_553 = tpu.vector_load %arg10[%get3A_552] {strides = array<i32>} : memref<2000xi32, #tpu.memory_space<vmem>>, vector<16xi32>,
      %gather3A = tpu.vector_load_idx %arg7[%get3A_553] : memref<2000xf32, #tpu.memory_space<vmem>>[vector<16xi32>], vector<16xf32>,
      %gather3A_554 = tpu.vector_load_idx %arg7[%get3A_551] : memref<2000xf32, #tpu.memory_space<vmem>>[vector<16xi32>], vector<16xf32>,
      %mul3A_555 = arith.constant 2000 : i32
      %mul3A_556 = vector.broadcast %mul3A_555 : i32 to vector<16xi32>
      %mul3A_557 = arith.muli %get3A_553, %mul3A_556 : vector<16xi32>
      %add3A_558 = arith.addi %mul3A_557, %get3A_551 : vector<16xi32>
      %sub3A = vector.broadcast %mul3A_140 : i32 to vector<16xi32>
      %sub3A_559 = arith.subi %add3A_558, %sub3A : vector<16xi32>
      %ge3A = arith.constant 0 : i32
      %ge3A_560 = vector.broadcast %ge3A : i32 to vector<16xi32>
      %ge3A_561 = arith.cmpi sge, %sub3A_559, %ge3A_560 : vector<16xi32>
      %lt3A = arith.constant 62512 : i32
      %lt3A_562 = vector.broadcast %lt3A : i32 to vector<16xi32>
      %lt3A_563 = arith.cmpi slt, %sub3A_559, %lt3A_562 : vector<16xi32>
      %and3A = arith.andi %ge3A_561, %lt3A_563 : vector<16xi1>
      %jit3A = arith.constant 0 : i32
      %broadcast_in_dim3A_564 = vector.broadcast %jit3A : i32 to vector<16xi32>
      %select_n3A = arith.select %and3A, %sub3A_559, %broadcast_in_dim3A_564 : vector<16xi1>, vector<16xi32>
      %mul3A_565 = arith.mulf %gather3A, %gather3A_554 : vector<16xf32>
      tpu.vector_store_idx %arg6[%select_n3A], %mul3A_565 masked %and3A {add = true} : memref<62512xf32, #tpu.memory_space<vmem>>[vector<16xi32>], vector<16xf32>, vector<16xi1>
      %scan3A_566 = arith.constant 0 : i32
      scf.yield %scan3A_566 : i32
    }
    %scan3A_221 = arith.constant 125 : i32
    %dma_start3A_222 = arith.constant 8000 : i32
    %dma_start3A_223 = tpu.memref_slice %arg2[%dma_start3A_222] : memref<16000xi32, #tpu.memory_space<hbm>> -> memref<2000xi32, #tpu.memory_space<hbm>>
    %dma_start3A_224 = arith.constant 8000 : i32
    %dma_start3A_225 = tpu.memref_slice %arg2[%dma_start3A_224] : memref<16000xi32, #tpu.memory_space<hbm>> -> memref<2000xi32, #tpu.memory_space<hbm>>
    tpu.enqueue_dma source(%dma_start3A_225 : memref<2000xi32, #tpu.memory_space<hbm>>) target(%arg8 : memref<2000xi32, #tpu.memory_space<vmem>>) target_semaphore(%arg12 : memref<!tpu.dma_semaphore, #tpu.memory_space<semaphore_mem>>)
    %dma_start3A_226 = arith.constant 8000 : i32
    %dma_start3A_227 = tpu.memref_slice %arg3[%dma_start3A_226] : memref<16000xi32, #tpu.memory_space<hbm>> -> memref<2000xi32, #tpu.memory_space<hbm>>
    %dma_start3A_228 = arith.constant 8000 : i32
    %dma_start3A_229 = tpu.memref_slice %arg3[%dma_start3A_228] : memref<16000xi32, #tpu.memory_space<hbm>> -> memref<2000xi32, #tpu.memory_space<hbm>>
    tpu.enqueue_dma source(%dma_start3A_229 : memref<2000xi32, #tpu.memory_space<hbm>>) target(%arg10 : memref<2000xi32, #tpu.memory_space<vmem>>) target_semaphore(%arg12 : memref<!tpu.dma_semaphore, #tpu.memory_space<semaphore_mem>>)
    %dma_wait3A_230 = arith.constant 6000 : i32
    %dma_wait3A_231 = tpu.memref_slice %arg2[%dma_wait3A_230] : memref<16000xi32, #tpu.memory_space<hbm>> -> memref<2000xi32, #tpu.memory_space<hbm>>
    %dma_wait3A_232 = arith.constant 6000 : i32
    %dma_wait3A_233 = tpu.memref_slice %arg2[%dma_wait3A_232] : memref<16000xi32, #tpu.memory_space<hbm>> -> memref<2000xi32, #tpu.memory_space<hbm>>
    tpu.wait_dma2 semaphore(%arg12 : memref<!tpu.dma_semaphore, #tpu.memory_space<semaphore_mem>>) src(%dma_wait3A_233 : memref<2000xi32, #tpu.memory_space<hbm>>) dst(%arg9 : memref<2000xi32, #tpu.memory_space<vmem>>)
    %dma_wait3A_234 = arith.constant 6000 : i32
    %dma_wait3A_235 = tpu.memref_slice %arg3[%dma_wait3A_234] : memref<16000xi32, #tpu.memory_space<hbm>> -> memref<2000xi32, #tpu.memory_space<hbm>>
    %dma_wait3A_236 = arith.constant 6000 : i32
    %dma_wait3A_237 = tpu.memref_slice %arg3[%dma_wait3A_236] : memref<16000xi32, #tpu.memory_space<hbm>> -> memref<2000xi32, #tpu.memory_space<hbm>>
    tpu.wait_dma2 semaphore(%arg12 : memref<!tpu.dma_semaphore, #tpu.memory_space<semaphore_mem>>) src(%dma_wait3A_237 : memref<2000xi32, #tpu.memory_space<hbm>>) dst(%arg11 : memref<2000xi32, #tpu.memory_space<vmem>>)
    %scan3A_238 = arith.constant 0 : i32
    %scan3A_239 = arith.constant 0 : i32
    %scan3A_240 = arith.constant 125 : i32
    %scan3A_241 = arith.addi %scan3A_239, %scan3A_240 : i32
    %scan3A_242 = arith.constant 1 : i32
    %scan3A_243 = scf.for %scan3A_547 = %scan3A_239 to %scan3A_241 step %scan3A_242 iter_args(%scan3A_548 = %scan3A_238) -> (i32)  : i32 {
      %mul3A_549 = arith.constant 16 : i32
      %mul3A_550 = arith.muli %scan3A_547, %mul3A_549 : i32
      %get3A = arith.index_cast %mul3A_550 : i32 to index
      %get3A_551 = tpu.vector_load %arg9[%get3A] {strides = array<i32>} : memref<2000xi32, #tpu.memory_space<vmem>>, vector<16xi32>,
      %get3A_552 = arith.index_cast %mul3A_550 : i32 to index
      %get3A_553 = tpu.vector_load %arg11[%get3A_552] {strides = array<i32>} : memref<2000xi32, #tpu.memory_space<vmem>>, vector<16xi32>,
      %gather3A = tpu.vector_load_idx %arg7[%get3A_553] : memref<2000xf32, #tpu.memory_space<vmem>>[vector<16xi32>], vector<16xf32>,
      %gather3A_554 = tpu.vector_load_idx %arg7[%get3A_551] : memref<2000xf32, #tpu.memory_space<vmem>>[vector<16xi32>], vector<16xf32>,
      %mul3A_555 = arith.constant 2000 : i32
      %mul3A_556 = vector.broadcast %mul3A_555 : i32 to vector<16xi32>
      %mul3A_557 = arith.muli %get3A_553, %mul3A_556 : vector<16xi32>
      %add3A_558 = arith.addi %mul3A_557, %get3A_551 : vector<16xi32>
      %sub3A = vector.broadcast %mul3A_140 : i32 to vector<16xi32>
      %sub3A_559 = arith.subi %add3A_558, %sub3A : vector<16xi32>
      %ge3A = arith.constant 0 : i32
      %ge3A_560 = vector.broadcast %ge3A : i32 to vector<16xi32>
      %ge3A_561 = arith.cmpi sge, %sub3A_559, %ge3A_560 : vector<16xi32>
      %lt3A = arith.constant 62512 : i32
      %lt3A_562 = vector.broadcast %lt3A : i32 to vector<16xi32>
      %lt3A_563 = arith.cmpi slt, %sub3A_559, %lt3A_562 : vector<16xi32>
      %and3A = arith.andi %ge3A_561, %lt3A_563 : vector<16xi1>
      %jit3A = arith.constant 0 : i32
      %broadcast_in_dim3A_564 = vector.broadcast %jit3A : i32 to vector<16xi32>
      %select_n3A = arith.select %and3A, %sub3A_559, %broadcast_in_dim3A_564 : vector<16xi1>, vector<16xi32>
      %mul3A_565 = arith.mulf %gather3A, %gather3A_554 : vector<16xf32>
      tpu.vector_store_idx %arg6[%select_n3A], %mul3A_565 masked %and3A {add = true} : memref<62512xf32, #tpu.memory_space<vmem>>[vector<16xi32>], vector<16xf32>, vector<16xi1>
      %scan3A_566 = arith.constant 0 : i32
      scf.yield %scan3A_566 : i32
    }
    %scan3A_244 = arith.constant 125 : i32
    %dma_start3A_245 = arith.constant 10000 : i32
    %dma_start3A_246 = tpu.memref_slice %arg2[%dma_start3A_245] : memref<16000xi32, #tpu.memory_space<hbm>> -> memref<2000xi32, #tpu.memory_space<hbm>>
    %dma_start3A_247 = arith.constant 10000 : i32
    %dma_start3A_248 = tpu.memref_slice %arg2[%dma_start3A_247] : memref<16000xi32, #tpu.memory_space<hbm>> -> memref<2000xi32, #tpu.memory_space<hbm>>
    tpu.enqueue_dma source(%dma_start3A_248 : memref<2000xi32, #tpu.memory_space<hbm>>) target(%arg9 : memref<2000xi32, #tpu.memory_space<vmem>>) target_semaphore(%arg12 : memref<!tpu.dma_semaphore, #tpu.memory_space<semaphore_mem>>)
    %dma_start3A_249 = arith.constant 10000 : i32
    %dma_start3A_250 = tpu.memref_slice %arg3[%dma_start3A_249] : memref<16000xi32, #tpu.memory_space<hbm>> -> memref<2000xi32, #tpu.memory_space<hbm>>
    %dma_start3A_251 = arith.constant 10000 : i32
    %dma_start3A_252 = tpu.memref_slice %arg3[%dma_start3A_251] : memref<16000xi32, #tpu.memory_space<hbm>> -> memref<2000xi32, #tpu.memory_space<hbm>>
    tpu.enqueue_dma source(%dma_start3A_252 : memref<2000xi32, #tpu.memory_space<hbm>>) target(%arg11 : memref<2000xi32, #tpu.memory_space<vmem>>) target_semaphore(%arg12 : memref<!tpu.dma_semaphore, #tpu.memory_space<semaphore_mem>>)
    %dma_wait3A_253 = arith.constant 8000 : i32
    %dma_wait3A_254 = tpu.memref_slice %arg2[%dma_wait3A_253] : memref<16000xi32, #tpu.memory_space<hbm>> -> memref<2000xi32, #tpu.memory_space<hbm>>
    %dma_wait3A_255 = arith.constant 8000 : i32
    %dma_wait3A_256 = tpu.memref_slice %arg2[%dma_wait3A_255] : memref<16000xi32, #tpu.memory_space<hbm>> -> memref<2000xi32, #tpu.memory_space<hbm>>
    tpu.wait_dma2 semaphore(%arg12 : memref<!tpu.dma_semaphore, #tpu.memory_space<semaphore_mem>>) src(%dma_wait3A_256 : memref<2000xi32, #tpu.memory_space<hbm>>) dst(%arg8 : memref<2000xi32, #tpu.memory_space<vmem>>)
    %dma_wait3A_257 = arith.constant 8000 : i32
    %dma_wait3A_258 = tpu.memref_slice %arg3[%dma_wait3A_257] : memref<16000xi32, #tpu.memory_space<hbm>> -> memref<2000xi32, #tpu.memory_space<hbm>>
    %dma_wait3A_259 = arith.constant 8000 : i32
    %dma_wait3A_260 = tpu.memref_slice %arg3[%dma_wait3A_259] : memref<16000xi32, #tpu.memory_space<hbm>> -> memref<2000xi32, #tpu.memory_space<hbm>>
    tpu.wait_dma2 semaphore(%arg12 : memref<!tpu.dma_semaphore, #tpu.memory_space<semaphore_mem>>) src(%dma_wait3A_260 : memref<2000xi32, #tpu.memory_space<hbm>>) dst(%arg10 : memref<2000xi32, #tpu.memory_space<vmem>>)
    %scan3A_261 = arith.constant 0 : i32
    %scan3A_262 = arith.constant 0 : i32
    %scan3A_263 = arith.constant 125 : i32
    %scan3A_264 = arith.addi %scan3A_262, %scan3A_263 : i32
    %scan3A_265 = arith.constant 1 : i32
    %scan3A_266 = scf.for %scan3A_547 = %scan3A_262 to %scan3A_264 step %scan3A_265 iter_args(%scan3A_548 = %scan3A_261) -> (i32)  : i32 {
      %mul3A_549 = arith.constant 16 : i32
      %mul3A_550 = arith.muli %scan3A_547, %mul3A_549 : i32
      %get3A = arith.index_cast %mul3A_550 : i32 to index
      %get3A_551 = tpu.vector_load %arg8[%get3A] {strides = array<i32>} : memref<2000xi32, #tpu.memory_space<vmem>>, vector<16xi32>,
      %get3A_552 = arith.index_cast %mul3A_550 : i32 to index
      %get3A_553 = tpu.vector_load %arg10[%get3A_552] {strides = array<i32>} : memref<2000xi32, #tpu.memory_space<vmem>>, vector<16xi32>,
      %gather3A = tpu.vector_load_idx %arg7[%get3A_553] : memref<2000xf32, #tpu.memory_space<vmem>>[vector<16xi32>], vector<16xf32>,
      %gather3A_554 = tpu.vector_load_idx %arg7[%get3A_551] : memref<2000xf32, #tpu.memory_space<vmem>>[vector<16xi32>], vector<16xf32>,
      %mul3A_555 = arith.constant 2000 : i32
      %mul3A_556 = vector.broadcast %mul3A_555 : i32 to vector<16xi32>
      %mul3A_557 = arith.muli %get3A_553, %mul3A_556 : vector<16xi32>
      %add3A_558 = arith.addi %mul3A_557, %get3A_551 : vector<16xi32>
      %sub3A = vector.broadcast %mul3A_140 : i32 to vector<16xi32>
      %sub3A_559 = arith.subi %add3A_558, %sub3A : vector<16xi32>
      %ge3A = arith.constant 0 : i32
      %ge3A_560 = vector.broadcast %ge3A : i32 to vector<16xi32>
      %ge3A_561 = arith.cmpi sge, %sub3A_559, %ge3A_560 : vector<16xi32>
      %lt3A = arith.constant 62512 : i32
      %lt3A_562 = vector.broadcast %lt3A : i32 to vector<16xi32>
      %lt3A_563 = arith.cmpi slt, %sub3A_559, %lt3A_562 : vector<16xi32>
      %and3A = arith.andi %ge3A_561, %lt3A_563 : vector<16xi1>
      %jit3A = arith.constant 0 : i32
      %broadcast_in_dim3A_564 = vector.broadcast %jit3A : i32 to vector<16xi32>
      %select_n3A = arith.select %and3A, %sub3A_559, %broadcast_in_dim3A_564 : vector<16xi1>, vector<16xi32>
      %mul3A_565 = arith.mulf %gather3A, %gather3A_554 : vector<16xf32>
      tpu.vector_store_idx %arg6[%select_n3A], %mul3A_565 masked %and3A {add = true} : memref<62512xf32, #tpu.memory_space<vmem>>[vector<16xi32>], vector<16xf32>, vector<16xi1>
      %scan3A_566 = arith.constant 0 : i32
      scf.yield %scan3A_566 : i32
    }
    %scan3A_267 = arith.constant 125 : i32
    %dma_start3A_268 = arith.constant 12000 : i32
    %dma_start3A_269 = tpu.memref_slice %arg2[%dma_start3A_268] : memref<16000xi32, #tpu.memory_space<hbm>> -> memref<2000xi32, #tpu.memory_space<hbm>>
    %dma_start3A_270 = arith.constant 12000 : i32
    %dma_start3A_271 = tpu.memref_slice %arg2[%dma_start3A_270] : memref<16000xi32, #tpu.memory_space<hbm>> -> memref<2000xi32, #tpu.memory_space<hbm>>
    tpu.enqueue_dma source(%dma_start3A_271 : memref<2000xi32, #tpu.memory_space<hbm>>) target(%arg8 : memref<2000xi32, #tpu.memory_space<vmem>>) target_semaphore(%arg12 : memref<!tpu.dma_semaphore, #tpu.memory_space<semaphore_mem>>)
    %dma_start3A_272 = arith.constant 12000 : i32
    %dma_start3A_273 = tpu.memref_slice %arg3[%dma_start3A_272] : memref<16000xi32, #tpu.memory_space<hbm>> -> memref<2000xi32, #tpu.memory_space<hbm>>
    %dma_start3A_274 = arith.constant 12000 : i32
    %dma_start3A_275 = tpu.memref_slice %arg3[%dma_start3A_274] : memref<16000xi32, #tpu.memory_space<hbm>> -> memref<2000xi32, #tpu.memory_space<hbm>>
    tpu.enqueue_dma source(%dma_start3A_275 : memref<2000xi32, #tpu.memory_space<hbm>>) target(%arg10 : memref<2000xi32, #tpu.memory_space<vmem>>) target_semaphore(%arg12 : memref<!tpu.dma_semaphore, #tpu.memory_space<semaphore_mem>>)
    %dma_wait3A_276 = arith.constant 10000 : i32
    %dma_wait3A_277 = tpu.memref_slice %arg2[%dma_wait3A_276] : memref<16000xi32, #tpu.memory_space<hbm>> -> memref<2000xi32, #tpu.memory_space<hbm>>
    %dma_wait3A_278 = arith.constant 10000 : i32
    %dma_wait3A_279 = tpu.memref_slice %arg2[%dma_wait3A_278] : memref<16000xi32, #tpu.memory_space<hbm>> -> memref<2000xi32, #tpu.memory_space<hbm>>
    tpu.wait_dma2 semaphore(%arg12 : memref<!tpu.dma_semaphore, #tpu.memory_space<semaphore_mem>>) src(%dma_wait3A_279 : memref<2000xi32, #tpu.memory_space<hbm>>) dst(%arg9 : memref<2000xi32, #tpu.memory_space<vmem>>)
    %dma_wait3A_280 = arith.constant 10000 : i32
    %dma_wait3A_281 = tpu.memref_slice %arg3[%dma_wait3A_280] : memref<16000xi32, #tpu.memory_space<hbm>> -> memref<2000xi32, #tpu.memory_space<hbm>>
    %dma_wait3A_282 = arith.constant 10000 : i32
    %dma_wait3A_283 = tpu.memref_slice %arg3[%dma_wait3A_282] : memref<16000xi32, #tpu.memory_space<hbm>> -> memref<2000xi32, #tpu.memory_space<hbm>>
    tpu.wait_dma2 semaphore(%arg12 : memref<!tpu.dma_semaphore, #tpu.memory_space<semaphore_mem>>) src(%dma_wait3A_283 : memref<2000xi32, #tpu.memory_space<hbm>>) dst(%arg11 : memref<2000xi32, #tpu.memory_space<vmem>>)
    %scan3A_284 = arith.constant 0 : i32
    %scan3A_285 = arith.constant 0 : i32
    %scan3A_286 = arith.constant 125 : i32
    %scan3A_287 = arith.addi %scan3A_285, %scan3A_286 : i32
    %scan3A_288 = arith.constant 1 : i32
    %scan3A_289 = scf.for %scan3A_547 = %scan3A_285 to %scan3A_287 step %scan3A_288 iter_args(%scan3A_548 = %scan3A_284) -> (i32)  : i32 {
      %mul3A_549 = arith.constant 16 : i32
      %mul3A_550 = arith.muli %scan3A_547, %mul3A_549 : i32
      %get3A = arith.index_cast %mul3A_550 : i32 to index
      %get3A_551 = tpu.vector_load %arg9[%get3A] {strides = array<i32>} : memref<2000xi32, #tpu.memory_space<vmem>>, vector<16xi32>,
      %get3A_552 = arith.index_cast %mul3A_550 : i32 to index
      %get3A_553 = tpu.vector_load %arg11[%get3A_552] {strides = array<i32>} : memref<2000xi32, #tpu.memory_space<vmem>>, vector<16xi32>,
      %gather3A = tpu.vector_load_idx %arg7[%get3A_553] : memref<2000xf32, #tpu.memory_space<vmem>>[vector<16xi32>], vector<16xf32>,
      %gather3A_554 = tpu.vector_load_idx %arg7[%get3A_551] : memref<2000xf32, #tpu.memory_space<vmem>>[vector<16xi32>], vector<16xf32>,
      %mul3A_555 = arith.constant 2000 : i32
      %mul3A_556 = vector.broadcast %mul3A_555 : i32 to vector<16xi32>
      %mul3A_557 = arith.muli %get3A_553, %mul3A_556 : vector<16xi32>
      %add3A_558 = arith.addi %mul3A_557, %get3A_551 : vector<16xi32>
      %sub3A = vector.broadcast %mul3A_140 : i32 to vector<16xi32>
      %sub3A_559 = arith.subi %add3A_558, %sub3A : vector<16xi32>
      %ge3A = arith.constant 0 : i32
      %ge3A_560 = vector.broadcast %ge3A : i32 to vector<16xi32>
      %ge3A_561 = arith.cmpi sge, %sub3A_559, %ge3A_560 : vector<16xi32>
      %lt3A = arith.constant 62512 : i32
      %lt3A_562 = vector.broadcast %lt3A : i32 to vector<16xi32>
      %lt3A_563 = arith.cmpi slt, %sub3A_559, %lt3A_562 : vector<16xi32>
      %and3A = arith.andi %ge3A_561, %lt3A_563 : vector<16xi1>
      %jit3A = arith.constant 0 : i32
      %broadcast_in_dim3A_564 = vector.broadcast %jit3A : i32 to vector<16xi32>
      %select_n3A = arith.select %and3A, %sub3A_559, %broadcast_in_dim3A_564 : vector<16xi1>, vector<16xi32>
      %mul3A_565 = arith.mulf %gather3A, %gather3A_554 : vector<16xf32>
      tpu.vector_store_idx %arg6[%select_n3A], %mul3A_565 masked %and3A {add = true} : memref<62512xf32, #tpu.memory_space<vmem>>[vector<16xi32>], vector<16xf32>, vector<16xi1>
      %scan3A_566 = arith.constant 0 : i32
      scf.yield %scan3A_566 : i32
    }
    %scan3A_290 = arith.constant 125 : i32
    %dma_start3A_291 = arith.constant 14000 : i32
    %dma_start3A_292 = tpu.memref_slice %arg2[%dma_start3A_291] : memref<16000xi32, #tpu.memory_space<hbm>> -> memref<2000xi32, #tpu.memory_space<hbm>>
    %dma_start3A_293 = arith.constant 14000 : i32
    %dma_start3A_294 = tpu.memref_slice %arg2[%dma_start3A_293] : memref<16000xi32, #tpu.memory_space<hbm>> -> memref<2000xi32, #tpu.memory_space<hbm>>
    tpu.enqueue_dma source(%dma_start3A_294 : memref<2000xi32, #tpu.memory_space<hbm>>) target(%arg9 : memref<2000xi32, #tpu.memory_space<vmem>>) target_semaphore(%arg12 : memref<!tpu.dma_semaphore, #tpu.memory_space<semaphore_mem>>)
    %dma_start3A_295 = arith.constant 14000 : i32
    %dma_start3A_296 = tpu.memref_slice %arg3[%dma_start3A_295] : memref<16000xi32, #tpu.memory_space<hbm>> -> memref<2000xi32, #tpu.memory_space<hbm>>
    %dma_start3A_297 = arith.constant 14000 : i32
    %dma_start3A_298 = tpu.memref_slice %arg3[%dma_start3A_297] : memref<16000xi32, #tpu.memory_space<hbm>> -> memref<2000xi32, #tpu.memory_space<hbm>>
    tpu.enqueue_dma source(%dma_start3A_298 : memref<2000xi32, #tpu.memory_space<hbm>>) target(%arg11 : memref<2000xi32, #tpu.memory_space<vmem>>) target_semaphore(%arg12 : memref<!tpu.dma_semaphore, #tpu.memory_space<semaphore_mem>>)
    %dma_wait3A_299 = arith.constant 12000 : i32
    %dma_wait3A_300 = tpu.memref_slice %arg2[%dma_wait3A_299] : memref<16000xi32, #tpu.memory_space<hbm>> -> memref<2000xi32, #tpu.memory_space<hbm>>
    %dma_wait3A_301 = arith.constant 12000 : i32
    %dma_wait3A_302 = tpu.memref_slice %arg2[%dma_wait3A_301] : memref<16000xi32, #tpu.memory_space<hbm>> -> memref<2000xi32, #tpu.memory_space<hbm>>
    tpu.wait_dma2 semaphore(%arg12 : memref<!tpu.dma_semaphore, #tpu.memory_space<semaphore_mem>>) src(%dma_wait3A_302 : memref<2000xi32, #tpu.memory_space<hbm>>) dst(%arg8 : memref<2000xi32, #tpu.memory_space<vmem>>)
    %dma_wait3A_303 = arith.constant 12000 : i32
    %dma_wait3A_304 = tpu.memref_slice %arg3[%dma_wait3A_303] : memref<16000xi32, #tpu.memory_space<hbm>> -> memref<2000xi32, #tpu.memory_space<hbm>>
    %dma_wait3A_305 = arith.constant 12000 : i32
    %dma_wait3A_306 = tpu.memref_slice %arg3[%dma_wait3A_305] : memref<16000xi32, #tpu.memory_space<hbm>> -> memref<2000xi32, #tpu.memory_space<hbm>>
    tpu.wait_dma2 semaphore(%arg12 : memref<!tpu.dma_semaphore, #tpu.memory_space<semaphore_mem>>) src(%dma_wait3A_306 : memref<2000xi32, #tpu.memory_space<hbm>>) dst(%arg10 : memref<2000xi32, #tpu.memory_space<vmem>>)
    %scan3A_307 = arith.constant 0 : i32
    %scan3A_308 = arith.constant 0 : i32
    %scan3A_309 = arith.constant 125 : i32
    %scan3A_310 = arith.addi %scan3A_308, %scan3A_309 : i32
    %scan3A_311 = arith.constant 1 : i32
    %scan3A_312 = scf.for %scan3A_547 = %scan3A_308 to %scan3A_310 step %scan3A_311 iter_args(%scan3A_548 = %scan3A_307) -> (i32)  : i32 {
      %mul3A_549 = arith.constant 16 : i32
      %mul3A_550 = arith.muli %scan3A_547, %mul3A_549 : i32
      %get3A = arith.index_cast %mul3A_550 : i32 to index
      %get3A_551 = tpu.vector_load %arg8[%get3A] {strides = array<i32>} : memref<2000xi32, #tpu.memory_space<vmem>>, vector<16xi32>,
      %get3A_552 = arith.index_cast %mul3A_550 : i32 to index
      %get3A_553 = tpu.vector_load %arg10[%get3A_552] {strides = array<i32>} : memref<2000xi32, #tpu.memory_space<vmem>>, vector<16xi32>,
      %gather3A = tpu.vector_load_idx %arg7[%get3A_553] : memref<2000xf32, #tpu.memory_space<vmem>>[vector<16xi32>], vector<16xf32>,
      %gather3A_554 = tpu.vector_load_idx %arg7[%get3A_551] : memref<2000xf32, #tpu.memory_space<vmem>>[vector<16xi32>], vector<16xf32>,
      %mul3A_555 = arith.constant 2000 : i32
      %mul3A_556 = vector.broadcast %mul3A_555 : i32 to vector<16xi32>
      %mul3A_557 = arith.muli %get3A_553, %mul3A_556 : vector<16xi32>
      %add3A_558 = arith.addi %mul3A_557, %get3A_551 : vector<16xi32>
      %sub3A = vector.broadcast %mul3A_140 : i32 to vector<16xi32>
      %sub3A_559 = arith.subi %add3A_558, %sub3A : vector<16xi32>
      %ge3A = arith.constant 0 : i32
      %ge3A_560 = vector.broadcast %ge3A : i32 to vector<16xi32>
      %ge3A_561 = arith.cmpi sge, %sub3A_559, %ge3A_560 : vector<16xi32>
      %lt3A = arith.constant 62512 : i32
      %lt3A_562 = vector.broadcast %lt3A : i32 to vector<16xi32>
      %lt3A_563 = arith.cmpi slt, %sub3A_559, %lt3A_562 : vector<16xi32>
      %and3A = arith.andi %ge3A_561, %lt3A_563 : vector<16xi1>
      %jit3A = arith.constant 0 : i32
      %broadcast_in_dim3A_564 = vector.broadcast %jit3A : i32 to vector<16xi32>
      %select_n3A = arith.select %and3A, %sub3A_559, %broadcast_in_dim3A_564 : vector<16xi1>, vector<16xi32>
      %mul3A_565 = arith.mulf %gather3A, %gather3A_554 : vector<16xf32>
      tpu.vector_store_idx %arg6[%select_n3A], %mul3A_565 masked %and3A {add = true} : memref<62512xf32, #tpu.memory_space<vmem>>[vector<16xi32>], vector<16xf32>, vector<16xi1>
      %scan3A_566 = arith.constant 0 : i32
      scf.yield %scan3A_566 : i32
    }
    %scan3A_313 = arith.constant 125 : i32
    %dma_wait3A_314 = arith.constant 14000 : i32
    %dma_wait3A_315 = tpu.memref_slice %arg2[%dma_wait3A_314] : memref<16000xi32, #tpu.memory_space<hbm>> -> memref<2000xi32, #tpu.memory_space<hbm>>
    %dma_wait3A_316 = arith.constant 14000 : i32
    %dma_wait3A_317 = tpu.memref_slice %arg2[%dma_wait3A_316] : memref<16000xi32, #tpu.memory_space<hbm>> -> memref<2000xi32, #tpu.memory_space<hbm>>
    tpu.wait_dma2 semaphore(%arg12 : memref<!tpu.dma_semaphore, #tpu.memory_space<semaphore_mem>>) src(%dma_wait3A_317 : memref<2000xi32, #tpu.memory_space<hbm>>) dst(%arg9 : memref<2000xi32, #tpu.memory_space<vmem>>)
    %dma_wait3A_318 = arith.constant 14000 : i32
    %dma_wait3A_319 = tpu.memref_slice %arg3[%dma_wait3A_318] : memref<16000xi32, #tpu.memory_space<hbm>> -> memref<2000xi32, #tpu.memory_space<hbm>>
    %dma_wait3A_320 = arith.constant 14000 : i32
    %dma_wait3A_321 = tpu.memref_slice %arg3[%dma_wait3A_320] : memref<16000xi32, #tpu.memory_space<hbm>> -> memref<2000xi32, #tpu.memory_space<hbm>>
    tpu.wait_dma2 semaphore(%arg12 : memref<!tpu.dma_semaphore, #tpu.memory_space<semaphore_mem>>) src(%dma_wait3A_321 : memref<2000xi32, #tpu.memory_space<hbm>>) dst(%arg11 : memref<2000xi32, #tpu.memory_space<vmem>>)
    %scan3A_322 = arith.constant 0 : i32
    %scan3A_323 = arith.constant 0 : i32
    %scan3A_324 = arith.constant 125 : i32
    %scan3A_325 = arith.addi %scan3A_323, %scan3A_324 : i32
    %scan3A_326 = arith.constant 1 : i32
    %scan3A_327 = scf.for %scan3A_547 = %scan3A_323 to %scan3A_325 step %scan3A_326 iter_args(%scan3A_548 = %scan3A_322) -> (i32)  : i32 {
      %mul3A_549 = arith.constant 16 : i32
      %mul3A_550 = arith.muli %scan3A_547, %mul3A_549 : i32
      %get3A = arith.index_cast %mul3A_550 : i32 to index
      %get3A_551 = tpu.vector_load %arg9[%get3A] {strides = array<i32>} : memref<2000xi32, #tpu.memory_space<vmem>>, vector<16xi32>,
      %get3A_552 = arith.index_cast %mul3A_550 : i32 to index
      %get3A_553 = tpu.vector_load %arg11[%get3A_552] {strides = array<i32>} : memref<2000xi32, #tpu.memory_space<vmem>>, vector<16xi32>,
      %gather3A = tpu.vector_load_idx %arg7[%get3A_553] : memref<2000xf32, #tpu.memory_space<vmem>>[vector<16xi32>], vector<16xf32>,
      %gather3A_554 = tpu.vector_load_idx %arg7[%get3A_551] : memref<2000xf32, #tpu.memory_space<vmem>>[vector<16xi32>], vector<16xf32>,
      %mul3A_555 = arith.constant 2000 : i32
      %mul3A_556 = vector.broadcast %mul3A_555 : i32 to vector<16xi32>
      %mul3A_557 = arith.muli %get3A_553, %mul3A_556 : vector<16xi32>
      %add3A_558 = arith.addi %mul3A_557, %get3A_551 : vector<16xi32>
      %sub3A = vector.broadcast %mul3A_140 : i32 to vector<16xi32>
      %sub3A_559 = arith.subi %add3A_558, %sub3A : vector<16xi32>
      %ge3A = arith.constant 0 : i32
      %ge3A_560 = vector.broadcast %ge3A : i32 to vector<16xi32>
      %ge3A_561 = arith.cmpi sge, %sub3A_559, %ge3A_560 : vector<16xi32>
      %lt3A = arith.constant 62512 : i32
      %lt3A_562 = vector.broadcast %lt3A : i32 to vector<16xi32>
      %lt3A_563 = arith.cmpi slt, %sub3A_559, %lt3A_562 : vector<16xi32>
      %and3A = arith.andi %ge3A_561, %lt3A_563 : vector<16xi1>
      %jit3A = arith.constant 0 : i32
      %broadcast_in_dim3A_564 = vector.broadcast %jit3A : i32 to vector<16xi32>
      %select_n3A = arith.select %and3A, %sub3A_559, %broadcast_in_dim3A_564 : vector<16xi1>, vector<16xi32>
      %mul3A_565 = arith.mulf %gather3A, %gather3A_554 : vector<16xf32>
      tpu.vector_store_idx %arg6[%select_n3A], %mul3A_565 masked %and3A {add = true} : memref<62512xf32, #tpu.memory_space<vmem>>[vector<16xi32>], vector<16xf32>, vector<16xi1>
      %scan3A_566 = arith.constant 0 : i32
      scf.yield %scan3A_566 : i32
    }
    %scan3A_328 = arith.constant 125 : i32
    %scan3A_329 = arith.constant 0 : i32
    %scan3A_330 = arith.constant 0 : i32
    %scan3A_331 = arith.constant 125 : i32
    %scan3A_332 = arith.addi %scan3A_330, %scan3A_331 : i32
    %scan3A_333 = arith.constant 1 : i32
    %scan3A_334 = scf.for %scan3A_547 = %scan3A_330 to %scan3A_332 step %scan3A_333 iter_args(%scan3A_548 = %scan3A_329) -> (i32)  : i32 {
      %mul3A_549 = arith.constant 16 : i32
      %mul3A_550 = arith.muli %scan3A_547, %mul3A_549 : i32
      %get3A = arith.index_cast %mul3A_550 : i32 to index
      %get3A_551 = tpu.vector_load %arg7[%get3A] {strides = array<i32>} : memref<2000xf32, #tpu.memory_space<vmem>>, vector<16xf32>,
      %iota3A = tpu.iota {dimensions = array<i32: 0>} : vector<16xi32>
      %mul3A_552 = arith.constant 16 : i32
      %mul3A_553 = arith.muli %scan3A_547, %mul3A_552 : i32
      %add3A_554 = vector.broadcast %mul3A_553 : i32 to vector<16xi32>
      %add3A_555 = arith.addi %iota3A, %add3A_554 : vector<16xi32>
      %mul3A_556 = arith.constant 2001 : i32
      %mul3A_557 = vector.broadcast %mul3A_556 : i32 to vector<16xi32>
      %mul3A_558 = arith.muli %add3A_555, %mul3A_557 : vector<16xi32>
      %sub3A = vector.broadcast %mul3A_140 : i32 to vector<16xi32>
      %sub3A_559 = arith.subi %mul3A_558, %sub3A : vector<16xi32>
      %ge3A = arith.constant 0 : i32
      %ge3A_560 = vector.broadcast %ge3A : i32 to vector<16xi32>
      %ge3A_561 = arith.cmpi sge, %sub3A_559, %ge3A_560 : vector<16xi32>
      %lt3A = arith.constant 62512 : i32
      %lt3A_562 = vector.broadcast %lt3A : i32 to vector<16xi32>
      %lt3A_563 = arith.cmpi slt, %sub3A_559, %lt3A_562 : vector<16xi32>
      %and3A = arith.andi %ge3A_561, %lt3A_563 : vector<16xi1>
      %jit3A = arith.constant 0 : i32
      %broadcast_in_dim3A_564 = vector.broadcast %jit3A : i32 to vector<16xi32>
      %select_n3A = arith.select %and3A, %sub3A_559, %broadcast_in_dim3A_564 : vector<16xi1>, vector<16xi32>
      %mul3A_565 = arith.mulf %get3A_551, %get3A_551 : vector<16xf32>
      tpu.vector_store_idx %arg6[%select_n3A], %mul3A_565 masked %and3A {add = true} : memref<62512xf32, #tpu.memory_space<vmem>>[vector<16xi32>], vector<16xf32>, vector<16xi1>
      %scan3A_566 = arith.constant 0 : i32
      scf.yield %scan3A_566 : i32
    }
    %scan3A_335 = arith.constant 125 : i32
    %dma_start3A_336 = tpu.memref_slice %arg5[%mul3A_140] : memref<4000768xf32, #tpu.memory_space<hbm>> -> memref<62512xf32, #tpu.memory_space<hbm>>
    %dma_start3A_337 = tpu.memref_slice %arg5[%mul3A_140] : memref<4000768xf32, #tpu.memory_space<hbm>> -> memref<62512xf32, #tpu.memory_space<hbm>>
    tpu.enqueue_dma source(%arg6 : memref<62512xf32, #tpu.memory_space<vmem>>) target(%dma_start3A_337 : memref<62512xf32, #tpu.memory_space<hbm>>) target_semaphore(%arg13 : memref<!tpu.dma_semaphore, #tpu.memory_space<semaphore_mem>>)
    %dma_wait3A_338 = tpu.memref_slice %arg5[%mul3A_140] : memref<4000768xf32, #tpu.memory_space<hbm>> -> memref<62512xf32, #tpu.memory_space<hbm>>
    %dma_wait3A_339 = tpu.memref_slice %arg5[%mul3A_140] : memref<4000768xf32, #tpu.memory_space<hbm>> -> memref<62512xf32, #tpu.memory_space<hbm>>
    tpu.wait_dma2 semaphore(%arg13 : memref<!tpu.dma_semaphore, #tpu.memory_space<semaphore_mem>>) src(%arg6 : memref<62512xf32, #tpu.memory_space<vmem>>) dst(%dma_wait3A_339 : memref<62512xf32, #tpu.memory_space<hbm>>)
    %dma_start3A_340 = arith.constant 0 : i32
    %dma_start3A_341 = tpu.memref_slice %arg4[%dma_start3A_340] : memref<62512xf32, #tpu.memory_space<hbm>> -> memref<62512xf32, #tpu.memory_space<hbm>>
    %dma_start3A_342 = arith.constant 0 : i32
    %dma_start3A_343 = tpu.memref_slice %arg4[%dma_start3A_342] : memref<62512xf32, #tpu.memory_space<hbm>> -> memref<62512xf32, #tpu.memory_space<hbm>>
    tpu.enqueue_dma source(%dma_start3A_343 : memref<62512xf32, #tpu.memory_space<hbm>>) target(%arg6 : memref<62512xf32, #tpu.memory_space<vmem>>) target_semaphore(%arg13 : memref<!tpu.dma_semaphore, #tpu.memory_space<semaphore_mem>>)
    %add3A_344 = arith.constant 32 : i32
    %add3A_345 = arith.addi %add3A, %add3A_344 : i32
    %mul3A_346 = arith.constant 62512 : i32
    %mul3A_347 = arith.muli %add3A_345, %mul3A_346 : i32
    %dma_wait3A_348 = arith.constant 0 : i32
    %dma_wait3A_349 = tpu.memref_slice %arg4[%dma_wait3A_348] : memref<62512xf32, #tpu.memory_space<hbm>> -> memref<62512xf32, #tpu.memory_space<hbm>>
    %dma_wait3A_350 = arith.constant 0 : i32
    %dma_wait3A_351 = tpu.memref_slice %arg4[%dma_wait3A_350] : memref<62512xf32, #tpu.memory_space<hbm>> -> memref<62512xf32, #tpu.memory_space<hbm>>
    tpu.wait_dma2 semaphore(%arg13 : memref<!tpu.dma_semaphore, #tpu.memory_space<semaphore_mem>>) src(%dma_wait3A_351 : memref<62512xf32, #tpu.memory_space<hbm>>) dst(%arg6 : memref<62512xf32, #tpu.memory_space<vmem>>)
    %dma_start3A_352 = arith.constant 0 : i32
    %dma_start3A_353 = tpu.memref_slice %arg2[%dma_start3A_352] : memref<16000xi32, #tpu.memory_space<hbm>> -> memref<2000xi32, #tpu.memory_space<hbm>>
    %dma_start3A_354 = arith.constant 0 : i32
    %dma_start3A_355 = tpu.memref_slice %arg2[%dma_start3A_354] : memref<16000xi32, #tpu.memory_space<hbm>> -> memref<2000xi32, #tpu.memory_space<hbm>>
    tpu.enqueue_dma source(%dma_start3A_355 : memref<2000xi32, #tpu.memory_space<hbm>>) target(%arg8 : memref<2000xi32, #tpu.memory_space<vmem>>) target_semaphore(%arg12 : memref<!tpu.dma_semaphore, #tpu.memory_space<semaphore_mem>>)
    %dma_start3A_356 = arith.constant 0 : i32
    %dma_start3A_357 = tpu.memref_slice %arg3[%dma_start3A_356] : memref<16000xi32, #tpu.memory_space<hbm>> -> memref<2000xi32, #tpu.memory_space<hbm>>
    %dma_start3A_358 = arith.constant 0 : i32
    %dma_start3A_359 = tpu.memref_slice %arg3[%dma_start3A_358] : memref<16000xi32, #tpu.memory_space<hbm>> -> memref<2000xi32, #tpu.memory_space<hbm>>
    tpu.enqueue_dma source(%dma_start3A_359 : memref<2000xi32, #tpu.memory_space<hbm>>) target(%arg10 : memref<2000xi32, #tpu.memory_space<vmem>>) target_semaphore(%arg12 : memref<!tpu.dma_semaphore, #tpu.memory_space<semaphore_mem>>)
    %dma_start3A_360 = arith.constant 2000 : i32
    %dma_start3A_361 = tpu.memref_slice %arg2[%dma_start3A_360] : memref<16000xi32, #tpu.memory_space<hbm>> -> memref<2000xi32, #tpu.memory_space<hbm>>
    %dma_start3A_362 = arith.constant 2000 : i32
    %dma_start3A_363 = tpu.memref_slice %arg2[%dma_start3A_362] : memref<16000xi32, #tpu.memory_space<hbm>> -> memref<2000xi32, #tpu.memory_space<hbm>>
    tpu.enqueue_dma source(%dma_start3A_363 : memref<2000xi32, #tpu.memory_space<hbm>>) target(%arg9 : memref<2000xi32, #tpu.memory_space<vmem>>) target_semaphore(%arg12 : memref<!tpu.dma_semaphore, #tpu.memory_space<semaphore_mem>>)
    %dma_start3A_364 = arith.constant 2000 : i32
    %dma_start3A_365 = tpu.memref_slice %arg3[%dma_start3A_364] : memref<16000xi32, #tpu.memory_space<hbm>> -> memref<2000xi32, #tpu.memory_space<hbm>>
    %dma_start3A_366 = arith.constant 2000 : i32
    %dma_start3A_367 = tpu.memref_slice %arg3[%dma_start3A_366] : memref<16000xi32, #tpu.memory_space<hbm>> -> memref<2000xi32, #tpu.memory_space<hbm>>
    tpu.enqueue_dma source(%dma_start3A_367 : memref<2000xi32, #tpu.memory_space<hbm>>) target(%arg11 : memref<2000xi32, #tpu.memory_space<vmem>>) target_semaphore(%arg12 : memref<!tpu.dma_semaphore, #tpu.memory_space<semaphore_mem>>)
    %dma_wait3A_368 = arith.constant 0 : i32
    %dma_wait3A_369 = tpu.memref_slice %arg2[%dma_wait3A_368] : memref<16000xi32, #tpu.memory_space<hbm>> -> memref<2000xi32, #tpu.memory_space<hbm>>
    %dma_wait3A_370 = arith.constant 0 : i32
    %dma_wait3A_371 = tpu.memref_slice %arg2[%dma_wait3A_370] : memref<16000xi32, #tpu.memory_space<hbm>> -> memref<2000xi32, #tpu.memory_space<hbm>>
    tpu.wait_dma2 semaphore(%arg12 : memref<!tpu.dma_semaphore, #tpu.memory_space<semaphore_mem>>) src(%dma_wait3A_371 : memref<2000xi32, #tpu.memory_space<hbm>>) dst(%arg8 : memref<2000xi32, #tpu.memory_space<vmem>>)
    %dma_wait3A_372 = arith.constant 0 : i32
    %dma_wait3A_373 = tpu.memref_slice %arg3[%dma_wait3A_372] : memref<16000xi32, #tpu.memory_space<hbm>> -> memref<2000xi32, #tpu.memory_space<hbm>>
    %dma_wait3A_374 = arith.constant 0 : i32
    %dma_wait3A_375 = tpu.memref_slice %arg3[%dma_wait3A_374] : memref<16000xi32, #tpu.memory_space<hbm>> -> memref<2000xi32, #tpu.memory_space<hbm>>
    tpu.wait_dma2 semaphore(%arg12 : memref<!tpu.dma_semaphore, #tpu.memory_space<semaphore_mem>>) src(%dma_wait3A_375 : memref<2000xi32, #tpu.memory_space<hbm>>) dst(%arg10 : memref<2000xi32, #tpu.memory_space<vmem>>)
    %scan3A_376 = arith.constant 0 : i32
    %scan3A_377 = arith.constant 0 : i32
    %scan3A_378 = arith.constant 125 : i32
    %scan3A_379 = arith.addi %scan3A_377, %scan3A_378 : i32
    %scan3A_380 = arith.constant 1 : i32
    %scan3A_381 = scf.for %scan3A_547 = %scan3A_377 to %scan3A_379 step %scan3A_380 iter_args(%scan3A_548 = %scan3A_376) -> (i32)  : i32 {
      %mul3A_549 = arith.constant 16 : i32
      %mul3A_550 = arith.muli %scan3A_547, %mul3A_549 : i32
      %get3A = arith.index_cast %mul3A_550 : i32 to index
      %get3A_551 = tpu.vector_load %arg8[%get3A] {strides = array<i32>} : memref<2000xi32, #tpu.memory_space<vmem>>, vector<16xi32>,
      %get3A_552 = arith.index_cast %mul3A_550 : i32 to index
      %get3A_553 = tpu.vector_load %arg10[%get3A_552] {strides = array<i32>} : memref<2000xi32, #tpu.memory_space<vmem>>, vector<16xi32>,
      %gather3A = tpu.vector_load_idx %arg7[%get3A_553] : memref<2000xf32, #tpu.memory_space<vmem>>[vector<16xi32>], vector<16xf32>,
      %gather3A_554 = tpu.vector_load_idx %arg7[%get3A_551] : memref<2000xf32, #tpu.memory_space<vmem>>[vector<16xi32>], vector<16xf32>,
      %mul3A_555 = arith.constant 2000 : i32
      %mul3A_556 = vector.broadcast %mul3A_555 : i32 to vector<16xi32>
      %mul3A_557 = arith.muli %get3A_553, %mul3A_556 : vector<16xi32>
      %add3A_558 = arith.addi %mul3A_557, %get3A_551 : vector<16xi32>
      %sub3A = vector.broadcast %mul3A_347 : i32 to vector<16xi32>
      %sub3A_559 = arith.subi %add3A_558, %sub3A : vector<16xi32>
      %ge3A = arith.constant 0 : i32
      %ge3A_560 = vector.broadcast %ge3A : i32 to vector<16xi32>
      %ge3A_561 = arith.cmpi sge, %sub3A_559, %ge3A_560 : vector<16xi32>
      %lt3A = arith.constant 62512 : i32
      %lt3A_562 = vector.broadcast %lt3A : i32 to vector<16xi32>
      %lt3A_563 = arith.cmpi slt, %sub3A_559, %lt3A_562 : vector<16xi32>
      %and3A = arith.andi %ge3A_561, %lt3A_563 : vector<16xi1>
      %jit3A = arith.constant 0 : i32
      %broadcast_in_dim3A_564 = vector.broadcast %jit3A : i32 to vector<16xi32>
      %select_n3A = arith.select %and3A, %sub3A_559, %broadcast_in_dim3A_564 : vector<16xi1>, vector<16xi32>
      %mul3A_565 = arith.mulf %gather3A, %gather3A_554 : vector<16xf32>
      tpu.vector_store_idx %arg6[%select_n3A], %mul3A_565 masked %and3A {add = true} : memref<62512xf32, #tpu.memory_space<vmem>>[vector<16xi32>], vector<16xf32>, vector<16xi1>
      %scan3A_566 = arith.constant 0 : i32
      scf.yield %scan3A_566 : i32
    }
    %scan3A_382 = arith.constant 125 : i32
    %dma_start3A_383 = arith.constant 4000 : i32
    %dma_start3A_384 = tpu.memref_slice %arg2[%dma_start3A_383] : memref<16000xi32, #tpu.memory_space<hbm>> -> memref<2000xi32, #tpu.memory_space<hbm>>
    %dma_start3A_385 = arith.constant 4000 : i32
    %dma_start3A_386 = tpu.memref_slice %arg2[%dma_start3A_385] : memref<16000xi32, #tpu.memory_space<hbm>> -> memref<2000xi32, #tpu.memory_space<hbm>>
    tpu.enqueue_dma source(%dma_start3A_386 : memref<2000xi32, #tpu.memory_space<hbm>>) target(%arg8 : memref<2000xi32, #tpu.memory_space<vmem>>) target_semaphore(%arg12 : memref<!tpu.dma_semaphore, #tpu.memory_space<semaphore_mem>>)
    %dma_start3A_387 = arith.constant 4000 : i32
    %dma_start3A_388 = tpu.memref_slice %arg3[%dma_start3A_387] : memref<16000xi32, #tpu.memory_space<hbm>> -> memref<2000xi32, #tpu.memory_space<hbm>>
    %dma_start3A_389 = arith.constant 4000 : i32
    %dma_start3A_390 = tpu.memref_slice %arg3[%dma_start3A_389] : memref<16000xi32, #tpu.memory_space<hbm>> -> memref<2000xi32, #tpu.memory_space<hbm>>
    tpu.enqueue_dma source(%dma_start3A_390 : memref<2000xi32, #tpu.memory_space<hbm>>) target(%arg10 : memref<2000xi32, #tpu.memory_space<vmem>>) target_semaphore(%arg12 : memref<!tpu.dma_semaphore, #tpu.memory_space<semaphore_mem>>)
    %dma_wait3A_391 = arith.constant 2000 : i32
    %dma_wait3A_392 = tpu.memref_slice %arg2[%dma_wait3A_391] : memref<16000xi32, #tpu.memory_space<hbm>> -> memref<2000xi32, #tpu.memory_space<hbm>>
    %dma_wait3A_393 = arith.constant 2000 : i32
    %dma_wait3A_394 = tpu.memref_slice %arg2[%dma_wait3A_393] : memref<16000xi32, #tpu.memory_space<hbm>> -> memref<2000xi32, #tpu.memory_space<hbm>>
    tpu.wait_dma2 semaphore(%arg12 : memref<!tpu.dma_semaphore, #tpu.memory_space<semaphore_mem>>) src(%dma_wait3A_394 : memref<2000xi32, #tpu.memory_space<hbm>>) dst(%arg9 : memref<2000xi32, #tpu.memory_space<vmem>>)
    %dma_wait3A_395 = arith.constant 2000 : i32
    %dma_wait3A_396 = tpu.memref_slice %arg3[%dma_wait3A_395] : memref<16000xi32, #tpu.memory_space<hbm>> -> memref<2000xi32, #tpu.memory_space<hbm>>
    %dma_wait3A_397 = arith.constant 2000 : i32
    %dma_wait3A_398 = tpu.memref_slice %arg3[%dma_wait3A_397] : memref<16000xi32, #tpu.memory_space<hbm>> -> memref<2000xi32, #tpu.memory_space<hbm>>
    tpu.wait_dma2 semaphore(%arg12 : memref<!tpu.dma_semaphore, #tpu.memory_space<semaphore_mem>>) src(%dma_wait3A_398 : memref<2000xi32, #tpu.memory_space<hbm>>) dst(%arg11 : memref<2000xi32, #tpu.memory_space<vmem>>)
    %scan3A_399 = arith.constant 0 : i32
    %scan3A_400 = arith.constant 0 : i32
    %scan3A_401 = arith.constant 125 : i32
    %scan3A_402 = arith.addi %scan3A_400, %scan3A_401 : i32
    %scan3A_403 = arith.constant 1 : i32
    %scan3A_404 = scf.for %scan3A_547 = %scan3A_400 to %scan3A_402 step %scan3A_403 iter_args(%scan3A_548 = %scan3A_399) -> (i32)  : i32 {
      %mul3A_549 = arith.constant 16 : i32
      %mul3A_550 = arith.muli %scan3A_547, %mul3A_549 : i32
      %get3A = arith.index_cast %mul3A_550 : i32 to index
      %get3A_551 = tpu.vector_load %arg9[%get3A] {strides = array<i32>} : memref<2000xi32, #tpu.memory_space<vmem>>, vector<16xi32>,
      %get3A_552 = arith.index_cast %mul3A_550 : i32 to index
      %get3A_553 = tpu.vector_load %arg11[%get3A_552] {strides = array<i32>} : memref<2000xi32, #tpu.memory_space<vmem>>, vector<16xi32>,
      %gather3A = tpu.vector_load_idx %arg7[%get3A_553] : memref<2000xf32, #tpu.memory_space<vmem>>[vector<16xi32>], vector<16xf32>,
      %gather3A_554 = tpu.vector_load_idx %arg7[%get3A_551] : memref<2000xf32, #tpu.memory_space<vmem>>[vector<16xi32>], vector<16xf32>,
      %mul3A_555 = arith.constant 2000 : i32
      %mul3A_556 = vector.broadcast %mul3A_555 : i32 to vector<16xi32>
      %mul3A_557 = arith.muli %get3A_553, %mul3A_556 : vector<16xi32>
      %add3A_558 = arith.addi %mul3A_557, %get3A_551 : vector<16xi32>
      %sub3A = vector.broadcast %mul3A_347 : i32 to vector<16xi32>
      %sub3A_559 = arith.subi %add3A_558, %sub3A : vector<16xi32>
      %ge3A = arith.constant 0 : i32
      %ge3A_560 = vector.broadcast %ge3A : i32 to vector<16xi32>
      %ge3A_561 = arith.cmpi sge, %sub3A_559, %ge3A_560 : vector<16xi32>
      %lt3A = arith.constant 62512 : i32
      %lt3A_562 = vector.broadcast %lt3A : i32 to vector<16xi32>
      %lt3A_563 = arith.cmpi slt, %sub3A_559, %lt3A_562 : vector<16xi32>
      %and3A = arith.andi %ge3A_561, %lt3A_563 : vector<16xi1>
      %jit3A = arith.constant 0 : i32
      %broadcast_in_dim3A_564 = vector.broadcast %jit3A : i32 to vector<16xi32>
      %select_n3A = arith.select %and3A, %sub3A_559, %broadcast_in_dim3A_564 : vector<16xi1>, vector<16xi32>
      %mul3A_565 = arith.mulf %gather3A, %gather3A_554 : vector<16xf32>
      tpu.vector_store_idx %arg6[%select_n3A], %mul3A_565 masked %and3A {add = true} : memref<62512xf32, #tpu.memory_space<vmem>>[vector<16xi32>], vector<16xf32>, vector<16xi1>
      %scan3A_566 = arith.constant 0 : i32
      scf.yield %scan3A_566 : i32
    }
    %scan3A_405 = arith.constant 125 : i32
    %dma_start3A_406 = arith.constant 6000 : i32
    %dma_start3A_407 = tpu.memref_slice %arg2[%dma_start3A_406] : memref<16000xi32, #tpu.memory_space<hbm>> -> memref<2000xi32, #tpu.memory_space<hbm>>
    %dma_start3A_408 = arith.constant 6000 : i32
    %dma_start3A_409 = tpu.memref_slice %arg2[%dma_start3A_408] : memref<16000xi32, #tpu.memory_space<hbm>> -> memref<2000xi32, #tpu.memory_space<hbm>>
    tpu.enqueue_dma source(%dma_start3A_409 : memref<2000xi32, #tpu.memory_space<hbm>>) target(%arg9 : memref<2000xi32, #tpu.memory_space<vmem>>) target_semaphore(%arg12 : memref<!tpu.dma_semaphore, #tpu.memory_space<semaphore_mem>>)
    %dma_start3A_410 = arith.constant 6000 : i32
    %dma_start3A_411 = tpu.memref_slice %arg3[%dma_start3A_410] : memref<16000xi32, #tpu.memory_space<hbm>> -> memref<2000xi32, #tpu.memory_space<hbm>>
    %dma_start3A_412 = arith.constant 6000 : i32
    %dma_start3A_413 = tpu.memref_slice %arg3[%dma_start3A_412] : memref<16000xi32, #tpu.memory_space<hbm>> -> memref<2000xi32, #tpu.memory_space<hbm>>
    tpu.enqueue_dma source(%dma_start3A_413 : memref<2000xi32, #tpu.memory_space<hbm>>) target(%arg11 : memref<2000xi32, #tpu.memory_space<vmem>>) target_semaphore(%arg12 : memref<!tpu.dma_semaphore, #tpu.memory_space<semaphore_mem>>)
    %dma_wait3A_414 = arith.constant 4000 : i32
    %dma_wait3A_415 = tpu.memref_slice %arg2[%dma_wait3A_414] : memref<16000xi32, #tpu.memory_space<hbm>> -> memref<2000xi32, #tpu.memory_space<hbm>>
    %dma_wait3A_416 = arith.constant 4000 : i32
    %dma_wait3A_417 = tpu.memref_slice %arg2[%dma_wait3A_416] : memref<16000xi32, #tpu.memory_space<hbm>> -> memref<2000xi32, #tpu.memory_space<hbm>>
    tpu.wait_dma2 semaphore(%arg12 : memref<!tpu.dma_semaphore, #tpu.memory_space<semaphore_mem>>) src(%dma_wait3A_417 : memref<2000xi32, #tpu.memory_space<hbm>>) dst(%arg8 : memref<2000xi32, #tpu.memory_space<vmem>>)
    %dma_wait3A_418 = arith.constant 4000 : i32
    %dma_wait3A_419 = tpu.memref_slice %arg3[%dma_wait3A_418] : memref<16000xi32, #tpu.memory_space<hbm>> -> memref<2000xi32, #tpu.memory_space<hbm>>
    %dma_wait3A_420 = arith.constant 4000 : i32
    %dma_wait3A_421 = tpu.memref_slice %arg3[%dma_wait3A_420] : memref<16000xi32, #tpu.memory_space<hbm>> -> memref<2000xi32, #tpu.memory_space<hbm>>
    tpu.wait_dma2 semaphore(%arg12 : memref<!tpu.dma_semaphore, #tpu.memory_space<semaphore_mem>>) src(%dma_wait3A_421 : memref<2000xi32, #tpu.memory_space<hbm>>) dst(%arg10 : memref<2000xi32, #tpu.memory_space<vmem>>)
    %scan3A_422 = arith.constant 0 : i32
    %scan3A_423 = arith.constant 0 : i32
    %scan3A_424 = arith.constant 125 : i32
    %scan3A_425 = arith.addi %scan3A_423, %scan3A_424 : i32
    %scan3A_426 = arith.constant 1 : i32
    %scan3A_427 = scf.for %scan3A_547 = %scan3A_423 to %scan3A_425 step %scan3A_426 iter_args(%scan3A_548 = %scan3A_422) -> (i32)  : i32 {
      %mul3A_549 = arith.constant 16 : i32
      %mul3A_550 = arith.muli %scan3A_547, %mul3A_549 : i32
      %get3A = arith.index_cast %mul3A_550 : i32 to index
      %get3A_551 = tpu.vector_load %arg8[%get3A] {strides = array<i32>} : memref<2000xi32, #tpu.memory_space<vmem>>, vector<16xi32>,
      %get3A_552 = arith.index_cast %mul3A_550 : i32 to index
      %get3A_553 = tpu.vector_load %arg10[%get3A_552] {strides = array<i32>} : memref<2000xi32, #tpu.memory_space<vmem>>, vector<16xi32>,
      %gather3A = tpu.vector_load_idx %arg7[%get3A_553] : memref<2000xf32, #tpu.memory_space<vmem>>[vector<16xi32>], vector<16xf32>,
      %gather3A_554 = tpu.vector_load_idx %arg7[%get3A_551] : memref<2000xf32, #tpu.memory_space<vmem>>[vector<16xi32>], vector<16xf32>,
      %mul3A_555 = arith.constant 2000 : i32
      %mul3A_556 = vector.broadcast %mul3A_555 : i32 to vector<16xi32>
      %mul3A_557 = arith.muli %get3A_553, %mul3A_556 : vector<16xi32>
      %add3A_558 = arith.addi %mul3A_557, %get3A_551 : vector<16xi32>
      %sub3A = vector.broadcast %mul3A_347 : i32 to vector<16xi32>
      %sub3A_559 = arith.subi %add3A_558, %sub3A : vector<16xi32>
      %ge3A = arith.constant 0 : i32
      %ge3A_560 = vector.broadcast %ge3A : i32 to vector<16xi32>
      %ge3A_561 = arith.cmpi sge, %sub3A_559, %ge3A_560 : vector<16xi32>
      %lt3A = arith.constant 62512 : i32
      %lt3A_562 = vector.broadcast %lt3A : i32 to vector<16xi32>
      %lt3A_563 = arith.cmpi slt, %sub3A_559, %lt3A_562 : vector<16xi32>
      %and3A = arith.andi %ge3A_561, %lt3A_563 : vector<16xi1>
      %jit3A = arith.constant 0 : i32
      %broadcast_in_dim3A_564 = vector.broadcast %jit3A : i32 to vector<16xi32>
      %select_n3A = arith.select %and3A, %sub3A_559, %broadcast_in_dim3A_564 : vector<16xi1>, vector<16xi32>
      %mul3A_565 = arith.mulf %gather3A, %gather3A_554 : vector<16xf32>
      tpu.vector_store_idx %arg6[%select_n3A], %mul3A_565 masked %and3A {add = true} : memref<62512xf32, #tpu.memory_space<vmem>>[vector<16xi32>], vector<16xf32>, vector<16xi1>
      %scan3A_566 = arith.constant 0 : i32
      scf.yield %scan3A_566 : i32
    }
    %scan3A_428 = arith.constant 125 : i32
    %dma_start3A_429 = arith.constant 8000 : i32
    %dma_start3A_430 = tpu.memref_slice %arg2[%dma_start3A_429] : memref<16000xi32, #tpu.memory_space<hbm>> -> memref<2000xi32, #tpu.memory_space<hbm>>
    %dma_start3A_431 = arith.constant 8000 : i32
    %dma_start3A_432 = tpu.memref_slice %arg2[%dma_start3A_431] : memref<16000xi32, #tpu.memory_space<hbm>> -> memref<2000xi32, #tpu.memory_space<hbm>>
    tpu.enqueue_dma source(%dma_start3A_432 : memref<2000xi32, #tpu.memory_space<hbm>>) target(%arg8 : memref<2000xi32, #tpu.memory_space<vmem>>) target_semaphore(%arg12 : memref<!tpu.dma_semaphore, #tpu.memory_space<semaphore_mem>>)
    %dma_start3A_433 = arith.constant 8000 : i32
    %dma_start3A_434 = tpu.memref_slice %arg3[%dma_start3A_433] : memref<16000xi32, #tpu.memory_space<hbm>> -> memref<2000xi32, #tpu.memory_space<hbm>>
    %dma_start3A_435 = arith.constant 8000 : i32
    %dma_start3A_436 = tpu.memref_slice %arg3[%dma_start3A_435] : memref<16000xi32, #tpu.memory_space<hbm>> -> memref<2000xi32, #tpu.memory_space<hbm>>
    tpu.enqueue_dma source(%dma_start3A_436 : memref<2000xi32, #tpu.memory_space<hbm>>) target(%arg10 : memref<2000xi32, #tpu.memory_space<vmem>>) target_semaphore(%arg12 : memref<!tpu.dma_semaphore, #tpu.memory_space<semaphore_mem>>)
    %dma_wait3A_437 = arith.constant 6000 : i32
    %dma_wait3A_438 = tpu.memref_slice %arg2[%dma_wait3A_437] : memref<16000xi32, #tpu.memory_space<hbm>> -> memref<2000xi32, #tpu.memory_space<hbm>>
    %dma_wait3A_439 = arith.constant 6000 : i32
    %dma_wait3A_440 = tpu.memref_slice %arg2[%dma_wait3A_439] : memref<16000xi32, #tpu.memory_space<hbm>> -> memref<2000xi32, #tpu.memory_space<hbm>>
    tpu.wait_dma2 semaphore(%arg12 : memref<!tpu.dma_semaphore, #tpu.memory_space<semaphore_mem>>) src(%dma_wait3A_440 : memref<2000xi32, #tpu.memory_space<hbm>>) dst(%arg9 : memref<2000xi32, #tpu.memory_space<vmem>>)
    %dma_wait3A_441 = arith.constant 6000 : i32
    %dma_wait3A_442 = tpu.memref_slice %arg3[%dma_wait3A_441] : memref<16000xi32, #tpu.memory_space<hbm>> -> memref<2000xi32, #tpu.memory_space<hbm>>
    %dma_wait3A_443 = arith.constant 6000 : i32
    %dma_wait3A_444 = tpu.memref_slice %arg3[%dma_wait3A_443] : memref<16000xi32, #tpu.memory_space<hbm>> -> memref<2000xi32, #tpu.memory_space<hbm>>
    tpu.wait_dma2 semaphore(%arg12 : memref<!tpu.dma_semaphore, #tpu.memory_space<semaphore_mem>>) src(%dma_wait3A_444 : memref<2000xi32, #tpu.memory_space<hbm>>) dst(%arg11 : memref<2000xi32, #tpu.memory_space<vmem>>)
    %scan3A_445 = arith.constant 0 : i32
    %scan3A_446 = arith.constant 0 : i32
    %scan3A_447 = arith.constant 125 : i32
    %scan3A_448 = arith.addi %scan3A_446, %scan3A_447 : i32
    %scan3A_449 = arith.constant 1 : i32
    %scan3A_450 = scf.for %scan3A_547 = %scan3A_446 to %scan3A_448 step %scan3A_449 iter_args(%scan3A_548 = %scan3A_445) -> (i32)  : i32 {
      %mul3A_549 = arith.constant 16 : i32
      %mul3A_550 = arith.muli %scan3A_547, %mul3A_549 : i32
      %get3A = arith.index_cast %mul3A_550 : i32 to index
      %get3A_551 = tpu.vector_load %arg9[%get3A] {strides = array<i32>} : memref<2000xi32, #tpu.memory_space<vmem>>, vector<16xi32>,
      %get3A_552 = arith.index_cast %mul3A_550 : i32 to index
      %get3A_553 = tpu.vector_load %arg11[%get3A_552] {strides = array<i32>} : memref<2000xi32, #tpu.memory_space<vmem>>, vector<16xi32>,
      %gather3A = tpu.vector_load_idx %arg7[%get3A_553] : memref<2000xf32, #tpu.memory_space<vmem>>[vector<16xi32>], vector<16xf32>,
      %gather3A_554 = tpu.vector_load_idx %arg7[%get3A_551] : memref<2000xf32, #tpu.memory_space<vmem>>[vector<16xi32>], vector<16xf32>,
      %mul3A_555 = arith.constant 2000 : i32
      %mul3A_556 = vector.broadcast %mul3A_555 : i32 to vector<16xi32>
      %mul3A_557 = arith.muli %get3A_553, %mul3A_556 : vector<16xi32>
      %add3A_558 = arith.addi %mul3A_557, %get3A_551 : vector<16xi32>
      %sub3A = vector.broadcast %mul3A_347 : i32 to vector<16xi32>
      %sub3A_559 = arith.subi %add3A_558, %sub3A : vector<16xi32>
      %ge3A = arith.constant 0 : i32
      %ge3A_560 = vector.broadcast %ge3A : i32 to vector<16xi32>
      %ge3A_561 = arith.cmpi sge, %sub3A_559, %ge3A_560 : vector<16xi32>
      %lt3A = arith.constant 62512 : i32
      %lt3A_562 = vector.broadcast %lt3A : i32 to vector<16xi32>
      %lt3A_563 = arith.cmpi slt, %sub3A_559, %lt3A_562 : vector<16xi32>
      %and3A = arith.andi %ge3A_561, %lt3A_563 : vector<16xi1>
      %jit3A = arith.constant 0 : i32
      %broadcast_in_dim3A_564 = vector.broadcast %jit3A : i32 to vector<16xi32>
      %select_n3A = arith.select %and3A, %sub3A_559, %broadcast_in_dim3A_564 : vector<16xi1>, vector<16xi32>
      %mul3A_565 = arith.mulf %gather3A, %gather3A_554 : vector<16xf32>
      tpu.vector_store_idx %arg6[%select_n3A], %mul3A_565 masked %and3A {add = true} : memref<62512xf32, #tpu.memory_space<vmem>>[vector<16xi32>], vector<16xf32>, vector<16xi1>
      %scan3A_566 = arith.constant 0 : i32
      scf.yield %scan3A_566 : i32
    }
    %scan3A_451 = arith.constant 125 : i32
    %dma_start3A_452 = arith.constant 10000 : i32
    %dma_start3A_453 = tpu.memref_slice %arg2[%dma_start3A_452] : memref<16000xi32, #tpu.memory_space<hbm>> -> memref<2000xi32, #tpu.memory_space<hbm>>
    %dma_start3A_454 = arith.constant 10000 : i32
    %dma_start3A_455 = tpu.memref_slice %arg2[%dma_start3A_454] : memref<16000xi32, #tpu.memory_space<hbm>> -> memref<2000xi32, #tpu.memory_space<hbm>>
    tpu.enqueue_dma source(%dma_start3A_455 : memref<2000xi32, #tpu.memory_space<hbm>>) target(%arg9 : memref<2000xi32, #tpu.memory_space<vmem>>) target_semaphore(%arg12 : memref<!tpu.dma_semaphore, #tpu.memory_space<semaphore_mem>>)
    %dma_start3A_456 = arith.constant 10000 : i32
    %dma_start3A_457 = tpu.memref_slice %arg3[%dma_start3A_456] : memref<16000xi32, #tpu.memory_space<hbm>> -> memref<2000xi32, #tpu.memory_space<hbm>>
    %dma_start3A_458 = arith.constant 10000 : i32
    %dma_start3A_459 = tpu.memref_slice %arg3[%dma_start3A_458] : memref<16000xi32, #tpu.memory_space<hbm>> -> memref<2000xi32, #tpu.memory_space<hbm>>
    tpu.enqueue_dma source(%dma_start3A_459 : memref<2000xi32, #tpu.memory_space<hbm>>) target(%arg11 : memref<2000xi32, #tpu.memory_space<vmem>>) target_semaphore(%arg12 : memref<!tpu.dma_semaphore, #tpu.memory_space<semaphore_mem>>)
    %dma_wait3A_460 = arith.constant 8000 : i32
    %dma_wait3A_461 = tpu.memref_slice %arg2[%dma_wait3A_460] : memref<16000xi32, #tpu.memory_space<hbm>> -> memref<2000xi32, #tpu.memory_space<hbm>>
    %dma_wait3A_462 = arith.constant 8000 : i32
    %dma_wait3A_463 = tpu.memref_slice %arg2[%dma_wait3A_462] : memref<16000xi32, #tpu.memory_space<hbm>> -> memref<2000xi32, #tpu.memory_space<hbm>>
    tpu.wait_dma2 semaphore(%arg12 : memref<!tpu.dma_semaphore, #tpu.memory_space<semaphore_mem>>) src(%dma_wait3A_463 : memref<2000xi32, #tpu.memory_space<hbm>>) dst(%arg8 : memref<2000xi32, #tpu.memory_space<vmem>>)
    %dma_wait3A_464 = arith.constant 8000 : i32
    %dma_wait3A_465 = tpu.memref_slice %arg3[%dma_wait3A_464] : memref<16000xi32, #tpu.memory_space<hbm>> -> memref<2000xi32, #tpu.memory_space<hbm>>
    %dma_wait3A_466 = arith.constant 8000 : i32
    %dma_wait3A_467 = tpu.memref_slice %arg3[%dma_wait3A_466] : memref<16000xi32, #tpu.memory_space<hbm>> -> memref<2000xi32, #tpu.memory_space<hbm>>
    tpu.wait_dma2 semaphore(%arg12 : memref<!tpu.dma_semaphore, #tpu.memory_space<semaphore_mem>>) src(%dma_wait3A_467 : memref<2000xi32, #tpu.memory_space<hbm>>) dst(%arg10 : memref<2000xi32, #tpu.memory_space<vmem>>)
    %scan3A_468 = arith.constant 0 : i32
    %scan3A_469 = arith.constant 0 : i32
    %scan3A_470 = arith.constant 125 : i32
    %scan3A_471 = arith.addi %scan3A_469, %scan3A_470 : i32
    %scan3A_472 = arith.constant 1 : i32
    %scan3A_473 = scf.for %scan3A_547 = %scan3A_469 to %scan3A_471 step %scan3A_472 iter_args(%scan3A_548 = %scan3A_468) -> (i32)  : i32 {
      %mul3A_549 = arith.constant 16 : i32
      %mul3A_550 = arith.muli %scan3A_547, %mul3A_549 : i32
      %get3A = arith.index_cast %mul3A_550 : i32 to index
      %get3A_551 = tpu.vector_load %arg8[%get3A] {strides = array<i32>} : memref<2000xi32, #tpu.memory_space<vmem>>, vector<16xi32>,
      %get3A_552 = arith.index_cast %mul3A_550 : i32 to index
      %get3A_553 = tpu.vector_load %arg10[%get3A_552] {strides = array<i32>} : memref<2000xi32, #tpu.memory_space<vmem>>, vector<16xi32>,
      %gather3A = tpu.vector_load_idx %arg7[%get3A_553] : memref<2000xf32, #tpu.memory_space<vmem>>[vector<16xi32>], vector<16xf32>,
      %gather3A_554 = tpu.vector_load_idx %arg7[%get3A_551] : memref<2000xf32, #tpu.memory_space<vmem>>[vector<16xi32>], vector<16xf32>,
      %mul3A_555 = arith.constant 2000 : i32
      %mul3A_556 = vector.broadcast %mul3A_555 : i32 to vector<16xi32>
      %mul3A_557 = arith.muli %get3A_553, %mul3A_556 : vector<16xi32>
      %add3A_558 = arith.addi %mul3A_557, %get3A_551 : vector<16xi32>
      %sub3A = vector.broadcast %mul3A_347 : i32 to vector<16xi32>
      %sub3A_559 = arith.subi %add3A_558, %sub3A : vector<16xi32>
      %ge3A = arith.constant 0 : i32
      %ge3A_560 = vector.broadcast %ge3A : i32 to vector<16xi32>
      %ge3A_561 = arith.cmpi sge, %sub3A_559, %ge3A_560 : vector<16xi32>
      %lt3A = arith.constant 62512 : i32
      %lt3A_562 = vector.broadcast %lt3A : i32 to vector<16xi32>
      %lt3A_563 = arith.cmpi slt, %sub3A_559, %lt3A_562 : vector<16xi32>
      %and3A = arith.andi %ge3A_561, %lt3A_563 : vector<16xi1>
      %jit3A = arith.constant 0 : i32
      %broadcast_in_dim3A_564 = vector.broadcast %jit3A : i32 to vector<16xi32>
      %select_n3A = arith.select %and3A, %sub3A_559, %broadcast_in_dim3A_564 : vector<16xi1>, vector<16xi32>
      %mul3A_565 = arith.mulf %gather3A, %gather3A_554 : vector<16xf32>
      tpu.vector_store_idx %arg6[%select_n3A], %mul3A_565 masked %and3A {add = true} : memref<62512xf32, #tpu.memory_space<vmem>>[vector<16xi32>], vector<16xf32>, vector<16xi1>
      %scan3A_566 = arith.constant 0 : i32
      scf.yield %scan3A_566 : i32
    }
    %scan3A_474 = arith.constant 125 : i32
    %dma_start3A_475 = arith.constant 12000 : i32
    %dma_start3A_476 = tpu.memref_slice %arg2[%dma_start3A_475] : memref<16000xi32, #tpu.memory_space<hbm>> -> memref<2000xi32, #tpu.memory_space<hbm>>
    %dma_start3A_477 = arith.constant 12000 : i32
    %dma_start3A_478 = tpu.memref_slice %arg2[%dma_start3A_477] : memref<16000xi32, #tpu.memory_space<hbm>> -> memref<2000xi32, #tpu.memory_space<hbm>>
    tpu.enqueue_dma source(%dma_start3A_478 : memref<2000xi32, #tpu.memory_space<hbm>>) target(%arg8 : memref<2000xi32, #tpu.memory_space<vmem>>) target_semaphore(%arg12 : memref<!tpu.dma_semaphore, #tpu.memory_space<semaphore_mem>>)
    %dma_start3A_479 = arith.constant 12000 : i32
    %dma_start3A_480 = tpu.memref_slice %arg3[%dma_start3A_479] : memref<16000xi32, #tpu.memory_space<hbm>> -> memref<2000xi32, #tpu.memory_space<hbm>>
    %dma_start3A_481 = arith.constant 12000 : i32
    %dma_start3A_482 = tpu.memref_slice %arg3[%dma_start3A_481] : memref<16000xi32, #tpu.memory_space<hbm>> -> memref<2000xi32, #tpu.memory_space<hbm>>
    tpu.enqueue_dma source(%dma_start3A_482 : memref<2000xi32, #tpu.memory_space<hbm>>) target(%arg10 : memref<2000xi32, #tpu.memory_space<vmem>>) target_semaphore(%arg12 : memref<!tpu.dma_semaphore, #tpu.memory_space<semaphore_mem>>)
    %dma_wait3A_483 = arith.constant 10000 : i32
    %dma_wait3A_484 = tpu.memref_slice %arg2[%dma_wait3A_483] : memref<16000xi32, #tpu.memory_space<hbm>> -> memref<2000xi32, #tpu.memory_space<hbm>>
    %dma_wait3A_485 = arith.constant 10000 : i32
    %dma_wait3A_486 = tpu.memref_slice %arg2[%dma_wait3A_485] : memref<16000xi32, #tpu.memory_space<hbm>> -> memref<2000xi32, #tpu.memory_space<hbm>>
    tpu.wait_dma2 semaphore(%arg12 : memref<!tpu.dma_semaphore, #tpu.memory_space<semaphore_mem>>) src(%dma_wait3A_486 : memref<2000xi32, #tpu.memory_space<hbm>>) dst(%arg9 : memref<2000xi32, #tpu.memory_space<vmem>>)
    %dma_wait3A_487 = arith.constant 10000 : i32
    %dma_wait3A_488 = tpu.memref_slice %arg3[%dma_wait3A_487] : memref<16000xi32, #tpu.memory_space<hbm>> -> memref<2000xi32, #tpu.memory_space<hbm>>
    %dma_wait3A_489 = arith.constant 10000 : i32
    %dma_wait3A_490 = tpu.memref_slice %arg3[%dma_wait3A_489] : memref<16000xi32, #tpu.memory_space<hbm>> -> memref<2000xi32, #tpu.memory_space<hbm>>
    tpu.wait_dma2 semaphore(%arg12 : memref<!tpu.dma_semaphore, #tpu.memory_space<semaphore_mem>>) src(%dma_wait3A_490 : memref<2000xi32, #tpu.memory_space<hbm>>) dst(%arg11 : memref<2000xi32, #tpu.memory_space<vmem>>)
    %scan3A_491 = arith.constant 0 : i32
    %scan3A_492 = arith.constant 0 : i32
    %scan3A_493 = arith.constant 125 : i32
    %scan3A_494 = arith.addi %scan3A_492, %scan3A_493 : i32
    %scan3A_495 = arith.constant 1 : i32
    %scan3A_496 = scf.for %scan3A_547 = %scan3A_492 to %scan3A_494 step %scan3A_495 iter_args(%scan3A_548 = %scan3A_491) -> (i32)  : i32 {
      %mul3A_549 = arith.constant 16 : i32
      %mul3A_550 = arith.muli %scan3A_547, %mul3A_549 : i32
      %get3A = arith.index_cast %mul3A_550 : i32 to index
      %get3A_551 = tpu.vector_load %arg9[%get3A] {strides = array<i32>} : memref<2000xi32, #tpu.memory_space<vmem>>, vector<16xi32>,
      %get3A_552 = arith.index_cast %mul3A_550 : i32 to index
      %get3A_553 = tpu.vector_load %arg11[%get3A_552] {strides = array<i32>} : memref<2000xi32, #tpu.memory_space<vmem>>, vector<16xi32>,
      %gather3A = tpu.vector_load_idx %arg7[%get3A_553] : memref<2000xf32, #tpu.memory_space<vmem>>[vector<16xi32>], vector<16xf32>,
      %gather3A_554 = tpu.vector_load_idx %arg7[%get3A_551] : memref<2000xf32, #tpu.memory_space<vmem>>[vector<16xi32>], vector<16xf32>,
      %mul3A_555 = arith.constant 2000 : i32
      %mul3A_556 = vector.broadcast %mul3A_555 : i32 to vector<16xi32>
      %mul3A_557 = arith.muli %get3A_553, %mul3A_556 : vector<16xi32>
      %add3A_558 = arith.addi %mul3A_557, %get3A_551 : vector<16xi32>
      %sub3A = vector.broadcast %mul3A_347 : i32 to vector<16xi32>
      %sub3A_559 = arith.subi %add3A_558, %sub3A : vector<16xi32>
      %ge3A = arith.constant 0 : i32
      %ge3A_560 = vector.broadcast %ge3A : i32 to vector<16xi32>
      %ge3A_561 = arith.cmpi sge, %sub3A_559, %ge3A_560 : vector<16xi32>
      %lt3A = arith.constant 62512 : i32
      %lt3A_562 = vector.broadcast %lt3A : i32 to vector<16xi32>
      %lt3A_563 = arith.cmpi slt, %sub3A_559, %lt3A_562 : vector<16xi32>
      %and3A = arith.andi %ge3A_561, %lt3A_563 : vector<16xi1>
      %jit3A = arith.constant 0 : i32
      %broadcast_in_dim3A_564 = vector.broadcast %jit3A : i32 to vector<16xi32>
      %select_n3A = arith.select %and3A, %sub3A_559, %broadcast_in_dim3A_564 : vector<16xi1>, vector<16xi32>
      %mul3A_565 = arith.mulf %gather3A, %gather3A_554 : vector<16xf32>
      tpu.vector_store_idx %arg6[%select_n3A], %mul3A_565 masked %and3A {add = true} : memref<62512xf32, #tpu.memory_space<vmem>>[vector<16xi32>], vector<16xf32>, vector<16xi1>
      %scan3A_566 = arith.constant 0 : i32
      scf.yield %scan3A_566 : i32
    }
    %scan3A_497 = arith.constant 125 : i32
    %dma_start3A_498 = arith.constant 14000 : i32
    %dma_start3A_499 = tpu.memref_slice %arg2[%dma_start3A_498] : memref<16000xi32, #tpu.memory_space<hbm>> -> memref<2000xi32, #tpu.memory_space<hbm>>
    %dma_start3A_500 = arith.constant 14000 : i32
    %dma_start3A_501 = tpu.memref_slice %arg2[%dma_start3A_500] : memref<16000xi32, #tpu.memory_space<hbm>> -> memref<2000xi32, #tpu.memory_space<hbm>>
    tpu.enqueue_dma source(%dma_start3A_501 : memref<2000xi32, #tpu.memory_space<hbm>>) target(%arg9 : memref<2000xi32, #tpu.memory_space<vmem>>) target_semaphore(%arg12 : memref<!tpu.dma_semaphore, #tpu.memory_space<semaphore_mem>>)
    %dma_start3A_502 = arith.constant 14000 : i32
    %dma_start3A_503 = tpu.memref_slice %arg3[%dma_start3A_502] : memref<16000xi32, #tpu.memory_space<hbm>> -> memref<2000xi32, #tpu.memory_space<hbm>>
    %dma_start3A_504 = arith.constant 14000 : i32
    %dma_start3A_505 = tpu.memref_slice %arg3[%dma_start3A_504] : memref<16000xi32, #tpu.memory_space<hbm>> -> memref<2000xi32, #tpu.memory_space<hbm>>
    tpu.enqueue_dma source(%dma_start3A_505 : memref<2000xi32, #tpu.memory_space<hbm>>) target(%arg11 : memref<2000xi32, #tpu.memory_space<vmem>>) target_semaphore(%arg12 : memref<!tpu.dma_semaphore, #tpu.memory_space<semaphore_mem>>)
    %dma_wait3A_506 = arith.constant 12000 : i32
    %dma_wait3A_507 = tpu.memref_slice %arg2[%dma_wait3A_506] : memref<16000xi32, #tpu.memory_space<hbm>> -> memref<2000xi32, #tpu.memory_space<hbm>>
    %dma_wait3A_508 = arith.constant 12000 : i32
    %dma_wait3A_509 = tpu.memref_slice %arg2[%dma_wait3A_508] : memref<16000xi32, #tpu.memory_space<hbm>> -> memref<2000xi32, #tpu.memory_space<hbm>>
    tpu.wait_dma2 semaphore(%arg12 : memref<!tpu.dma_semaphore, #tpu.memory_space<semaphore_mem>>) src(%dma_wait3A_509 : memref<2000xi32, #tpu.memory_space<hbm>>) dst(%arg8 : memref<2000xi32, #tpu.memory_space<vmem>>)
    %dma_wait3A_510 = arith.constant 12000 : i32
    %dma_wait3A_511 = tpu.memref_slice %arg3[%dma_wait3A_510] : memref<16000xi32, #tpu.memory_space<hbm>> -> memref<2000xi32, #tpu.memory_space<hbm>>
    %dma_wait3A_512 = arith.constant 12000 : i32
    %dma_wait3A_513 = tpu.memref_slice %arg3[%dma_wait3A_512] : memref<16000xi32, #tpu.memory_space<hbm>> -> memref<2000xi32, #tpu.memory_space<hbm>>
    tpu.wait_dma2 semaphore(%arg12 : memref<!tpu.dma_semaphore, #tpu.memory_space<semaphore_mem>>) src(%dma_wait3A_513 : memref<2000xi32, #tpu.memory_space<hbm>>) dst(%arg10 : memref<2000xi32, #tpu.memory_space<vmem>>)
    %scan3A_514 = arith.constant 0 : i32
    %scan3A_515 = arith.constant 0 : i32
    %scan3A_516 = arith.constant 125 : i32
    %scan3A_517 = arith.addi %scan3A_515, %scan3A_516 : i32
    %scan3A_518 = arith.constant 1 : i32
    %scan3A_519 = scf.for %scan3A_547 = %scan3A_515 to %scan3A_517 step %scan3A_518 iter_args(%scan3A_548 = %scan3A_514) -> (i32)  : i32 {
      %mul3A_549 = arith.constant 16 : i32
      %mul3A_550 = arith.muli %scan3A_547, %mul3A_549 : i32
      %get3A = arith.index_cast %mul3A_550 : i32 to index
      %get3A_551 = tpu.vector_load %arg8[%get3A] {strides = array<i32>} : memref<2000xi32, #tpu.memory_space<vmem>>, vector<16xi32>,
      %get3A_552 = arith.index_cast %mul3A_550 : i32 to index
      %get3A_553 = tpu.vector_load %arg10[%get3A_552] {strides = array<i32>} : memref<2000xi32, #tpu.memory_space<vmem>>, vector<16xi32>,
      %gather3A = tpu.vector_load_idx %arg7[%get3A_553] : memref<2000xf32, #tpu.memory_space<vmem>>[vector<16xi32>], vector<16xf32>,
      %gather3A_554 = tpu.vector_load_idx %arg7[%get3A_551] : memref<2000xf32, #tpu.memory_space<vmem>>[vector<16xi32>], vector<16xf32>,
      %mul3A_555 = arith.constant 2000 : i32
      %mul3A_556 = vector.broadcast %mul3A_555 : i32 to vector<16xi32>
      %mul3A_557 = arith.muli %get3A_553, %mul3A_556 : vector<16xi32>
      %add3A_558 = arith.addi %mul3A_557, %get3A_551 : vector<16xi32>
      %sub3A = vector.broadcast %mul3A_347 : i32 to vector<16xi32>
      %sub3A_559 = arith.subi %add3A_558, %sub3A : vector<16xi32>
      %ge3A = arith.constant 0 : i32
      %ge3A_560 = vector.broadcast %ge3A : i32 to vector<16xi32>
      %ge3A_561 = arith.cmpi sge, %sub3A_559, %ge3A_560 : vector<16xi32>
      %lt3A = arith.constant 62512 : i32
      %lt3A_562 = vector.broadcast %lt3A : i32 to vector<16xi32>
      %lt3A_563 = arith.cmpi slt, %sub3A_559, %lt3A_562 : vector<16xi32>
      %and3A = arith.andi %ge3A_561, %lt3A_563 : vector<16xi1>
      %jit3A = arith.constant 0 : i32
      %broadcast_in_dim3A_564 = vector.broadcast %jit3A : i32 to vector<16xi32>
      %select_n3A = arith.select %and3A, %sub3A_559, %broadcast_in_dim3A_564 : vector<16xi1>, vector<16xi32>
      %mul3A_565 = arith.mulf %gather3A, %gather3A_554 : vector<16xf32>
      tpu.vector_store_idx %arg6[%select_n3A], %mul3A_565 masked %and3A {add = true} : memref<62512xf32, #tpu.memory_space<vmem>>[vector<16xi32>], vector<16xf32>, vector<16xi1>
      %scan3A_566 = arith.constant 0 : i32
      scf.yield %scan3A_566 : i32
    }
    %scan3A_520 = arith.constant 125 : i32
    %dma_wait3A_521 = arith.constant 14000 : i32
    %dma_wait3A_522 = tpu.memref_slice %arg2[%dma_wait3A_521] : memref<16000xi32, #tpu.memory_space<hbm>> -> memref<2000xi32, #tpu.memory_space<hbm>>
    %dma_wait3A_523 = arith.constant 14000 : i32
    %dma_wait3A_524 = tpu.memref_slice %arg2[%dma_wait3A_523] : memref<16000xi32, #tpu.memory_space<hbm>> -> memref<2000xi32, #tpu.memory_space<hbm>>
    tpu.wait_dma2 semaphore(%arg12 : memref<!tpu.dma_semaphore, #tpu.memory_space<semaphore_mem>>) src(%dma_wait3A_524 : memref<2000xi32, #tpu.memory_space<hbm>>) dst(%arg9 : memref<2000xi32, #tpu.memory_space<vmem>>)
    %dma_wait3A_525 = arith.constant 14000 : i32
    %dma_wait3A_526 = tpu.memref_slice %arg3[%dma_wait3A_525] : memref<16000xi32, #tpu.memory_space<hbm>> -> memref<2000xi32, #tpu.memory_space<hbm>>
    %dma_wait3A_527 = arith.constant 14000 : i32
    %dma_wait3A_528 = tpu.memref_slice %arg3[%dma_wait3A_527] : memref<16000xi32, #tpu.memory_space<hbm>> -> memref<2000xi32, #tpu.memory_space<hbm>>
    tpu.wait_dma2 semaphore(%arg12 : memref<!tpu.dma_semaphore, #tpu.memory_space<semaphore_mem>>) src(%dma_wait3A_528 : memref<2000xi32, #tpu.memory_space<hbm>>) dst(%arg11 : memref<2000xi32, #tpu.memory_space<vmem>>)
    %scan3A_529 = arith.constant 0 : i32
    %scan3A_530 = arith.constant 0 : i32
    %scan3A_531 = arith.constant 125 : i32
    %scan3A_532 = arith.addi %scan3A_530, %scan3A_531 : i32
    %scan3A_533 = arith.constant 1 : i32
    %scan3A_534 = scf.for %scan3A_547 = %scan3A_530 to %scan3A_532 step %scan3A_533 iter_args(%scan3A_548 = %scan3A_529) -> (i32)  : i32 {
      %mul3A_549 = arith.constant 16 : i32
      %mul3A_550 = arith.muli %scan3A_547, %mul3A_549 : i32
      %get3A = arith.index_cast %mul3A_550 : i32 to index
      %get3A_551 = tpu.vector_load %arg9[%get3A] {strides = array<i32>} : memref<2000xi32, #tpu.memory_space<vmem>>, vector<16xi32>,
      %get3A_552 = arith.index_cast %mul3A_550 : i32 to index
      %get3A_553 = tpu.vector_load %arg11[%get3A_552] {strides = array<i32>} : memref<2000xi32, #tpu.memory_space<vmem>>, vector<16xi32>,
      %gather3A = tpu.vector_load_idx %arg7[%get3A_553] : memref<2000xf32, #tpu.memory_space<vmem>>[vector<16xi32>], vector<16xf32>,
      %gather3A_554 = tpu.vector_load_idx %arg7[%get3A_551] : memref<2000xf32, #tpu.memory_space<vmem>>[vector<16xi32>], vector<16xf32>,
      %mul3A_555 = arith.constant 2000 : i32
      %mul3A_556 = vector.broadcast %mul3A_555 : i32 to vector<16xi32>
      %mul3A_557 = arith.muli %get3A_553, %mul3A_556 : vector<16xi32>
      %add3A_558 = arith.addi %mul3A_557, %get3A_551 : vector<16xi32>
      %sub3A = vector.broadcast %mul3A_347 : i32 to vector<16xi32>
      %sub3A_559 = arith.subi %add3A_558, %sub3A : vector<16xi32>
      %ge3A = arith.constant 0 : i32
      %ge3A_560 = vector.broadcast %ge3A : i32 to vector<16xi32>
      %ge3A_561 = arith.cmpi sge, %sub3A_559, %ge3A_560 : vector<16xi32>
      %lt3A = arith.constant 62512 : i32
      %lt3A_562 = vector.broadcast %lt3A : i32 to vector<16xi32>
      %lt3A_563 = arith.cmpi slt, %sub3A_559, %lt3A_562 : vector<16xi32>
      %and3A = arith.andi %ge3A_561, %lt3A_563 : vector<16xi1>
      %jit3A = arith.constant 0 : i32
      %broadcast_in_dim3A_564 = vector.broadcast %jit3A : i32 to vector<16xi32>
      %select_n3A = arith.select %and3A, %sub3A_559, %broadcast_in_dim3A_564 : vector<16xi1>, vector<16xi32>
      %mul3A_565 = arith.mulf %gather3A, %gather3A_554 : vector<16xf32>
      tpu.vector_store_idx %arg6[%select_n3A], %mul3A_565 masked %and3A {add = true} : memref<62512xf32, #tpu.memory_space<vmem>>[vector<16xi32>], vector<16xf32>, vector<16xi1>
      %scan3A_566 = arith.constant 0 : i32
      scf.yield %scan3A_566 : i32
    }
    %scan3A_535 = arith.constant 125 : i32
    %scan3A_536 = arith.constant 0 : i32
    %scan3A_537 = arith.constant 0 : i32
    %scan3A_538 = arith.constant 125 : i32
    %scan3A_539 = arith.addi %scan3A_537, %scan3A_538 : i32
    %scan3A_540 = arith.constant 1 : i32
    %scan3A_541 = scf.for %scan3A_547 = %scan3A_537 to %scan3A_539 step %scan3A_540 iter_args(%scan3A_548 = %scan3A_536) -> (i32)  : i32 {
      %mul3A_549 = arith.constant 16 : i32
      %mul3A_550 = arith.muli %scan3A_547, %mul3A_549 : i32
      %get3A = arith.index_cast %mul3A_550 : i32 to index
      %get3A_551 = tpu.vector_load %arg7[%get3A] {strides = array<i32>} : memref<2000xf32, #tpu.memory_space<vmem>>, vector<16xf32>,
      %iota3A = tpu.iota {dimensions = array<i32: 0>} : vector<16xi32>
      %mul3A_552 = arith.constant 16 : i32
      %mul3A_553 = arith.muli %scan3A_547, %mul3A_552 : i32
      %add3A_554 = vector.broadcast %mul3A_553 : i32 to vector<16xi32>
      %add3A_555 = arith.addi %iota3A, %add3A_554 : vector<16xi32>
      %mul3A_556 = arith.constant 2001 : i32
      %mul3A_557 = vector.broadcast %mul3A_556 : i32 to vector<16xi32>
      %mul3A_558 = arith.muli %add3A_555, %mul3A_557 : vector<16xi32>
      %sub3A = vector.broadcast %mul3A_347 : i32 to vector<16xi32>
      %sub3A_559 = arith.subi %mul3A_558, %sub3A : vector<16xi32>
      %ge3A = arith.constant 0 : i32
      %ge3A_560 = vector.broadcast %ge3A : i32 to vector<16xi32>
      %ge3A_561 = arith.cmpi sge, %sub3A_559, %ge3A_560 : vector<16xi32>
      %lt3A = arith.constant 62512 : i32
      %lt3A_562 = vector.broadcast %lt3A : i32 to vector<16xi32>
      %lt3A_563 = arith.cmpi slt, %sub3A_559, %lt3A_562 : vector<16xi32>
      %and3A = arith.andi %ge3A_561, %lt3A_563 : vector<16xi1>
      %jit3A = arith.constant 0 : i32
      %broadcast_in_dim3A_564 = vector.broadcast %jit3A : i32 to vector<16xi32>
      %select_n3A = arith.select %and3A, %sub3A_559, %broadcast_in_dim3A_564 : vector<16xi1>, vector<16xi32>
      %mul3A_565 = arith.mulf %get3A_551, %get3A_551 : vector<16xf32>
      tpu.vector_store_idx %arg6[%select_n3A], %mul3A_565 masked %and3A {add = true} : memref<62512xf32, #tpu.memory_space<vmem>>[vector<16xi32>], vector<16xf32>, vector<16xi1>
      %scan3A_566 = arith.constant 0 : i32
      scf.yield %scan3A_566 : i32
    }
    %scan3A_542 = arith.constant 125 : i32
    %dma_start3A_543 = tpu.memref_slice %arg5[%mul3A_347] : memref<4000768xf32, #tpu.memory_space<hbm>> -> memref<62512xf32, #tpu.memory_space<hbm>>
    %dma_start3A_544 = tpu.memref_slice %arg5[%mul3A_347] : memref<4000768xf32, #tpu.memory_space<hbm>> -> memref<62512xf32, #tpu.memory_space<hbm>>
    tpu.enqueue_dma source(%arg6 : memref<62512xf32, #tpu.memory_space<vmem>>) target(%dma_start3A_544 : memref<62512xf32, #tpu.memory_space<hbm>>) target_semaphore(%arg13 : memref<!tpu.dma_semaphore, #tpu.memory_space<semaphore_mem>>)
    %dma_wait3A_545 = tpu.memref_slice %arg5[%mul3A_347] : memref<4000768xf32, #tpu.memory_space<hbm>> -> memref<62512xf32, #tpu.memory_space<hbm>>
    %dma_wait3A_546 = tpu.memref_slice %arg5[%mul3A_347] : memref<4000768xf32, #tpu.memory_space<hbm>> -> memref<62512xf32, #tpu.memory_space<hbm>>
    tpu.wait_dma2 semaphore(%arg13 : memref<!tpu.dma_semaphore, #tpu.memory_space<semaphore_mem>>) src(%arg6 : memref<62512xf32, #tpu.memory_space<vmem>>) dst(%dma_wait3A_546 : memref<62512xf32, #tpu.memory_space<hbm>>)
    return
  }
}

module attributes {stable_mosaic.version = 14 : i64} {
  func.func @_prop1_body(%arg0: memref<2000x512xf32, #tpu.memory_space<vmem>>, %arg1: memref<2000x2000xbf16, #tpu.memory_space<vmem>>, %arg2: memref<1x512xf32, #tpu.memory_space<vmem>>, %arg3: memref<1x512xf32, #tpu.memory_space<vmem>>, %arg4: memref<2000x512xf32, #tpu.memory_space<vmem>>) attributes {dimension_semantics = [], scalar_prefetch = 0 : i64, scratch_operands = 0 : i64, tpu.core_type = #tpu.core_type<tc>} {
    %get3A = arith.constant 0 : index
    %get3A_0 = arith.constant 0 : index
    %get3A_1 = vector.load %arg0[%get3A, %get3A_0] : memref<2000x512xf32, #tpu.memory_space<vmem>>, vector<2000x512xf32>
    %get3A_2 = arith.constant 0 : index
    %get3A_3 = arith.constant 0 : index
    %get3A_4 = vector.load %arg2[%get3A_2, %get3A_3] : memref<1x512xf32, #tpu.memory_space<vmem>>, vector<1x512xf32>
    %mul3A = vector.broadcast %get3A_4 : vector<1x512xf32> to vector<2000x512xf32>
    %mul3A_5 = arith.mulf %get3A_1, %mul3A : vector<2000x512xf32>
    %get3A_6 = arith.constant 0 : index
    %get3A_7 = arith.constant 0 : index
    %get3A_8 = vector.load %arg3[%get3A_6, %get3A_7] : memref<1x512xf32, #tpu.memory_space<vmem>>, vector<1x512xf32>
    %add3A = vector.broadcast %get3A_8 : vector<1x512xf32> to vector<2000x512xf32>
    %add3A_9 = arith.addf %mul3A_5, %add3A : vector<2000x512xf32>
    %get3A_10 = arith.constant 0 : index
    %get3A_11 = arith.constant 0 : index
    %get3A_12 = vector.load %arg1[%get3A_10, %get3A_11] : memref<2000x2000xbf16, #tpu.memory_space<vmem>>, vector<2000x2000xbf16>
    %convert_element_type3A = arith.truncf %add3A_9 : vector<2000x512xf32> to vector<2000x512xbf16>
    %dot_general3A = arith.constant dense<0.000000e+00> : vector<2000x512xf32>
    %dot_general3A_13 = tpu.matmul %get3A_12, %convert_element_type3A, %dot_general3A {dimension_numbers = #tpu.dot_dimension_numbers<[1], [0], [0], [1], [0, 0, 1, 1], [], []>, transpose_lhs_hint = false} : vector<2000x2000xbf16>, vector<2000x512xbf16>, vector<2000x512xf32> -> vector<2000x512xf32>
    %swap3A = arith.constant 0 : index
    %swap3A_14 = arith.constant 0 : index
    %swap3A_15 = vector.load %arg4[%swap3A, %swap3A_14] : memref<2000x512xf32, #tpu.memory_space<vmem>>, vector<2000x512xf32>
    tpu.vector_store %arg4[%swap3A, %swap3A_14], %dot_general3A_13 {strides = array<i32>} : memref<2000x512xf32, #tpu.memory_space<vmem>>, vector<2000x512xf32>,
    return
  }
}

module attributes {stable_mosaic.version = 14 : i64} {
  func.func @_gcn_body(%arg0: i32, %arg1: memref<1x2000x64xf32, #tpu.memory_space<vmem>>, %arg2: memref<2000x2000xbf16, #tpu.memory_space<vmem>>, %arg3: memref<64x1024xbf16, #tpu.memory_space<vmem>>, %arg4: memref<128x128xbf16, #tpu.memory_space<vmem>>, %arg5: memref<128x128xbf16, #tpu.memory_space<vmem>>, %arg6: memref<1x1024xf32, #tpu.memory_space<vmem>>, %arg7: memref<1x1024xf32, #tpu.memory_space<vmem>>, %arg8: memref<1x1024xf32, #tpu.memory_space<vmem>>, %arg9: memref<1x1x1024xf32, #tpu.memory_space<vmem>>) attributes {dimension_semantics = [#tpu.dimension_semantics<arbitrary>], iteration_bounds = array<i64: 8>, scalar_prefetch = 0 : i64, scratch_operands = 0 : i64, tpu.core_type = #tpu.core_type<tc>, window_params = [{transform_indices = @transform_0, window_bounds = array<i64: 1, 2000, 64>}, {pipeline_mode = #tpu.pipeline_mode<synchronous>, transform_indices = @transform_1, window_bounds = array<i64: 2000, 2000>}, {pipeline_mode = #tpu.pipeline_mode<synchronous>, transform_indices = @transform_2, window_bounds = array<i64: 64, 1024>}, {pipeline_mode = #tpu.pipeline_mode<synchronous>, transform_indices = @transform_3, window_bounds = array<i64: 128, 128>}, {pipeline_mode = #tpu.pipeline_mode<synchronous>, transform_indices = @transform_4, window_bounds = array<i64: 128, 128>}, {pipeline_mode = #tpu.pipeline_mode<synchronous>, transform_indices = @transform_5, window_bounds = array<i64: 1, 1024>}, {pipeline_mode = #tpu.pipeline_mode<synchronous>, transform_indices = @transform_6, window_bounds = array<i64: 1, 1024>}, {pipeline_mode = #tpu.pipeline_mode<synchronous>, transform_indices = @transform_7, window_bounds = array<i64: 1, 1024>}, {transform_indices = @transform_8, window_bounds = array<i64: 1, 1, 1024>}]} {
    %get3A = arith.constant 0 : index
    %get3A_0 = arith.constant 0 : index
    %get3A_1 = vector.load %arg2[%get3A, %get3A_0] : memref<2000x2000xbf16, #tpu.memory_space<vmem>>, vector<2000x2000xbf16>
    %get3A_2 = arith.constant 0 : index
    %get3A_3 = arith.constant 0 : index
    %get3A_4 = arith.constant 0 : index
    %get3A_5 = vector.load %arg1[%get3A_2, %get3A_3, %get3A_4] : memref<1x2000x64xf32, #tpu.memory_space<vmem>>, vector<1x2000x64xf32>
    %get3A_6 = vector.shape_cast %get3A_5 : vector<1x2000x64xf32> to vector<2000x64xf32>
    %convert_element_type3A = arith.truncf %get3A_6 : vector<2000x64xf32> to vector<2000x64xbf16>
    %get3A_7 = arith.constant 0 : index
    %get3A_8 = arith.constant 0 : index
    %get3A_9 = vector.load %arg3[%get3A_7, %get3A_8] : memref<64x1024xbf16, #tpu.memory_space<vmem>>, vector<64x1024xbf16>
    %dot_general3A = arith.constant dense<0.000000e+00> : vector<2000x1024xf32>
    %dot_general3A_10 = tpu.matmul %convert_element_type3A, %get3A_9, %dot_general3A {dimension_numbers = #tpu.dot_dimension_numbers<[1], [0], [0], [1], [0, 0, 1, 1], [], []>, transpose_lhs_hint = false} : vector<2000x64xbf16>, vector<64x1024xbf16>, vector<2000x1024xf32> -> vector<2000x1024xf32>
    %get3A_11 = arith.constant 0 : index
    %get3A_12 = arith.constant 0 : index
    %get3A_13 = vector.load %arg6[%get3A_11, %get3A_12] : memref<1x1024xf32, #tpu.memory_space<vmem>>, vector<1x1024xf32>
    %add3A = vector.broadcast %get3A_13 : vector<1x1024xf32> to vector<2000x1024xf32>
    %add3A_14 = arith.addf %dot_general3A_10, %add3A : vector<2000x1024xf32>
    %logistic3A = arith.negf %add3A_14 : vector<2000x1024xf32>
    %logistic3A_15 = math.exp %logistic3A : vector<2000x1024xf32>
    %logistic3A_16 = arith.constant 1.000000e+00 : f32
    %logistic3A_17 = vector.broadcast %logistic3A_16 : f32 to vector<2000x1024xf32>
    %logistic3A_18 = arith.addf %logistic3A_17, %logistic3A_15 : vector<2000x1024xf32>
    %logistic3A_19 = arith.divf %logistic3A_17, %logistic3A_18 : vector<2000x1024xf32>
    %mul3A = arith.mulf %add3A_14, %logistic3A_19 : vector<2000x1024xf32>
    %get3A_20 = arith.constant 0 : index
    %get3A_21 = arith.constant 0 : index
    %get3A_22 = vector.load %arg4[%get3A_20, %get3A_21] : memref<128x128xbf16, #tpu.memory_space<vmem>>, vector<128x128xbf16>
    %slice3A = vector.extract_strided_slice %mul3A {offsets = [0, 0], sizes = [2000, 128], strides = [1, 1]} : vector<2000x1024xf32> to vector<2000x128xf32>
    %convert_element_type3A_23 = arith.truncf %slice3A : vector<2000x128xf32> to vector<2000x128xbf16>
    %dot_general3A_24 = arith.constant dense<0.000000e+00> : vector<2000x128xf32>
    %dot_general3A_25 = tpu.matmul %convert_element_type3A_23, %get3A_22, %dot_general3A_24 {dimension_numbers = #tpu.dot_dimension_numbers<[1], [0], [0], [1], [0, 0, 1, 1], [], []>, transpose_lhs_hint = false} : vector<2000x128xbf16>, vector<128x128xbf16>, vector<2000x128xf32> -> vector<2000x128xf32>
    %convert_element_type3A_26 = arith.truncf %dot_general3A_25 : vector<2000x128xf32> to vector<2000x128xbf16>
    %slice3A_27 = vector.extract_strided_slice %mul3A {offsets = [0, 128], sizes = [2000, 128], strides = [1, 1]} : vector<2000x1024xf32> to vector<2000x128xf32>
    %convert_element_type3A_28 = arith.truncf %slice3A_27 : vector<2000x128xf32> to vector<2000x128xbf16>
    %dot_general3A_29 = arith.constant dense<0.000000e+00> : vector<2000x128xf32>
    %dot_general3A_30 = tpu.matmul %convert_element_type3A_28, %get3A_22, %dot_general3A_29 {dimension_numbers = #tpu.dot_dimension_numbers<[1], [0], [0], [1], [0, 0, 1, 1], [], []>, transpose_lhs_hint = false} : vector<2000x128xbf16>, vector<128x128xbf16>, vector<2000x128xf32> -> vector<2000x128xf32>
    %convert_element_type3A_31 = arith.truncf %dot_general3A_30 : vector<2000x128xf32> to vector<2000x128xbf16>
    %slice3A_32 = vector.extract_strided_slice %mul3A {offsets = [0, 256], sizes = [2000, 128], strides = [1, 1]} : vector<2000x1024xf32> to vector<2000x128xf32>
    %convert_element_type3A_33 = arith.truncf %slice3A_32 : vector<2000x128xf32> to vector<2000x128xbf16>
    %dot_general3A_34 = arith.constant dense<0.000000e+00> : vector<2000x128xf32>
    %dot_general3A_35 = tpu.matmul %convert_element_type3A_33, %get3A_22, %dot_general3A_34 {dimension_numbers = #tpu.dot_dimension_numbers<[1], [0], [0], [1], [0, 0, 1, 1], [], []>, transpose_lhs_hint = false} : vector<2000x128xbf16>, vector<128x128xbf16>, vector<2000x128xf32> -> vector<2000x128xf32>
    %convert_element_type3A_36 = arith.truncf %dot_general3A_35 : vector<2000x128xf32> to vector<2000x128xbf16>
    %slice3A_37 = vector.extract_strided_slice %mul3A {offsets = [0, 384], sizes = [2000, 128], strides = [1, 1]} : vector<2000x1024xf32> to vector<2000x128xf32>
    %convert_element_type3A_38 = arith.truncf %slice3A_37 : vector<2000x128xf32> to vector<2000x128xbf16>
    %dot_general3A_39 = arith.constant dense<0.000000e+00> : vector<2000x128xf32>
    %dot_general3A_40 = tpu.matmul %convert_element_type3A_38, %get3A_22, %dot_general3A_39 {dimension_numbers = #tpu.dot_dimension_numbers<[1], [0], [0], [1], [0, 0, 1, 1], [], []>, transpose_lhs_hint = false} : vector<2000x128xbf16>, vector<128x128xbf16>, vector<2000x128xf32> -> vector<2000x128xf32>
    %convert_element_type3A_41 = arith.truncf %dot_general3A_40 : vector<2000x128xf32> to vector<2000x128xbf16>
    %slice3A_42 = vector.extract_strided_slice %mul3A {offsets = [0, 512], sizes = [2000, 128], strides = [1, 1]} : vector<2000x1024xf32> to vector<2000x128xf32>
    %convert_element_type3A_43 = arith.truncf %slice3A_42 : vector<2000x128xf32> to vector<2000x128xbf16>
    %dot_general3A_44 = arith.constant dense<0.000000e+00> : vector<2000x128xf32>
    %dot_general3A_45 = tpu.matmul %convert_element_type3A_43, %get3A_22, %dot_general3A_44 {dimension_numbers = #tpu.dot_dimension_numbers<[1], [0], [0], [1], [0, 0, 1, 1], [], []>, transpose_lhs_hint = false} : vector<2000x128xbf16>, vector<128x128xbf16>, vector<2000x128xf32> -> vector<2000x128xf32>
    %convert_element_type3A_46 = arith.truncf %dot_general3A_45 : vector<2000x128xf32> to vector<2000x128xbf16>
    %slice3A_47 = vector.extract_strided_slice %mul3A {offsets = [0, 640], sizes = [2000, 128], strides = [1, 1]} : vector<2000x1024xf32> to vector<2000x128xf32>
    %convert_element_type3A_48 = arith.truncf %slice3A_47 : vector<2000x128xf32> to vector<2000x128xbf16>
    %dot_general3A_49 = arith.constant dense<0.000000e+00> : vector<2000x128xf32>
    %dot_general3A_50 = tpu.matmul %convert_element_type3A_48, %get3A_22, %dot_general3A_49 {dimension_numbers = #tpu.dot_dimension_numbers<[1], [0], [0], [1], [0, 0, 1, 1], [], []>, transpose_lhs_hint = false} : vector<2000x128xbf16>, vector<128x128xbf16>, vector<2000x128xf32> -> vector<2000x128xf32>
    %convert_element_type3A_51 = arith.truncf %dot_general3A_50 : vector<2000x128xf32> to vector<2000x128xbf16>
    %slice3A_52 = vector.extract_strided_slice %mul3A {offsets = [0, 768], sizes = [2000, 128], strides = [1, 1]} : vector<2000x1024xf32> to vector<2000x128xf32>
    %convert_element_type3A_53 = arith.truncf %slice3A_52 : vector<2000x128xf32> to vector<2000x128xbf16>
    %dot_general3A_54 = arith.constant dense<0.000000e+00> : vector<2000x128xf32>
    %dot_general3A_55 = tpu.matmul %convert_element_type3A_53, %get3A_22, %dot_general3A_54 {dimension_numbers = #tpu.dot_dimension_numbers<[1], [0], [0], [1], [0, 0, 1, 1], [], []>, transpose_lhs_hint = false} : vector<2000x128xbf16>, vector<128x128xbf16>, vector<2000x128xf32> -> vector<2000x128xf32>
    %convert_element_type3A_56 = arith.truncf %dot_general3A_55 : vector<2000x128xf32> to vector<2000x128xbf16>
    %slice3A_57 = vector.extract_strided_slice %mul3A {offsets = [0, 896], sizes = [2000, 128], strides = [1, 1]} : vector<2000x1024xf32> to vector<2000x128xf32>
    %convert_element_type3A_58 = arith.truncf %slice3A_57 : vector<2000x128xf32> to vector<2000x128xbf16>
    %dot_general3A_59 = arith.constant dense<0.000000e+00> : vector<2000x128xf32>
    %dot_general3A_60 = tpu.matmul %convert_element_type3A_58, %get3A_22, %dot_general3A_59 {dimension_numbers = #tpu.dot_dimension_numbers<[1], [0], [0], [1], [0, 0, 1, 1], [], []>, transpose_lhs_hint = false} : vector<2000x128xbf16>, vector<128x128xbf16>, vector<2000x128xf32> -> vector<2000x128xf32>
    %convert_element_type3A_61 = arith.truncf %dot_general3A_60 : vector<2000x128xf32> to vector<2000x128xbf16>
    %concatenate3A = tpu.concatenate %convert_element_type3A_26, %convert_element_type3A_31, %convert_element_type3A_36, %convert_element_type3A_41, %convert_element_type3A_46, %convert_element_type3A_51, %convert_element_type3A_56, %convert_element_type3A_61 in 1 : vector<2000x128xbf16>, vector<2000x128xbf16>, vector<2000x128xbf16>, vector<2000x128xbf16>, vector<2000x128xbf16>, vector<2000x128xbf16>, vector<2000x128xbf16>, vector<2000x128xbf16> -> vector<2000x1024xbf16>
    %dot_general3A_62 = arith.constant dense<0.000000e+00> : vector<2000x1024xf32>
    %dot_general3A_63 = tpu.matmul %get3A_1, %concatenate3A, %dot_general3A_62 {dimension_numbers = #tpu.dot_dimension_numbers<[1], [0], [0], [1], [0, 0, 1, 1], [], []>, transpose_lhs_hint = false} : vector<2000x2000xbf16>, vector<2000x1024xbf16>, vector<2000x1024xf32> -> vector<2000x1024xf32>
    %get3A_64 = arith.constant 0 : index
    %get3A_65 = arith.constant 0 : index
    %get3A_66 = vector.load %arg7[%get3A_64, %get3A_65] : memref<1x1024xf32, #tpu.memory_space<vmem>>, vector<1x1024xf32>
    %add3A_67 = vector.broadcast %get3A_66 : vector<1x1024xf32> to vector<2000x1024xf32>
    %add3A_68 = arith.addf %dot_general3A_63, %add3A_67 : vector<2000x1024xf32>
    %logistic3A_69 = arith.negf %add3A_68 : vector<2000x1024xf32>
    %logistic3A_70 = math.exp %logistic3A_69 : vector<2000x1024xf32>
    %logistic3A_71 = arith.constant 1.000000e+00 : f32
    %logistic3A_72 = vector.broadcast %logistic3A_71 : f32 to vector<2000x1024xf32>
    %logistic3A_73 = arith.addf %logistic3A_72, %logistic3A_70 : vector<2000x1024xf32>
    %logistic3A_74 = arith.divf %logistic3A_72, %logistic3A_73 : vector<2000x1024xf32>
    %mul3A_75 = arith.mulf %add3A_68, %logistic3A_74 : vector<2000x1024xf32>
    %get3A_76 = arith.constant 0 : index
    %get3A_77 = arith.constant 0 : index
    %get3A_78 = vector.load %arg5[%get3A_76, %get3A_77] : memref<128x128xbf16, #tpu.memory_space<vmem>>, vector<128x128xbf16>
    %slice3A_79 = vector.extract_strided_slice %mul3A_75 {offsets = [0, 0], sizes = [2000, 128], strides = [1, 1]} : vector<2000x1024xf32> to vector<2000x128xf32>
    %convert_element_type3A_80 = arith.truncf %slice3A_79 : vector<2000x128xf32> to vector<2000x128xbf16>
    %dot_general3A_81 = arith.constant dense<0.000000e+00> : vector<2000x128xf32>
    %dot_general3A_82 = tpu.matmul %convert_element_type3A_80, %get3A_78, %dot_general3A_81 {dimension_numbers = #tpu.dot_dimension_numbers<[1], [0], [0], [1], [0, 0, 1, 1], [], []>, transpose_lhs_hint = false} : vector<2000x128xbf16>, vector<128x128xbf16>, vector<2000x128xf32> -> vector<2000x128xf32>
    %convert_element_type3A_83 = arith.truncf %dot_general3A_82 : vector<2000x128xf32> to vector<2000x128xbf16>
    %slice3A_84 = vector.extract_strided_slice %mul3A_75 {offsets = [0, 128], sizes = [2000, 128], strides = [1, 1]} : vector<2000x1024xf32> to vector<2000x128xf32>
    %convert_element_type3A_85 = arith.truncf %slice3A_84 : vector<2000x128xf32> to vector<2000x128xbf16>
    %dot_general3A_86 = arith.constant dense<0.000000e+00> : vector<2000x128xf32>
    %dot_general3A_87 = tpu.matmul %convert_element_type3A_85, %get3A_78, %dot_general3A_86 {dimension_numbers = #tpu.dot_dimension_numbers<[1], [0], [0], [1], [0, 0, 1, 1], [], []>, transpose_lhs_hint = false} : vector<2000x128xbf16>, vector<128x128xbf16>, vector<2000x128xf32> -> vector<2000x128xf32>
    %convert_element_type3A_88 = arith.truncf %dot_general3A_87 : vector<2000x128xf32> to vector<2000x128xbf16>
    %slice3A_89 = vector.extract_strided_slice %mul3A_75 {offsets = [0, 256], sizes = [2000, 128], strides = [1, 1]} : vector<2000x1024xf32> to vector<2000x128xf32>
    %convert_element_type3A_90 = arith.truncf %slice3A_89 : vector<2000x128xf32> to vector<2000x128xbf16>
    %dot_general3A_91 = arith.constant dense<0.000000e+00> : vector<2000x128xf32>
    %dot_general3A_92 = tpu.matmul %convert_element_type3A_90, %get3A_78, %dot_general3A_91 {dimension_numbers = #tpu.dot_dimension_numbers<[1], [0], [0], [1], [0, 0, 1, 1], [], []>, transpose_lhs_hint = false} : vector<2000x128xbf16>, vector<128x128xbf16>, vector<2000x128xf32> -> vector<2000x128xf32>
    %convert_element_type3A_93 = arith.truncf %dot_general3A_92 : vector<2000x128xf32> to vector<2000x128xbf16>
    %slice3A_94 = vector.extract_strided_slice %mul3A_75 {offsets = [0, 384], sizes = [2000, 128], strides = [1, 1]} : vector<2000x1024xf32> to vector<2000x128xf32>
    %convert_element_type3A_95 = arith.truncf %slice3A_94 : vector<2000x128xf32> to vector<2000x128xbf16>
    %dot_general3A_96 = arith.constant dense<0.000000e+00> : vector<2000x128xf32>
    %dot_general3A_97 = tpu.matmul %convert_element_type3A_95, %get3A_78, %dot_general3A_96 {dimension_numbers = #tpu.dot_dimension_numbers<[1], [0], [0], [1], [0, 0, 1, 1], [], []>, transpose_lhs_hint = false} : vector<2000x128xbf16>, vector<128x128xbf16>, vector<2000x128xf32> -> vector<2000x128xf32>
    %convert_element_type3A_98 = arith.truncf %dot_general3A_97 : vector<2000x128xf32> to vector<2000x128xbf16>
    %slice3A_99 = vector.extract_strided_slice %mul3A_75 {offsets = [0, 512], sizes = [2000, 128], strides = [1, 1]} : vector<2000x1024xf32> to vector<2000x128xf32>
    %convert_element_type3A_100 = arith.truncf %slice3A_99 : vector<2000x128xf32> to vector<2000x128xbf16>
    %dot_general3A_101 = arith.constant dense<0.000000e+00> : vector<2000x128xf32>
    %dot_general3A_102 = tpu.matmul %convert_element_type3A_100, %get3A_78, %dot_general3A_101 {dimension_numbers = #tpu.dot_dimension_numbers<[1], [0], [0], [1], [0, 0, 1, 1], [], []>, transpose_lhs_hint = false} : vector<2000x128xbf16>, vector<128x128xbf16>, vector<2000x128xf32> -> vector<2000x128xf32>
    %convert_element_type3A_103 = arith.truncf %dot_general3A_102 : vector<2000x128xf32> to vector<2000x128xbf16>
    %slice3A_104 = vector.extract_strided_slice %mul3A_75 {offsets = [0, 640], sizes = [2000, 128], strides = [1, 1]} : vector<2000x1024xf32> to vector<2000x128xf32>
    %convert_element_type3A_105 = arith.truncf %slice3A_104 : vector<2000x128xf32> to vector<2000x128xbf16>
    %dot_general3A_106 = arith.constant dense<0.000000e+00> : vector<2000x128xf32>
    %dot_general3A_107 = tpu.matmul %convert_element_type3A_105, %get3A_78, %dot_general3A_106 {dimension_numbers = #tpu.dot_dimension_numbers<[1], [0], [0], [1], [0, 0, 1, 1], [], []>, transpose_lhs_hint = false} : vector<2000x128xbf16>, vector<128x128xbf16>, vector<2000x128xf32> -> vector<2000x128xf32>
    %convert_element_type3A_108 = arith.truncf %dot_general3A_107 : vector<2000x128xf32> to vector<2000x128xbf16>
    %slice3A_109 = vector.extract_strided_slice %mul3A_75 {offsets = [0, 768], sizes = [2000, 128], strides = [1, 1]} : vector<2000x1024xf32> to vector<2000x128xf32>
    %convert_element_type3A_110 = arith.truncf %slice3A_109 : vector<2000x128xf32> to vector<2000x128xbf16>
    %dot_general3A_111 = arith.constant dense<0.000000e+00> : vector<2000x128xf32>
    %dot_general3A_112 = tpu.matmul %convert_element_type3A_110, %get3A_78, %dot_general3A_111 {dimension_numbers = #tpu.dot_dimension_numbers<[1], [0], [0], [1], [0, 0, 1, 1], [], []>, transpose_lhs_hint = false} : vector<2000x128xbf16>, vector<128x128xbf16>, vector<2000x128xf32> -> vector<2000x128xf32>
    %convert_element_type3A_113 = arith.truncf %dot_general3A_112 : vector<2000x128xf32> to vector<2000x128xbf16>
    %slice3A_114 = vector.extract_strided_slice %mul3A_75 {offsets = [0, 896], sizes = [2000, 128], strides = [1, 1]} : vector<2000x1024xf32> to vector<2000x128xf32>
    %convert_element_type3A_115 = arith.truncf %slice3A_114 : vector<2000x128xf32> to vector<2000x128xbf16>
    %dot_general3A_116 = arith.constant dense<0.000000e+00> : vector<2000x128xf32>
    %dot_general3A_117 = tpu.matmul %convert_element_type3A_115, %get3A_78, %dot_general3A_116 {dimension_numbers = #tpu.dot_dimension_numbers<[1], [0], [0], [1], [0, 0, 1, 1], [], []>, transpose_lhs_hint = false} : vector<2000x128xbf16>, vector<128x128xbf16>, vector<2000x128xf32> -> vector<2000x128xf32>
    %convert_element_type3A_118 = arith.truncf %dot_general3A_117 : vector<2000x128xf32> to vector<2000x128xbf16>
    %concatenate3A_119 = tpu.concatenate %convert_element_type3A_83, %convert_element_type3A_88, %convert_element_type3A_93, %convert_element_type3A_98, %convert_element_type3A_103, %convert_element_type3A_108, %convert_element_type3A_113, %convert_element_type3A_118 in 1 : vector<2000x128xbf16>, vector<2000x128xbf16>, vector<2000x128xbf16>, vector<2000x128xbf16>, vector<2000x128xbf16>, vector<2000x128xbf16>, vector<2000x128xbf16>, vector<2000x128xbf16> -> vector<2000x1024xbf16>
    %dot_general3A_120 = arith.constant dense<0.000000e+00> : vector<2000x1024xf32>
    %dot_general3A_121 = tpu.matmul %get3A_1, %concatenate3A_119, %dot_general3A_120 {dimension_numbers = #tpu.dot_dimension_numbers<[1], [0], [0], [1], [0, 0, 1, 1], [], []>, transpose_lhs_hint = false} : vector<2000x2000xbf16>, vector<2000x1024xbf16>, vector<2000x1024xf32> -> vector<2000x1024xf32>
    %get3A_122 = arith.constant 0 : index
    %get3A_123 = arith.constant 0 : index
    %get3A_124 = vector.load %arg8[%get3A_122, %get3A_123] : memref<1x1024xf32, #tpu.memory_space<vmem>>, vector<1x1024xf32>
    %add3A_125 = vector.broadcast %get3A_124 : vector<1x1024xf32> to vector<2000x1024xf32>
    %add3A_126 = arith.addf %dot_general3A_121, %add3A_125 : vector<2000x1024xf32>
    %logistic3A_127 = arith.negf %add3A_126 : vector<2000x1024xf32>
    %logistic3A_128 = math.exp %logistic3A_127 : vector<2000x1024xf32>
    %logistic3A_129 = arith.constant 1.000000e+00 : f32
    %logistic3A_130 = vector.broadcast %logistic3A_129 : f32 to vector<2000x1024xf32>
    %logistic3A_131 = arith.addf %logistic3A_130, %logistic3A_128 : vector<2000x1024xf32>
    %logistic3A_132 = arith.divf %logistic3A_130, %logistic3A_131 : vector<2000x1024xf32>
    %mul3A_133 = arith.mulf %add3A_126, %logistic3A_132 : vector<2000x1024xf32>
    %reduce_sum3A = arith.constant dense<0.000000e+00> : vector<1024xf32>
    %reduce_sum3A_134 = vector.multi_reduction <add>, %mul3A_133, %reduce_sum3A [0] : vector<2000x1024xf32> to vector<1024xf32>
    %mul3A_135 = arith.constant 5.000000e-04 : f32
    %mul3A_136 = vector.broadcast %mul3A_135 : f32 to vector<1024xf32>
    %mul3A_137 = arith.mulf %reduce_sum3A_134, %mul3A_136 : vector<1024xf32>
    %swap3A = arith.constant 0 : index
    %swap3A_138 = arith.constant 0 : index
    %swap3A_139 = arith.constant 0 : index
    %swap3A_140 = vector.load %arg9[%swap3A, %swap3A_138, %swap3A_139] : memref<1x1x1024xf32, #tpu.memory_space<vmem>>, vector<1x1x1024xf32>
    %swap3A_141 = vector.shape_cast %swap3A_140 : vector<1x1x1024xf32> to vector<1024xf32>
    %swap3A_142 = vector.shape_cast %mul3A_137 : vector<1024xf32> to vector<1x1x1024xf32>
    tpu.vector_store %arg9[%swap3A, %swap3A_138, %swap3A_139], %swap3A_142 {strides = array<i32>} : memref<1x1x1024xf32, #tpu.memory_space<vmem>>, vector<1x1x1024xf32>,
    return
  }
  func.func @transform_0(%arg0: i32) -> (i32, i32, i32) {
    %c0_i32 = arith.constant 0 : i32
    %c0_i32_0 = arith.constant 0 : i32
    %c0_i32_1 = arith.constant 0 : i32
    return %arg0, %c0_i32, %c0_i32_0 : i32, i32, i32
  }
  func.func @transform_1(%arg0: i32) -> (i32, i32) {
    %c0_i32 = arith.constant 0 : i32
    %c0_i32_0 = arith.constant 0 : i32
    %c0_i32_1 = arith.constant 0 : i32
    return %c0_i32, %c0_i32_0 : i32, i32
  }
  func.func @transform_2(%arg0: i32) -> (i32, i32) {
    %c0_i32 = arith.constant 0 : i32
    %c0_i32_0 = arith.constant 0 : i32
    %c0_i32_1 = arith.constant 0 : i32
    return %c0_i32, %c0_i32_0 : i32, i32
  }
  func.func @transform_3(%arg0: i32) -> (i32, i32) {
    %c0_i32 = arith.constant 0 : i32
    %c0_i32_0 = arith.constant 0 : i32
    %c0_i32_1 = arith.constant 0 : i32
    return %c0_i32, %c0_i32_0 : i32, i32
  }
  func.func @transform_4(%arg0: i32) -> (i32, i32) {
    %c0_i32 = arith.constant 0 : i32
    %c0_i32_0 = arith.constant 0 : i32
    %c0_i32_1 = arith.constant 0 : i32
    return %c0_i32, %c0_i32_0 : i32, i32
  }
  func.func @transform_5(%arg0: i32) -> (i32, i32) {
    %c0_i32 = arith.constant 0 : i32
    %c0_i32_0 = arith.constant 0 : i32
    %c0_i32_1 = arith.constant 0 : i32
    return %c0_i32, %c0_i32_0 : i32, i32
  }
  func.func @transform_6(%arg0: i32) -> (i32, i32) {
    %c0_i32 = arith.constant 0 : i32
    %c0_i32_0 = arith.constant 0 : i32
    %c0_i32_1 = arith.constant 0 : i32
    return %c0_i32, %c0_i32_0 : i32, i32
  }
  func.func @transform_7(%arg0: i32) -> (i32, i32) {
    %c0_i32 = arith.constant 0 : i32
    %c0_i32_0 = arith.constant 0 : i32
    %c0_i32_1 = arith.constant 0 : i32
    return %c0_i32, %c0_i32_0 : i32, i32
  }
  func.func @transform_8(%arg0: i32) -> (i32, i32, i32) {
    %c0_i32 = arith.constant 0 : i32
    %c0_i32_0 = arith.constant 0 : i32
    %c0_i32_1 = arith.constant 0 : i32
    return %arg0, %c0_i32, %c0_i32_0 : i32, i32, i32
  }
}

module attributes {stable_mosaic.version = 14 : i64} {
  func.func @_lstm_head_body(%arg0: memref<16x4x128xf32, #tpu.memory_space<vmem>>, %arg1: memref<128x512xf32, #tpu.memory_space<vmem>>, %arg2: memref<128x512xf32, #tpu.memory_space<vmem>>, %arg3: memref<1x512xf32, #tpu.memory_space<vmem>>, %arg4: memref<128x512xf32, #tpu.memory_space<vmem>>, %arg5: memref<128x512xf32, #tpu.memory_space<vmem>>, %arg6: memref<1x512xf32, #tpu.memory_space<vmem>>, %arg7: memref<128x128xf32, #tpu.memory_space<vmem>>, %arg8: memref<1x128xf32, #tpu.memory_space<vmem>>, %arg9: memref<128x64xf32, #tpu.memory_space<vmem>>, %arg10: memref<1x64xf32, #tpu.memory_space<vmem>>, %arg11: memref<64x2xf32, #tpu.memory_space<vmem>>, %arg12: memref<1x2xf32, #tpu.memory_space<vmem>>, %arg13: memref<4x2xf32, #tpu.memory_space<vmem>>) attributes {dimension_semantics = [], scalar_prefetch = 0 : i64, scratch_operands = 0 : i64, tpu.core_type = #tpu.core_type<tc>} {
    %broadcast_in_dim3A = arith.constant 0.000000e+00 : f32
    %broadcast_in_dim3A_0 = vector.broadcast %broadcast_in_dim3A : f32 to vector<4x128xf32>
    %scan3A = arith.constant 0 : i32
    %scan3A_1 = arith.constant 16 : i32
    %scan3A_2 = arith.addi %scan3A, %scan3A_1 : i32
    %scan3A_3 = arith.constant 1 : i32
    %scan3A_4:4 = scf.for %scan3A_55 = %scan3A to %scan3A_2 step %scan3A_3 iter_args(%scan3A_56 = %broadcast_in_dim3A_0, %scan3A_57 = %broadcast_in_dim3A_0, %scan3A_58 = %broadcast_in_dim3A_0, %scan3A_59 = %broadcast_in_dim3A_0) -> (vector<4x128xf32>, vector<4x128xf32>, vector<4x128xf32>, vector<4x128xf32>)  : i32 {
      %get3A_60 = arith.index_cast %scan3A_55 : i32 to index
      %get3A_61 = arith.constant 0 : index
      %get3A_62 = arith.constant 0 : index
      %get3A_63 = vector.load %arg0[%get3A_60, %get3A_61, %get3A_62] : memref<16x4x128xf32, #tpu.memory_space<vmem>>, vector<1x4x128xf32>
      %get3A_64 = vector.shape_cast %get3A_63 : vector<1x4x128xf32> to vector<4x128xf32>
      %get3A_65 = arith.constant 0 : index
      %get3A_66 = arith.constant 0 : index
      %get3A_67 = vector.load %arg1[%get3A_65, %get3A_66] : memref<128x512xf32, #tpu.memory_space<vmem>>, vector<128x512xf32>
      %dot_general3A_68 = arith.constant dense<0.000000e+00> : vector<4x512xf32>
      %dot_general3A_69 = tpu.matmul %get3A_64, %get3A_67, %dot_general3A_68 {dimension_numbers = #tpu.dot_dimension_numbers<[1], [0], [0], [1], [0, 0, 1, 1], [], []>, transpose_lhs_hint = false} : vector<4x128xf32>, vector<128x512xf32>, vector<4x512xf32> -> vector<4x512xf32>
      %get3A_70 = arith.constant 0 : index
      %get3A_71 = arith.constant 0 : index
      %get3A_72 = vector.load %arg2[%get3A_70, %get3A_71] : memref<128x512xf32, #tpu.memory_space<vmem>>, vector<128x512xf32>
      %dot_general3A_73 = arith.constant dense<0.000000e+00> : vector<4x512xf32>
      %dot_general3A_74 = tpu.matmul %scan3A_56, %get3A_72, %dot_general3A_73 {dimension_numbers = #tpu.dot_dimension_numbers<[1], [0], [0], [1], [0, 0, 1, 1], [], []>, transpose_lhs_hint = false} : vector<4x128xf32>, vector<128x512xf32>, vector<4x512xf32> -> vector<4x512xf32>
      %add3A_75 = arith.addf %dot_general3A_69, %dot_general3A_74 : vector<4x512xf32>
      %get3A_76 = arith.constant 0 : index
      %get3A_77 = arith.constant 0 : index
      %get3A_78 = vector.load %arg3[%get3A_76, %get3A_77] : memref<1x512xf32, #tpu.memory_space<vmem>>, vector<1x512xf32>
      %add3A_79 = vector.broadcast %get3A_78 : vector<1x512xf32> to vector<4x512xf32>
      %add3A_80 = arith.addf %add3A_75, %add3A_79 : vector<4x512xf32>
      %slice3A = vector.extract_strided_slice %add3A_80 {offsets = [0, 0], sizes = [4, 128], strides = [1, 1]} : vector<4x512xf32> to vector<4x128xf32>
      %logistic3A_81 = arith.negf %slice3A : vector<4x128xf32>
      %logistic3A_82 = math.exp %logistic3A_81 : vector<4x128xf32>
      %logistic3A_83 = arith.constant 1.000000e+00 : f32
      %logistic3A_84 = vector.broadcast %logistic3A_83 : f32 to vector<4x128xf32>
      %logistic3A_85 = arith.addf %logistic3A_84, %logistic3A_82 : vector<4x128xf32>
      %logistic3A_86 = arith.divf %logistic3A_84, %logistic3A_85 : vector<4x128xf32>
      %slice3A_87 = vector.extract_strided_slice %add3A_80 {offsets = [0, 128], sizes = [4, 128], strides = [1, 1]} : vector<4x512xf32> to vector<4x128xf32>
      %logistic3A_88 = arith.negf %slice3A_87 : vector<4x128xf32>
      %logistic3A_89 = math.exp %logistic3A_88 : vector<4x128xf32>
      %logistic3A_90 = arith.constant 1.000000e+00 : f32
      %logistic3A_91 = vector.broadcast %logistic3A_90 : f32 to vector<4x128xf32>
      %logistic3A_92 = arith.addf %logistic3A_91, %logistic3A_89 : vector<4x128xf32>
      %logistic3A_93 = arith.divf %logistic3A_91, %logistic3A_92 : vector<4x128xf32>
      %slice3A_94 = vector.extract_strided_slice %add3A_80 {offsets = [0, 256], sizes = [4, 128], strides = [1, 1]} : vector<4x512xf32> to vector<4x128xf32>
      %tanh3A = math.tanh %slice3A_94 : vector<4x128xf32>
      %slice3A_95 = vector.extract_strided_slice %add3A_80 {offsets = [0, 384], sizes = [4, 128], strides = [1, 1]} : vector<4x512xf32> to vector<4x128xf32>
      %logistic3A_96 = arith.negf %slice3A_95 : vector<4x128xf32>
      %logistic3A_97 = math.exp %logistic3A_96 : vector<4x128xf32>
      %logistic3A_98 = arith.constant 1.000000e+00 : f32
      %logistic3A_99 = vector.broadcast %logistic3A_98 : f32 to vector<4x128xf32>
      %logistic3A_100 = arith.addf %logistic3A_99, %logistic3A_97 : vector<4x128xf32>
      %logistic3A_101 = arith.divf %logistic3A_99, %logistic3A_100 : vector<4x128xf32>
      %mul3A_102 = arith.mulf %logistic3A_93, %scan3A_57 : vector<4x128xf32>
      %mul3A_103 = arith.mulf %logistic3A_86, %tanh3A : vector<4x128xf32>
      %add3A_104 = arith.addf %mul3A_102, %mul3A_103 : vector<4x128xf32>
      %tanh3A_105 = math.tanh %add3A_104 : vector<4x128xf32>
      %mul3A_106 = arith.mulf %logistic3A_101, %tanh3A_105 : vector<4x128xf32>
      %get3A_107 = arith.constant 0 : index
      %get3A_108 = arith.constant 0 : index
      %get3A_109 = vector.load %arg4[%get3A_107, %get3A_108] : memref<128x512xf32, #tpu.memory_space<vmem>>, vector<128x512xf32>
      %dot_general3A_110 = arith.constant dense<0.000000e+00> : vector<4x512xf32>
      %dot_general3A_111 = tpu.matmul %mul3A_106, %get3A_109, %dot_general3A_110 {dimension_numbers = #tpu.dot_dimension_numbers<[1], [0], [0], [1], [0, 0, 1, 1], [], []>, transpose_lhs_hint = false} : vector<4x128xf32>, vector<128x512xf32>, vector<4x512xf32> -> vector<4x512xf32>
      %get3A_112 = arith.constant 0 : index
      %get3A_113 = arith.constant 0 : index
      %get3A_114 = vector.load %arg5[%get3A_112, %get3A_113] : memref<128x512xf32, #tpu.memory_space<vmem>>, vector<128x512xf32>
      %dot_general3A_115 = arith.constant dense<0.000000e+00> : vector<4x512xf32>
      %dot_general3A_116 = tpu.matmul %scan3A_58, %get3A_114, %dot_general3A_115 {dimension_numbers = #tpu.dot_dimension_numbers<[1], [0], [0], [1], [0, 0, 1, 1], [], []>, transpose_lhs_hint = false} : vector<4x128xf32>, vector<128x512xf32>, vector<4x512xf32> -> vector<4x512xf32>
      %add3A_117 = arith.addf %dot_general3A_111, %dot_general3A_116 : vector<4x512xf32>
      %get3A_118 = arith.constant 0 : index
      %get3A_119 = arith.constant 0 : index
      %get3A_120 = vector.load %arg6[%get3A_118, %get3A_119] : memref<1x512xf32, #tpu.memory_space<vmem>>, vector<1x512xf32>
      %add3A_121 = vector.broadcast %get3A_120 : vector<1x512xf32> to vector<4x512xf32>
      %add3A_122 = arith.addf %add3A_117, %add3A_121 : vector<4x512xf32>
      %slice3A_123 = vector.extract_strided_slice %add3A_122 {offsets = [0, 0], sizes = [4, 128], strides = [1, 1]} : vector<4x512xf32> to vector<4x128xf32>
      %logistic3A_124 = arith.negf %slice3A_123 : vector<4x128xf32>
      %logistic3A_125 = math.exp %logistic3A_124 : vector<4x128xf32>
      %logistic3A_126 = arith.constant 1.000000e+00 : f32
      %logistic3A_127 = vector.broadcast %logistic3A_126 : f32 to vector<4x128xf32>
      %logistic3A_128 = arith.addf %logistic3A_127, %logistic3A_125 : vector<4x128xf32>
      %logistic3A_129 = arith.divf %logistic3A_127, %logistic3A_128 : vector<4x128xf32>
      %slice3A_130 = vector.extract_strided_slice %add3A_122 {offsets = [0, 128], sizes = [4, 128], strides = [1, 1]} : vector<4x512xf32> to vector<4x128xf32>
      %logistic3A_131 = arith.negf %slice3A_130 : vector<4x128xf32>
      %logistic3A_132 = math.exp %logistic3A_131 : vector<4x128xf32>
      %logistic3A_133 = arith.constant 1.000000e+00 : f32
      %logistic3A_134 = vector.broadcast %logistic3A_133 : f32 to vector<4x128xf32>
      %logistic3A_135 = arith.addf %logistic3A_134, %logistic3A_132 : vector<4x128xf32>
      %logistic3A_136 = arith.divf %logistic3A_134, %logistic3A_135 : vector<4x128xf32>
      %slice3A_137 = vector.extract_strided_slice %add3A_122 {offsets = [0, 256], sizes = [4, 128], strides = [1, 1]} : vector<4x512xf32> to vector<4x128xf32>
      %tanh3A_138 = math.tanh %slice3A_137 : vector<4x128xf32>
      %slice3A_139 = vector.extract_strided_slice %add3A_122 {offsets = [0, 384], sizes = [4, 128], strides = [1, 1]} : vector<4x512xf32> to vector<4x128xf32>
      %logistic3A_140 = arith.negf %slice3A_139 : vector<4x128xf32>
      %logistic3A_141 = math.exp %logistic3A_140 : vector<4x128xf32>
      %logistic3A_142 = arith.constant 1.000000e+00 : f32
      %logistic3A_143 = vector.broadcast %logistic3A_142 : f32 to vector<4x128xf32>
      %logistic3A_144 = arith.addf %logistic3A_143, %logistic3A_141 : vector<4x128xf32>
      %logistic3A_145 = arith.divf %logistic3A_143, %logistic3A_144 : vector<4x128xf32>
      %mul3A_146 = arith.mulf %logistic3A_136, %scan3A_59 : vector<4x128xf32>
      %mul3A_147 = arith.mulf %logistic3A_129, %tanh3A_138 : vector<4x128xf32>
      %add3A_148 = arith.addf %mul3A_146, %mul3A_147 : vector<4x128xf32>
      %tanh3A_149 = math.tanh %add3A_148 : vector<4x128xf32>
      %mul3A_150 = arith.mulf %logistic3A_145, %tanh3A_149 : vector<4x128xf32>
      scf.yield %mul3A_106, %add3A_104, %mul3A_150, %add3A_148 : vector<4x128xf32>, vector<4x128xf32>, vector<4x128xf32>, vector<4x128xf32>
    }
    %scan3A_5 = arith.constant 16 : i32
    %get3A = arith.constant 0 : index
    %get3A_6 = arith.constant 0 : index
    %get3A_7 = vector.load %arg7[%get3A, %get3A_6] : memref<128x128xf32, #tpu.memory_space<vmem>>, vector<128x128xf32>
    %dot_general3A = arith.constant dense<0.000000e+00> : vector<4x128xf32>
    %dot_general3A_8 = tpu.matmul %scan3A_4#2, %get3A_7, %dot_general3A {dimension_numbers = #tpu.dot_dimension_numbers<[1], [0], [0], [1], [0, 0, 1, 1], [], []>, transpose_lhs_hint = false} : vector<4x128xf32>, vector<128x128xf32>, vector<4x128xf32> -> vector<4x128xf32>
    %get3A_9 = arith.constant 0 : index
    %get3A_10 = arith.constant 0 : index
    %get3A_11 = vector.load %arg8[%get3A_9, %get3A_10] : memref<1x128xf32, #tpu.memory_space<vmem>>, vector<1x128xf32>
    %add3A = vector.broadcast %get3A_11 : vector<1x128xf32> to vector<4x128xf32>
    %add3A_12 = arith.addf %dot_general3A_8, %add3A : vector<4x128xf32>
    %logistic3A = arith.negf %add3A_12 : vector<4x128xf32>
    %logistic3A_13 = math.exp %logistic3A : vector<4x128xf32>
    %logistic3A_14 = arith.constant 1.000000e+00 : f32
    %logistic3A_15 = vector.broadcast %logistic3A_14 : f32 to vector<4x128xf32>
    %logistic3A_16 = arith.addf %logistic3A_15, %logistic3A_13 : vector<4x128xf32>
    %logistic3A_17 = arith.divf %logistic3A_15, %logistic3A_16 : vector<4x128xf32>
    %mul3A = arith.mulf %add3A_12, %logistic3A_17 : vector<4x128xf32>
    %get3A_18 = arith.constant 0 : index
    %get3A_19 = arith.constant 0 : index
    %get3A_20 = vector.load %arg9[%get3A_18, %get3A_19] : memref<128x64xf32, #tpu.memory_space<vmem>>, vector<128x64xf32>
    %dot_general3A_21 = arith.constant dense<0.000000e+00> : vector<4x64xf32>
    %dot_general3A_22 = tpu.matmul %mul3A, %get3A_20, %dot_general3A_21 {dimension_numbers = #tpu.dot_dimension_numbers<[1], [0], [0], [1], [0, 0, 1, 1], [], []>, transpose_lhs_hint = false} : vector<4x128xf32>, vector<128x64xf32>, vector<4x64xf32> -> vector<4x64xf32>
    %get3A_23 = arith.constant 0 : index
    %get3A_24 = arith.constant 0 : index
    %get3A_25 = vector.load %arg10[%get3A_23, %get3A_24] : memref<1x64xf32, #tpu.memory_space<vmem>>, vector<1x64xf32>
    %add3A_26 = vector.broadcast %get3A_25 : vector<1x64xf32> to vector<4x64xf32>
    %add3A_27 = arith.addf %dot_general3A_22, %add3A_26 : vector<4x64xf32>
    %logistic3A_28 = arith.negf %add3A_27 : vector<4x64xf32>
    %logistic3A_29 = math.exp %logistic3A_28 : vector<4x64xf32>
    %logistic3A_30 = arith.constant 1.000000e+00 : f32
    %logistic3A_31 = vector.broadcast %logistic3A_30 : f32 to vector<4x64xf32>
    %logistic3A_32 = arith.addf %logistic3A_31, %logistic3A_29 : vector<4x64xf32>
    %logistic3A_33 = arith.divf %logistic3A_31, %logistic3A_32 : vector<4x64xf32>
    %mul3A_34 = arith.mulf %add3A_27, %logistic3A_33 : vector<4x64xf32>
    %get3A_35 = arith.constant 0 : index
    %get3A_36 = arith.constant 0 : index
    %get3A_37 = vector.load %arg11[%get3A_35, %get3A_36] : memref<64x2xf32, #tpu.memory_space<vmem>>, vector<64x2xf32>
    %dot_general3A_38 = arith.constant dense<0.000000e+00> : vector<4x2xf32>
    %dot_general3A_39 = tpu.matmul %mul3A_34, %get3A_37, %dot_general3A_38 {dimension_numbers = #tpu.dot_dimension_numbers<[1], [0], [0], [1], [0, 0, 1, 1], [], []>, transpose_lhs_hint = false} : vector<4x64xf32>, vector<64x2xf32>, vector<4x2xf32> -> vector<4x2xf32>
    %get3A_40 = arith.constant 0 : index
    %get3A_41 = arith.constant 0 : index
    %get3A_42 = vector.load %arg12[%get3A_40, %get3A_41] : memref<1x2xf32, #tpu.memory_space<vmem>>, vector<1x2xf32>
    %add3A_43 = vector.broadcast %get3A_42 : vector<1x2xf32> to vector<4x2xf32>
    %add3A_44 = arith.addf %dot_general3A_39, %add3A_43 : vector<4x2xf32>
    %max3A = arith.constant 0.000000e+00 : f32
    %max3A_45 = vector.broadcast %max3A : f32 to vector<4x2xf32>
    %max3A_46 = arith.maximumf %add3A_44, %max3A_45 : vector<4x2xf32>
    %abs3A = math.absf %add3A_44 : vector<4x2xf32>
    %neg3A = arith.constant 0.000000e+00 : f32
    %neg3A_47 = vector.broadcast %neg3A : f32 to vector<4x2xf32>
    %neg3A_48 = arith.subf %neg3A_47, %abs3A : vector<4x2xf32>
    %exp3A = math.exp %neg3A_48 : vector<4x2xf32>
    %log1p3A = math.log1p %exp3A : vector<4x2xf32>
    %add3A_49 = arith.addf %max3A_46, %log1p3A : vector<4x2xf32>
    %add3A_50 = arith.constant 9.99999997E-7 : f32
    %add3A_51 = vector.broadcast %add3A_50 : f32 to vector<4x2xf32>
    %add3A_52 = arith.addf %add3A_49, %add3A_51 : vector<4x2xf32>
    %swap3A = arith.constant 0 : index
    %swap3A_53 = arith.constant 0 : index
    %swap3A_54 = vector.load %arg13[%swap3A, %swap3A_53] : memref<4x2xf32, #tpu.memory_space<vmem>>, vector<4x2xf32>
    tpu.vector_store %arg13[%swap3A, %swap3A_53], %add3A_52 {strides = array<i32>} : memref<4x2xf32, #tpu.memory_space<vmem>>, vector<4x2xf32>,
    return
  }
}

</mosaic_0001>

<sc_bundles>
// kernel: kernel.6.cloned.1.call-start
scs
__scs_entry_jumppad:
0x0: {  	(pc) =	sbr.rel $0x88, $3  }
0x1: {  	(tag) =	ssettag $0x0;
	lr =	simm.s32 $0x1  }
0x2: {  	[smem:$0x3F89] =	sst lr;
	_ =	strace $0xD0000000  }
0x3: {  	_ = 	snop  }
0x4: {  	_ = 	snop  }
0x5: {  	_ = 	snop  }
0x6: {  	_ = 	snop  }
0x7: {  	_ = 	snop  }
__scs_overlays_trampoline_lowered:
0x8: {  	[smem:$0x3F98] =	sst s0  }
0x9: {  	[smem:$0x3F99] =	sst s1  }
0xa: {  	[smem:$0x3F9A] =	sst s2  }
0xb: {  	[smem:$0x3F9B] =	sst s3  }
0xc: {  	[smem:$0x3F9C] =	sst s4  }
0xd: {  	[smem:$0x3F9D] =	sst s5  }
0xe: {  	[smem:$0x3F9E] =	sst s6  }
0xf: {  	[smem:$0x3F9F] =	sst s7  }
0x10: {  	[smem:$0x3FA0] =	sst s8  }
0x11: {  	[smem:$0x3FA1] =	sst s9;
	s0 =	simm.s32 @!p0 $0x0  }
0x12: {  	s1 =	sld [smem:$0x3F87];
	s0 =	simm.s32 @p0 $0x1  }
0x13: {  	[smem:$0x3FA2] =	sst s0;
	s0 =	simm.s32 @!p1 $0x0  }
0x14: {  	s2 =	sld [smem:$0x3F86];
	s0 =	simm.s32 @p1 $0x1  }
0x15: {  	[smem:$0x3FA3] =	sst s0;
	s0 =	simm.s32 @!p2 $0x0  }
0x16: {  	s3 =	sld [smem:$0x3FDB];
	s0 =	simm.s32 @p2 $0x1  }
0x17: {  	s4 =	simm.s32 $0x1BF5;
	[smem:$0x3FA5] =	sst s0  }
0x18: {  	s0 =	sld [smem:$0x3F88];
	_ =	swait.ge [sflag:s4], $0x0  }
0x19: {  	s7 =	sld [smem:$0x3F89]  }
0x1a: {  	s8 =	sadd.s32 $0xFFFFE003, lr  }
0x1b: {  	s9 =	sadd.s32 $0xFFFFFEF7, lr;
	s5 =	simm.s32 $0xFFFFFFFF;
	p2 =	slt.u32 s8, $0xFFFFF086  }
0x1c: {  	p1 =	slt.u32 s9, $0xF7A;
	s5 =	simm.s32 @!p2 $0x0  }
0x1d: {  	s5 =	simm.s32 @p1 $0x1;
	p0 =	seq.s32 s7, s2  }
0x1e: {  	s7 =	smul.u32 @!p0 $0xF7A, s2;
	p2 =	seq.s32 @!p0 s5, $0x0  }
0x1f: {  	s9 =	smul.u32 $0xF7A, s1;
	s8 =	simm.s32 @!p0 $0x1BF5;
	p2 =	por !p2, p0  }
0x20: {  	[sflag:s8] =	ssyncset.s32 @!p0 $0xFFFFF086;
	s6 =	sadd.s32 @!p0 s3, s7;
	s7 =	simm.s32 @!p0 $0x108  }
0x21: {  	s3 =	sadd.s32 s3, s9;
	s6 =	sadd.s32 @!p0 $0x88, s6;
	s7 =	simm.s32 @p2 $0x1082  }
0x22: {  	[simem:s7], [sflag:s8] =	dma.local @!p0 [hbm:s6], $0xF7A  }
0x23: {  	s9 =	sor.u32 $0xD0000000, s2;
	s6 =	simm.s32 $0x108;
	_ =	swait.ge @!p0 [sflag:s8], $0x0  }
0x24: {  	s3 =	sadd.s32 $0x88, s3;
	s6 =	simm.s32 @!p1 $0x1082;
	[sflag:s4] =	ssyncset.s32 $0xFFFFF086  }
0x25: {  	[simem:s6], [sflag:s4] =	dma.local [hbm:s3], $0xF7A  }
0x26: {  	[smem:$0x3F89] =	sst s1;
	(tag) =	ssettag s2;
	_ =	strace s9  }
0x27: {  	s1 =	sld [smem:$0x3F99]  }
0x28: {  	s2 =	sld [smem:$0x3F9A]  }
0x29: {  	s4 =	sld [smem:$0x3F9C]  }
0x2a: {  	p0 =	seq.s32 s5, $0x0;
	s5 =	sld [smem:$0x3F9D]  }
0x2b: {  	s6 =	sld [smem:$0x3F9E]  }
0x2c: {  	s7 =	sld [smem:$0x3F9F]  }
0x2d: {  	s3 =	simm.s32 $0x108;
	s8 =	sld [smem:$0x3FA0]  }
0x2e: {  	s3 =	simm.s32 @!p0 $0x1082;
	s9 =	sld [smem:$0x3FA1]  }
0x2f: {  	lr =	sadd.s32 s0, s3;
	s0 =	sld [smem:$0x3F98]  }
0x30: {  	s3 =	sld [smem:$0x3F9B]  }
0x31: {  	[smem:$0x3FA4] =	sst s10  }
0x32: {  	s10 =	sld [smem:$0x3FA2];
	_ =	sdelay $0x3  }
0x33: {  	p0 =	seq.s32 s10, $0x1;
	s10 =	sld [smem:$0x3FA4];
	_ =	sdelay $0x3  }
0x34: {  	[smem:$0x3FA4] =	sst s10  }
0x35: {  	s10 =	sld [smem:$0x3FA3];
	_ =	sdelay $0x3  }
0x36: {  	p1 =	seq.s32 s10, $0x1;
	s10 =	sld [smem:$0x3FA4];
	_ =	sdelay $0x3  }
0x37: {  	[smem:$0x3FA4] =	sst s10  }
0x38: {  	s10 =	sld [smem:$0x3FA5]  }
0x39: {  	_ = 	snop;
	(pc) =	sbr.ind lr, $3  }
0x3a: {  	_ = 	snop  }
0x3b: {  	_ = 	snop  }
0x3c: {  	p2 =	seq.s32 s10, $0x1;
	s10 =	sld [smem:$0x3FA4]  }
0x3d: {  	_ =	shalt  }
0x3e: {  	_ =	shalt  }
0x3f: {  	_ =	shalt  }
0x40: {  	_ =	shalt  }
0x41: {  	_ =	shalt  }
0x42: {  	_ =	shalt  }
0x43: {  	_ =	shalt  }
0x44: {  	_ =	shalt  }
0x45: {  	_ =	shalt  }
0x46: {  	_ =	shalt  }
0x47: {  	_ =	shalt  }
0x48: {  	_ =	shalt  }
0x49: {  	_ =	shalt  }
0x4a: {  	_ =	shalt  }
0x4b: {  	_ =	shalt  }
0x4c: {  	_ =	shalt  }
0x4d: {  	_ =	shalt  }
0x4e: {  	_ =	shalt  }
0x4f: {  	_ =	shalt  }
0x50: {  	_ =	shalt  }
0x51: {  	_ =	shalt  }
0x52: {  	_ =	shalt  }
0x53: {  	_ =	shalt  }
0x54: {  	_ =	shalt  }
0x55: {  	_ =	shalt  }
0x56: {  	_ =	shalt  }
0x57: {  	_ =	shalt  }
0x58: {  	_ =	shalt  }
0x59: {  	_ =	shalt  }
0x5a: {  	_ =	shalt  }
0x5b: {  	_ =	shalt  }
0x5c: {  	_ =	shalt  }
0x5d: {  	_ =	shalt  }
0x5e: {  	_ =	shalt  }
0x5f: {  	_ =	shalt  }
0x60: {  	_ =	shalt  }
0x61: {  	_ =	shalt  }
0x62: {  	_ =	shalt  }
0x63: {  	_ =	shalt  }
0x64: {  	_ =	shalt  }
0x65: {  	_ =	shalt  }
0x66: {  	_ =	shalt  }
0x67: {  	_ =	shalt  }
0x68: {  	_ =	shalt  }
0x69: {  	_ =	shalt  }
0x6a: {  	_ =	shalt  }
0x6b: {  	_ =	shalt  }
0x6c: {  	_ =	shalt  }
0x6d: {  	_ =	shalt  }
0x6e: {  	_ =	shalt  }
0x6f: {  	_ =	shalt  }
0x70: {  	_ =	shalt  }
0x71: {  	_ =	shalt  }
0x72: {  	_ =	shalt  }
0x73: {  	_ =	shalt  }
0x74: {  	_ =	shalt  }
0x75: {  	_ =	shalt  }
0x76: {  	_ =	shalt  }
0x77: {  	_ =	shalt  }
0x78: {  	_ =	shalt  }
0x79: {  	_ =	shalt  }
0x7a: {  	_ =	shalt  }
0x7b: {  	_ =	shalt  }
0x7c: {  	_ =	shalt  }
0x7d: {  	_ =	shalt  }
0x7e: {  	_ =	shalt  }
0x7f: {  	_ =	shalt  }
0x80: {  	_ =	shalt  }
0x81: {  	_ =	shalt  }
0x82: {  	_ =	shalt  }
0x83: {  	_ =	shalt  }
0x84: {  	_ =	shalt  }
0x85: {  	_ =	shalt  }
0x86: {  	_ =	shalt  }
0x87: {  	_ =	shalt  }
.Lfunc_end0:
.L_simem_size_0:
called_computation_lowered:
.L_overlay_start_0:
0x88: {  	s2 =	sld [smem:$0x3FD9]  }
0x89: {  	s3 =	sld [smem:$0x3FFE];
	_ =	sdelay $0x1  }
0x8a: {  	s1 =	srdreg.scid  }
0x8b: {  	s0 =	sand.u32 $0x1, s1  }
0x8c: {  	s16 =	sshll.u32 s0, $0xA;
	s2 =	sadd.s32 s3, s2  }
0x8d: {  	s2 =	sadd.s32 s2, s16  }
0x8e: {  	[smem:$0x3FB0] =	sst s2  }
0x8f: {  	_ = 	snop  }
0x90: {  	(tm) =	ssettm $0x1  }
0x91: {  	s17 =	sld [smem:$0x3FFB];
	_ =	sdelay $0x3  }
0x92: {  	_ =	strace s17  }
0x93: {  	s2 =	sld [smem:$0x3FFC];
	_ =	sdelay $0x3  }
0x94: {  	_ =	strace s2  }
0x95: {  	s2 =	sld [smem:$0x3FFD];
	_ =	sdelay $0x3  }
0x96: {  	_ =	strace s2  }
0x97: {  	_ =	strace $0x8FFFFFFF  }
0x98: {  	s18 =	sld [smem:$0x3FDB];
	_ =	sdelay $0x1  }
0x99: {  	s19 =	simm.s32 $_scs_section_size  }
0x9a: {  	s4 =	simm.s32 $_size__tile_overlayer_lowered;
	s5 =	simm.s32 $_tile_overlayer_lowered  }
0x9b: {  	s22 =	simm.s32 $0x1BFF;
	s21 =	sshll.u32 s5, $0x1;
	s2 =	sadd.s32 s19, s18  }
0x9c: {  	s6 =	simm.s32 $0x0;
	s20 =	sshll.u32 s4, $0x1;
	s4 =	sadd.s32 s21, s2  }
0x9d: {  	[timem:s6], [sflag:s22] =	dma.local [hbm:s4], s20  }
0x9e: {  	_ =	swait.ge [sflag:s22], s20  }
0x9f: {  	s3 =	ssub.s32 $0x0, s20;
	[sflag:s22] =	ssyncset.done $0x0  }
0xa0: {  	[sflag:s22] =	ssyncadd.s32 s3;
	_ =	sdelay $0x1  }
0xa1: {  	s23 =	simm.s32 $0x1B8B  }
0xa2: {  	_ =	swait.ge [sflag:s23], $0x1  }
0xa3: {  	[sflag:s23] =	ssyncset.done $0x0  }
0xa4: {  	s25 =	simm.s32 $0x1B8E;
	s24 =	sld [smem:$0x3FFE];
	[sflag:s23] =	ssyncadd.s32 $0xFFFFFFFF  }
0xa5: {  	s26 =	simm.s32 $execute0_lowered;
	[smem:$0x3FD2] =	sst s25  }
0xa6: {  	s4 =	sshll.u32 s26, $0x1;
	_ =	strace $0x80000046;
	[dreg:$0x1] =	wrdreg $0xFFFFFFFF  }
0xa7: {  	s28 =	simm.s32 $_size_execute0_lowered;
	s2 =	sadd.s32 s2, s4;
	[dreg:$0x0] =	wrdreg $0x0  }
0xa8: {  	s4 =	sshll.u32 s28, $0x1;
	[dreg:$0x2] =	wrdreg s2  }
0xa9: {  	[dreg:$0x3] =	wrdreg s4  }
0xaa: {  	[dreg:$0x4] =	wrdreg $0xC0  }
0xab: {  	_ =	task [dreg:s6], $0x5FFFF  }
0xac: {  	[dreg:$0x1] =	wrdreg $0xFFFFFFFF  }
0xad: {  	[dreg:$0x0] =	wrdreg $0x60  }
0xae: {  	[dreg:$0x2] =	wrdreg s24  }
0xaf: {  	[dreg:$0x3] =	wrdreg $0x9  }
0xb0: {  	_ =	task.clear_ibuf [dreg:s6], $0x4FFFF;
	_ =	strace $0x90000046  }
0xb1: {  	s29 =	simm.s32 $0x9;
	_ =	strace $0x80000048  }
0xb2: {  	_ =	swait.ge [sflag:s29], $0x1  }
0xb3: {  	[sflag:s29] =	ssyncadd.s32 $0xFFFFFFFF  }
0xb4: {  	_ =	strace $0x90000048  }
0xb5: {  	_ =	sfence  }
0xb6: {  	s30 =	sld [smem:$0x0];
	_ =	sdelay $0x2  }
0xb7: {  	s31 =	sshll.u32 s1, $0xD;
	s1 =	sshrl.u32 s1, $0x2  }
0xb8: {  	s3 =	sand.u32 $0x4000, s31;
	s1 =	sadd.s32 s1, s30  }
0xb9: {  	s0 =	sor.u32 s3, s0;
	s1 =	sshll.u32 s1, $0x11  }
0xba: {  	s0 =	sor.u32 s1, s0  }
0xbb: {  	s0 =	sadd.s32 $0x8F2B, s0  }
0xbc: {  	[sflag:s0] =	ssyncadd.remote.s32 $0x1  }
0xbd: {  	_ =	sfence.sel $0xFFFF  }
0xbe: {  	[dreg:$0x0] =	wrdreg $0xFFFFFFFF;
	(pc) =	sbr.abs _section_cstart, $3  }
0xbf: {  	[dreg:$0x1] =	wrdreg $0xFFFFFFFF  }
0xc0: {  	_ =	task.clear_ibuf [dreg:s6], $0x2FFFF;
	_ =	strace $0x9FFFFFFF  }
0xc1: {  	(tm) =	ssettm $0x7FFFFFFF  }
tec
execute0_lowered:
.L_overlay_start_1:
0x0: {  	(tag) =	ssettag $0x1  }
0x1: {  	s0 =	rddreg [dreg:$0x0];
	s1 =	simm.s32 $0x0  }
0x2: {  	s2 =	srdreg.scid;
	s8 =	stileid.u32;
	s28 =	simm.s32 $0x2  }
0x3: {  	s29 =	simm.s32 $0xFC80;
	s30 =	simm.s32 $0x10480;
	s31 =	simm.s32 $0x0  }
0x4: {  	[smem:$0x7FF] =	sst s1;
	s2 =	sand.u32 $0x1, s2;
	s3 =	sadd.s32 $0x3200, s0  }
0x5: {  	s4 =	sadd.s32 $0x2A00, s0;
	s5 =	sadd.s32 $0x3A00, s0;
	s20 =	sadd.s32 $0x5A00, s0  }
0x6: {  	s24 =	sshll.u32 s8, $0x1;
	s8 =	sadd.s32 $0x2CEE, s0;
	s9 =	sadd.s32 $0x2DE8, s0  }
0x7: {  	s10 =	sadd.s32 $0x2EE2, s0;
	s11 =	sadd.s32 $0x2FDC, s0;
	s12 =	sadd.s32 $0x30D6, s0  }
0x8: {  	s13 =	sadd.s32 $0x32FA, s0;
	s14 =	sadd.s32 $0x33F4, s0;
	s15 =	sadd.s32 $0x34EE, s0  }
0x9: {  	s16 =	sadd.s32 $0x35E8, s0;
	s6 =	ssub.s32 $0x2, s2;
	s2 =	sor.u32 s2, s24  }
0xa: {  	s17 =	sadd.s32 $0x36E2, s0;
	s18 =	sadd.s32 $0x37DC, s0;
	s2 =	smul.u32 $0xF430, s2  }
0xb: {  	s19 =	sadd.s32 $0x38D6, s0;
	_ =	strace $0x80000047;
	s7 =	sshrl.u32 s6, $0x1  }
0xc: {  	s21 =	ssub.s32 s6, s7;
	s6 =	sadd.s32 $0x2AFA, s0;
	s22 =	sadd.s32 $0x1E8600, s2  }
0xd: {  	v6 =	vlaneseq.u32;
	s7 =	sadd.s32 $0x2BF4, s0;
	s23 =	sshrl.u32 s2, $0x3;
	s24 =	sshrl.u32 s22, $0x3  }
0xe: {  	v4 =	vimm.f32 $0.0e+00;
	v0 =	vmov s2;
	s25 =	sadd.s32 s20, s23;
	v1 =	vmov s22;
	s22 =	smax.u32 s21, $0x1;
	s23 =	simm.s32 $0x10C80  }
0xf: {  	v5 =	vimm.f32 $1.000000000e+00;
	v2 =	vsub.s32 $0x0, v0;
	[dreg:$0x2] =	wrdreg s25;
	s26 =	sadd.s32 s20, s24;
	v3 =	vsub.s32 $0x0, v1;
	s24 =	simm.s32 $0x11480  }
0x10: {  	v6 =	vmul.u32 $0x7D1, v6;
	v2 =	vbroadcast v2, $0x0;
	s25 =	simm.s32 $0x1;
	[dreg:$0x3] =	wrdreg s26;
	v3 =	vbroadcast v3, $0x0;
	s26 =	simm.s32 $0xF480  }
.LBB2_1:
0x11: {  	[tilespmem:s1], [sflag:$0x2] =	stream.linear.gather [hbm4b:s5+s1], $0xF480, $0x38;
	[tilespmem:$0x11C80] =	vst v63  }
0x12: {  	s0 =	simm.s32 $0x40;
	s2 =	simm.s32 $0x0  }
.LBB2_2:
0x13: {  	p0 =	sne.s32 s0, $0x1F00;
	[tilespmem:s2+$0xF480] =	vst v4;
	s2 =	smov.u32 s0;
	s0 =	sadd.s32 $0x40, s0  }
.Ltmp0:
0x14: {  	(pc) =	sbr.rel @p0 .LBB2_2-.Ltmp0, $2  }
0x15: {  	_ =	sdelay $0x2  }
0x16: {  	s2 =	sshra.s32 s2, $0x2  }
0x17: {  	[tilespmem:s2+$0xF480] =	vst v4;
	s0 =	simm.s32 $0x0  }
0x18: {  	[tilespmem:s23], [sflag:$0x1] =	stream.linear.gather [hbm4b:s4+s0], $0x7D0, $0x38;
	[tilespmem:$0x11C80] =	vst v63  }
0x19: {  	_ = 	snop  }
0x1a: {  	[tilespmem:s24], [sflag:$0x1] =	stream.linear.gather [hbm4b:s6+s0], $0x7D0, $0x38;
	[tilespmem:$0x11C80] =	vst v63  }
0x1b: {  	_ =	swait.ge [sflag:s25], $0x7D0  }
0x1c: {  	[sflag:s25] =	ssyncset.done $0x0  }
0x1d: {  	s2 =	simm.s32 $0x0;
	s0 =	simm.s32 $0x40;
	[sflag:s25] =	ssyncadd.s32 $0xFFFFF830  }
.LBB2_4:
0x1e: {  	p0 =	sne.s32 s0, $0x1F00;
	v7 =	vld [tilespmem:s2+$0x10C80];
	_ =	sdelay $0x3  }
.Ltmp1:
0x1f: {  	(pc) =	sbr.rel @p0 .LBB2_4-.Ltmp1, $2  }
0x20: {  	_ =	sdelay $0x2  }
0x21: {  	s2 =	sshra.s32 s0, $0x2;
	s0 =	sadd.s32 $0x40, s0;
	[tilespmem:v7+s26+$0x0] =	vst.idx.add.f32.msk $0xffff, v5  }
0x22: {  	v7 =	vld [tilespmem:s2+$0x10C80];
	_ =	sdelay $0x7  }
0x23: {  	s0 =	simm.s32 $0x0;
	[tilespmem:v7+s26+$0x0] =	vst.idx.add.f32.msk $0xffff, v5  }
0x24: {  	[tilespmem:s23], [sflag:$0x1] =	stream.linear.gather [hbm4b:s7+s0], $0x7D0, $0x38;
	[tilespmem:$0x11C80] =	vst v63  }
0x25: {  	_ =	swait.ge [sflag:s25], $0x7D0  }
0x26: {  	[sflag:s25] =	ssyncset.done $0x0  }
0x27: {  	s2 =	simm.s32 $0x0;
	s0 =	simm.s32 $0x40;
	[sflag:s25] =	ssyncadd.s32 $0xFFFFF830  }
.LBB2_6:
0x28: {  	p0 =	sne.s32 s0, $0x1F00;
	v7 =	vld [tilespmem:s2+$0x11480];
	_ =	sdelay $0x3  }
.Ltmp2:
0x29: {  	(pc) =	sbr.rel @p0 .LBB2_6-.Ltmp2, $2  }
0x2a: {  	_ =	sdelay $0x2  }
0x2b: {  	s2 =	sshra.s32 s0, $0x2;
	s0 =	sadd.s32 $0x40, s0;
	[tilespmem:v7+s26+$0x0] =	vst.idx.add.f32.msk $0xffff, v5  }
0x2c: {  	v7 =	vld [tilespmem:s2+$0x11480];
	_ =	sdelay $0x7  }
0x2d: {  	s0 =	simm.s32 $0x0;
	[tilespmem:v7+s26+$0x0] =	vst.idx.add.f32.msk $0xffff, v5  }
0x2e: {  	[tilespmem:s24], [sflag:$0x1] =	stream.linear.gather [hbm4b:s8+s0], $0x7D0, $0x38;
	[tilespmem:$0x11C80] =	vst v63  }
0x2f: {  	_ =	swait.ge [sflag:s25], $0x7D0  }
0x30: {  	[sflag:s25] =	ssyncset.done $0x0  }
0x31: {  	s2 =	simm.s32 $0x0;
	s0 =	simm.s32 $0x40;
	[sflag:s25] =	ssyncadd.s32 $0xFFFFF830  }
.LBB2_8:
0x32: {  	p0 =	sne.s32 s0, $0x1F00;
	v7 =	vld [tilespmem:s2+$0x10C80];
	_ =	sdelay $0x3  }
.Ltmp3:
0x33: {  	(pc) =	sbr.rel @p0 .LBB2_8-.Ltmp3, $2  }
0x34: {  	_ =	sdelay $0x2  }
0x35: {  	s2 =	sshra.s32 s0, $0x2;
	s0 =	sadd.s32 $0x40, s0;
	[tilespmem:v7+s26+$0x0] =	vst.idx.add.f32.msk $0xffff, v5  }
0x36: {  	v7 =	vld [tilespmem:s2+$0x10C80];
	_ =	sdelay $0x7  }
0x37: {  	s0 =	simm.s32 $0x0;
	[tilespmem:v7+s26+$0x0] =	vst.idx.add.f32.msk $0xffff, v5  }
0x38: {  	[tilespmem:s23], [sflag:$0x1] =	stream.linear.gather [hbm4b:s9+s0], $0x7D0, $0x38;
	[tilespmem:$0x11C80] =	vst v63  }
0x39: {  	_ =	swait.ge [sflag:s25], $0x7D0  }
0x3a: {  	[sflag:s25] =	ssyncset.done $0x0  }
0x3b: {  	s2 =	simm.s32 $0x0;
	s0 =	simm.s32 $0x40;
	[sflag:s25] =	ssyncadd.s32 $0xFFFFF830  }
.LBB2_10:
0x3c: {  	p0 =	sne.s32 s0, $0x1F00;
	v7 =	vld [tilespmem:s2+$0x11480];
	_ =	sdelay $0x3  }
.Ltmp4:
0x3d: {  	(pc) =	sbr.rel @p0 .LBB2_10-.Ltmp4, $2  }
0x3e: {  	_ =	sdelay $0x2  }
0x3f: {  	s2 =	sshra.s32 s0, $0x2;
	s0 =	sadd.s32 $0x40, s0;
	[tilespmem:v7+s26+$0x0] =	vst.idx.add.f32.msk $0xffff, v5  }
0x40: {  	v7 =	vld [tilespmem:s2+$0x11480];
	_ =	sdelay $0x7  }
0x41: {  	s0 =	simm.s32 $0x0;
	[tilespmem:v7+s26+$0x0] =	vst.idx.add.f32.msk $0xffff, v5  }
0x42: {  	[tilespmem:s24], [sflag:$0x1] =	stream.linear.gather [hbm4b:s10+s0], $0x7D0, $0x38;
	[tilespmem:$0x11C80] =	vst v63  }
0x43: {  	_ =	swait.ge [sflag:s25], $0x7D0  }
0x44: {  	[sflag:s25] =	ssyncset.done $0x0  }
0x45: {  	s2 =	simm.s32 $0x0;
	s0 =	simm.s32 $0x40;
	[sflag:s25] =	ssyncadd.s32 $0xFFFFF830  }
.LBB2_12:
0x46: {  	p0 =	sne.s32 s0, $0x1F00;
	v7 =	vld [tilespmem:s2+$0x10C80];
	_ =	sdelay $0x3  }
.Ltmp5:
0x47: {  	(pc) =	sbr.rel @p0 .LBB2_12-.Ltmp5, $2  }
0x48: {  	_ =	sdelay $0x2  }
0x49: {  	s2 =	sshra.s32 s0, $0x2;
	s0 =	sadd.s32 $0x40, s0;
	[tilespmem:v7+s26+$0x0] =	vst.idx.add.f32.msk $0xffff, v5  }
0x4a: {  	v7 =	vld [tilespmem:s2+$0x10C80];
	_ =	sdelay $0x7  }
0x4b: {  	s0 =	simm.s32 $0x0;
	[tilespmem:v7+s26+$0x0] =	vst.idx.add.f32.msk $0xffff, v5  }
0x4c: {  	[tilespmem:s23], [sflag:$0x1] =	stream.linear.gather [hbm4b:s11+s0], $0x7D0, $0x38;
	[tilespmem:$0x11C80] =	vst v63  }
0x4d: {  	_ =	swait.ge [sflag:s25], $0x7D0  }
0x4e: {  	[sflag:s25] =	ssyncset.done $0x0  }
0x4f: {  	s2 =	simm.s32 $0x0;
	s0 =	simm.s32 $0x40;
	[sflag:s25] =	ssyncadd.s32 $0xFFFFF830  }
.LBB2_14:
0x50: {  	p0 =	sne.s32 s0, $0x1F00;
	v7 =	vld [tilespmem:s2+$0x11480];
	_ =	sdelay $0x3  }
.Ltmp6:
0x51: {  	(pc) =	sbr.rel @p0 .LBB2_14-.Ltmp6, $2  }
0x52: {  	_ =	sdelay $0x2  }
0x53: {  	s2 =	sshra.s32 s0, $0x2;
	s0 =	sadd.s32 $0x40, s0;
	[tilespmem:v7+s26+$0x0] =	vst.idx.add.f32.msk $0xffff, v5  }
0x54: {  	v7 =	vld [tilespmem:s2+$0x11480];
	_ =	sdelay $0x7  }
0x55: {  	s0 =	simm.s32 $0x0;
	[tilespmem:v7+s26+$0x0] =	vst.idx.add.f32.msk $0xffff, v5  }
0x56: {  	[tilespmem:s24], [sflag:$0x1] =	stream.linear.gather [hbm4b:s12+s0], $0x7D0, $0x38;
	[tilespmem:$0x11C80] =	vst v63  }
0x57: {  	_ =	swait.ge [sflag:s25], $0x7D0  }
0x58: {  	[sflag:s25] =	ssyncset.done $0x0  }
0x59: {  	s2 =	simm.s32 $0x0;
	s0 =	simm.s32 $0x40;
	[sflag:s25] =	ssyncadd.s32 $0xFFFFF830  }
.LBB2_16:
0x5a: {  	p0 =	sne.s32 s0, $0x1F00;
	v7 =	vld [tilespmem:s2+$0x10C80];
	_ =	sdelay $0x3  }
.Ltmp7:
0x5b: {  	(pc) =	sbr.rel @p0 .LBB2_16-.Ltmp7, $2  }
0x5c: {  	_ =	sdelay $0x2  }
0x5d: {  	s2 =	sshra.s32 s0, $0x2;
	s0 =	sadd.s32 $0x40, s0;
	[tilespmem:v7+s26+$0x0] =	vst.idx.add.f32.msk $0xffff, v5  }
0x5e: {  	v7 =	vld [tilespmem:s2+$0x10C80];
	_ =	sdelay $0x7  }
0x5f: {  	[tilespmem:v7+s26+$0x0] =	vst.idx.add.f32.msk $0xffff, v5  }
0x60: {  	_ =	swait.ge [sflag:s25], $0x7D0  }
0x61: {  	[sflag:s25] =	ssyncset.done $0x0  }
0x62: {  	s2 =	simm.s32 $0x0;
	s0 =	simm.s32 $0x40;
	[sflag:s25] =	ssyncadd.s32 $0xFFFFF830  }
.LBB2_18:
0x63: {  	p0 =	sne.s32 s0, $0x1F00;
	v7 =	vld [tilespmem:s2+$0x11480];
	_ =	sdelay $0x3  }
.Ltmp8:
0x64: {  	(pc) =	sbr.rel @p0 .LBB2_18-.Ltmp8, $2  }
0x65: {  	_ =	sdelay $0x2  }
0x66: {  	s2 =	sshra.s32 s0, $0x2;
	s0 =	sadd.s32 $0x40, s0;
	[tilespmem:v7+s26+$0x0] =	vst.idx.add.f32.msk $0xffff, v5  }
0x67: {  	v7 =	vld [tilespmem:s2+$0x11480];
	_ =	sdelay $0x7  }
0x68: {  	s0 =	simm.s32 $0x0;
	s2 =	simm.s32 $0x40;
	[tilespmem:v7+s26+$0x0] =	vst.idx.add.f32.msk $0xffff, v5  }
.LBB2_20:
0x69: {  	p0 =	sne.s32 s2, $0x1F00;
	v7 =	vld [tilespmem:s0+$0xF480];
	_ =	sdelay $0x4  }
0x6a: {  	v7 =	vadd.f32 $1.000000000e+00, v7;
	_ =	sdelay $0x1  }
0x6b: {  	v8 =	vshrl.u32 v7, $0x1  }
0x6c: {  	v8 =	vsub.s32 $0x5F3759DF, v8  }
0x6d: {  	v7 =	vmul.f32 $5.000000000e-01, v7;
	v9 =	vmul.f32 v8, v8;
	_ =	sdelay $0x1  }
0x6e: {  	v9 =	vmul.f32 v9, v7;
	_ =	sdelay $0x1  }
0x6f: {  	v9 =	vsub.f32 $1.500000000e+00, v9;
	_ =	sdelay $0x1  }
0x70: {  	v8 =	vmul.f32 v8, v9;
	_ =	sdelay $0x1  }
0x71: {  	v9 =	vmul.f32 v8, v8;
	_ =	sdelay $0x1  }
0x72: {  	v9 =	vmul.f32 v9, v7;
	_ =	sdelay $0x1  }
0x73: {  	v9 =	vsub.f32 $1.500000000e+00, v9;
	_ =	sdelay $0x1  }
0x74: {  	v8 =	vmul.f32 v9, v8;
	_ =	sdelay $0x1  }
0x75: {  	v9 =	vmul.f32 v8, v8;
	_ =	sdelay $0x1  }
0x76: {  	v9 =	vmul.f32 v9, v7;
	_ =	sdelay $0x1  }
0x77: {  	v9 =	vsub.f32 $1.500000000e+00, v9;
	_ =	sdelay $0x1  }
0x78: {  	v8 =	vmul.f32 v9, v8;
	_ =	sdelay $0x1  }
0x79: {  	v9 =	vmul.f32 v8, v8;
	_ =	sdelay $0x1  }
0x7a: {  	v7 =	vmul.f32 v9, v7;
	_ =	sdelay $0x1  }
.Ltmp9:
0x7b: {  	v7 =	vsub.f32 $1.500000000e+00, v7;
	(pc) =	sbr.rel @p0 .LBB2_20-.Ltmp9, $3  }
0x7c: {  	_ = 	snop  }
0x7d: {  	v7 =	vmul.f32 v7, v8;
	_ =	sdelay $0x1  }
0x7e: {  	[tilespmem:s0+$0xF480] =	vst v7;
	s0 =	sshra.s32 s2, $0x2;
	s2 =	sadd.s32 $0x40, s2  }
0x7f: {  	v7 =	vld [tilespmem:s0+$0xF480];
	_ =	sdelay $0x4  }
0x80: {  	v7 =	vadd.f32 $1.000000000e+00, v7;
	_ =	sdelay $0x1  }
0x81: {  	v8 =	vshrl.u32 v7, $0x1  }
0x82: {  	v8 =	vsub.s32 $0x5F3759DF, v8  }
0x83: {  	v7 =	vmul.f32 $5.000000000e-01, v7;
	v9 =	vmul.f32 v8, v8;
	_ =	sdelay $0x1  }
0x84: {  	v9 =	vmul.f32 v9, v7;
	_ =	sdelay $0x1  }
0x85: {  	v9 =	vsub.f32 $1.500000000e+00, v9;
	_ =	sdelay $0x1  }
0x86: {  	v8 =	vmul.f32 v8, v9;
	_ =	sdelay $0x1  }
0x87: {  	v9 =	vmul.f32 v8, v8;
	_ =	sdelay $0x1  }
0x88: {  	v9 =	vmul.f32 v9, v7;
	_ =	sdelay $0x1  }
0x89: {  	v9 =	vsub.f32 $1.500000000e+00, v9;
	_ =	sdelay $0x1  }
0x8a: {  	v8 =	vmul.f32 v9, v8;
	_ =	sdelay $0x1  }
0x8b: {  	v9 =	vmul.f32 v8, v8;
	_ =	sdelay $0x1  }
0x8c: {  	v9 =	vmul.f32 v9, v7;
	_ =	sdelay $0x1  }
0x8d: {  	v9 =	vsub.f32 $1.500000000e+00, v9;
	_ =	sdelay $0x1  }
0x8e: {  	v8 =	vmul.f32 v9, v8;
	_ =	sdelay $0x1  }
0x8f: {  	v9 =	vmul.f32 v8, v8;
	_ =	sdelay $0x1  }
0x90: {  	v7 =	vmul.f32 v9, v7;
	_ =	sdelay $0x1  }
0x91: {  	v7 =	vsub.f32 $1.500000000e+00, v7;
	_ =	sdelay $0x1  }
0x92: {  	v7 =	vmul.f32 v7, v8;
	_ =	sdelay $0x1  }
0x93: {  	[tilespmem:s0+$0xF480] =	vst v7  }
0x94: {  	_ =	swait.ge [sflag:s28], $0xF480  }
0x95: {  	[sflag:s28] =	ssyncset.done $0x0  }
0x96: {  	s21 =	simm.s32 $0x0;
	[sflag:s28] =	ssyncadd.s32 $0xFFFF0B80  }
0x97: {  	[tilespmem:s29], [sflag:$0x1] =	stream.linear.gather [hbm4b:s3+s21], $0x7D0, $0x38;
	[tilespmem:$0x11C80] =	vst v63  }
0x98: {  	_ = 	snop  }
0x99: {  	[tilespmem:s23], [sflag:$0x1] =	stream.linear.gather [hbm4b:s4+s21], $0x7D0, $0x38;
	[tilespmem:$0x11C80] =	vst v63  }
0x9a: {  	_ = 	snop  }
0x9b: {  	[tilespmem:s30], [sflag:$0x1] =	stream.linear.gather [hbm4b:s13+s21], $0x7D0, $0x38;
	[tilespmem:$0x11C80] =	vst v63  }
0x9c: {  	_ = 	snop  }
0x9d: {  	[tilespmem:s24], [sflag:$0x1] =	stream.linear.gather [hbm4b:s6+s21], $0x7D0, $0x38;
	[tilespmem:$0x11C80] =	vst v63  }
0x9e: {  	_ =	swait.ge [sflag:s25], $0x7D0  }
0x9f: {  	[sflag:s25] =	ssyncset.done $0x0  }
0xa0: {  	[sflag:s25] =	ssyncadd.s32 $0xFFFFF830  }
0xa1: {  	_ =	swait.ge [sflag:s25], $0x7D0  }
0xa2: {  	[sflag:s25] =	ssyncset.done $0x0  }
0xa3: {  	s2 =	simm.s32 $0x0;
	[sflag:s25] =	ssyncadd.s32 $0xFFFFF830  }
0xa4: {  	s0 =	simm.s32 $0x40;
	v7 =	vld [tilespmem:s2+$0x10C80]  }
.LBB2_22:
0xa5: {  	p0 =	sne.s32 s0, $0x1F00;
	v8 =	vld [tilespmem:s2+$0xFC80];
	_ =	sdelay $0x6  }
0xa6: {  	v9 =	vld.idx.msk [tilespmem:v7+s26+$0x0], $0xffff;
	v7 =	vmul.u32 $0x7D0, v7  }
0xa7: {  	v10 =	vld.idx.msk [tilespmem:v8+s26+$0x0], $0xffff;
	v8 =	vadd.s32 v2, v8  }
0xa8: {  	v7 =	vadd.s32 v7, v8  }
0xa9: {  	vm0 =	vlt.u32 v7, $0xF430  }
0xaa: {  	v7 =	vnsel vm0, $0x0, v7;
	_ =	sdelay $0x1  }
.Ltmp10:
0xab: {  	(pc) =	sbr.rel @p0 .LBB2_22-.Ltmp10, $3  }
0xac: {  	v8 =	vmul.f32 v10, v9;
	_ =	sdelay $0x1  }
0xad: {  	s2 =	sshra.s32 s0, $0x2;
	[tilespmem:v7+s1+$0x0] =	vst.idx.add.f32.msk vm0, v8  }
0xae: {  	s0 =	sadd.s32 $0x40, s0;
	v7 =	vld [tilespmem:s2+$0x10C80]  }
0xaf: {  	_ = 	snop  }
0xb0: {  	v8 =	vld [tilespmem:s2+$0xFC80];
	_ =	sdelay $0x5  }
0xb1: {  	v9 =	vmul.u32 $0x7D0, v7  }
0xb2: {  	v7 =	vld.idx.msk [tilespmem:v7+s26+$0x0], $0xffff;
	v10 =	vadd.s32 v2, v8  }
0xb3: {  	v9 =	vadd.s32 v9, v10;
	v8 =	vld.idx.msk [tilespmem:v8+s26+$0x0], $0xffff  }
0xb4: {  	vm0 =	vlt.u32 v9, $0xF430  }
0xb5: {  	v9 =	vnsel vm0, $0x0, v9;
	_ =	sdelay $0x2  }
0xb6: {  	v7 =	vmul.f32 v8, v7;
	_ =	sdelay $0x1  }
0xb7: {  	s0 =	simm.s32 $0x0;
	[tilespmem:v9+s1+$0x0] =	vst.idx.add.f32.msk vm0, v7  }
0xb8: {  	[tilespmem:s29], [sflag:$0x1] =	stream.linear.gather [hbm4b:s14+s0], $0x7D0, $0x38;
	[tilespmem:$0x11C80] =	vst v63  }
0xb9: {  	_ = 	snop  }
0xba: {  	[tilespmem:s23], [sflag:$0x1] =	stream.linear.gather [hbm4b:s7+s0], $0x7D0, $0x38;
	[tilespmem:$0x11C80] =	vst v63  }
0xbb: {  	_ =	swait.ge [sflag:s25], $0x7D0  }
0xbc: {  	[sflag:s25] =	ssyncset.done $0x0  }
0xbd: {  	[sflag:s25] =	ssyncadd.s32 $0xFFFFF830  }
0xbe: {  	_ =	swait.ge [sflag:s25], $0x7D0  }
0xbf: {  	[sflag:s25] =	ssyncset.done $0x0  }
0xc0: {  	s2 =	simm.s32 $0x0;
	[sflag:s25] =	ssyncadd.s32 $0xFFFFF830  }
0xc1: {  	s0 =	simm.s32 $0x40;
	v7 =	vld [tilespmem:s2+$0x11480]  }
.LBB2_24:
0xc2: {  	p0 =	sne.s32 s0, $0x1F00;
	v8 =	vld [tilespmem:s2+$0x10480];
	_ =	sdelay $0x6  }
0xc3: {  	v9 =	vld.idx.msk [tilespmem:v7+s26+$0x0], $0xffff;
	v7 =	vmul.u32 $0x7D0, v7  }
0xc4: {  	v10 =	vld.idx.msk [tilespmem:v8+s26+$0x0], $0xffff;
	v8 =	vadd.s32 v2, v8  }
0xc5: {  	v7 =	vadd.s32 v7, v8  }
0xc6: {  	vm0 =	vlt.u32 v7, $0xF430  }
0xc7: {  	v7 =	vnsel vm0, $0x0, v7;
	_ =	sdelay $0x1  }
.Ltmp11:
0xc8: {  	(pc) =	sbr.rel @p0 .LBB2_24-.Ltmp11, $3  }
0xc9: {  	v8 =	vmul.f32 v10, v9;
	_ =	sdelay $0x1  }
0xca: {  	s2 =	sshra.s32 s0, $0x2;
	[tilespmem:v7+s1+$0x0] =	vst.idx.add.f32.msk vm0, v8  }
0xcb: {  	s0 =	sadd.s32 $0x40, s0;
	v7 =	vld [tilespmem:s2+$0x11480]  }
0xcc: {  	_ = 	snop  }
0xcd: {  	v8 =	vld [tilespmem:s2+$0x10480];
	_ =	sdelay $0x5  }
0xce: {  	v9 =	vmul.u32 $0x7D0, v7  }
0xcf: {  	v7 =	vld.idx.msk [tilespmem:v7+s26+$0x0], $0xffff;
	v10 =	vadd.s32 v2, v8  }
0xd0: {  	v9 =	vadd.s32 v9, v10;
	v8 =	vld.idx.msk [tilespmem:v8+s26+$0x0], $0xffff  }
0xd1: {  	vm0 =	vlt.u32 v9, $0xF430  }
0xd2: {  	v9 =	vnsel vm0, $0x0, v9;
	_ =	sdelay $0x2  }
0xd3: {  	v7 =	vmul.f32 v8, v7;
	_ =	sdelay $0x1  }
0xd4: {  	s0 =	simm.s32 $0x0;
	[tilespmem:v9+s1+$0x0] =	vst.idx.add.f32.msk vm0, v7  }
0xd5: {  	[tilespmem:s30], [sflag:$0x1] =	stream.linear.gather [hbm4b:s15+s0], $0x7D0, $0x38;
	[tilespmem:$0x11C80] =	vst v63  }
0xd6: {  	_ = 	snop  }
0xd7: {  	[tilespmem:s24], [sflag:$0x1] =	stream.linear.gather [hbm4b:s8+s0], $0x7D0, $0x38;
	[tilespmem:$0x11C80] =	vst v63  }
0xd8: {  	_ =	swait.ge [sflag:s25], $0x7D0  }
0xd9: {  	[sflag:s25] =	ssyncset.done $0x0  }
0xda: {  	[sflag:s25] =	ssyncadd.s32 $0xFFFFF830  }
0xdb: {  	_ =	swait.ge [sflag:s25], $0x7D0  }
0xdc: {  	[sflag:s25] =	ssyncset.done $0x0  }
0xdd: {  	s2 =	simm.s32 $0x0;
	[sflag:s25] =	ssyncadd.s32 $0xFFFFF830  }
0xde: {  	s0 =	simm.s32 $0x40;
	v7 =	vld [tilespmem:s2+$0x10C80]  }
.LBB2_26:
0xdf: {  	p0 =	sne.s32 s0, $0x1F00;
	v8 =	vld [tilespmem:s2+$0xFC80];
	_ =	sdelay $0x6  }
0xe0: {  	v9 =	vld.idx.msk [tilespmem:v7+s26+$0x0], $0xffff;
	v7 =	vmul.u32 $0x7D0, v7  }
0xe1: {  	v10 =	vld.idx.msk [tilespmem:v8+s26+$0x0], $0xffff;
	v8 =	vadd.s32 v2, v8  }
0xe2: {  	v7 =	vadd.s32 v7, v8  }
0xe3: {  	vm0 =	vlt.u32 v7, $0xF430  }
0xe4: {  	v7 =	vnsel vm0, $0x0, v7;
	_ =	sdelay $0x1  }
.Ltmp12:
0xe5: {  	(pc) =	sbr.rel @p0 .LBB2_26-.Ltmp12, $3  }
0xe6: {  	v8 =	vmul.f32 v10, v9;
	_ =	sdelay $0x1  }
0xe7: {  	s2 =	sshra.s32 s0, $0x2;
	[tilespmem:v7+s1+$0x0] =	vst.idx.add.f32.msk vm0, v8  }
0xe8: {  	s0 =	sadd.s32 $0x40, s0;
	v7 =	vld [tilespmem:s2+$0x10C80]  }
0xe9: {  	_ = 	snop  }
0xea: {  	v8 =	vld [tilespmem:s2+$0xFC80];
	_ =	sdelay $0x5  }
0xeb: {  	v9 =	vmul.u32 $0x7D0, v7  }
0xec: {  	v7 =	vld.idx.msk [tilespmem:v7+s26+$0x0], $0xffff;
	v10 =	vadd.s32 v2, v8  }
0xed: {  	v9 =	vadd.s32 v9, v10;
	v8 =	vld.idx.msk [tilespmem:v8+s26+$0x0], $0xffff  }
0xee: {  	vm0 =	vlt.u32 v9, $0xF430  }
0xef: {  	v9 =	vnsel vm0, $0x0, v9;
	_ =	sdelay $0x2  }
0xf0: {  	v7 =	vmul.f32 v8, v7;
	_ =	sdelay $0x1  }
0xf1: {  	s0 =	simm.s32 $0x0;
	[tilespmem:v9+s1+$0x0] =	vst.idx.add.f32.msk vm0, v7  }
0xf2: {  	[tilespmem:s29], [sflag:$0x1] =	stream.linear.gather [hbm4b:s16+s0], $0x7D0, $0x38;
	[tilespmem:$0x11C80] =	vst v63  }
0xf3: {  	_ = 	snop  }
0xf4: {  	[tilespmem:s23], [sflag:$0x1] =	stream.linear.gather [hbm4b:s9+s0], $0x7D0, $0x38;
	[tilespmem:$0x11C80] =	vst v63  }
0xf5: {  	_ =	swait.ge [sflag:s25], $0x7D0  }
0xf6: {  	[sflag:s25] =	ssyncset.done $0x0  }
0xf7: {  	[sflag:s25] =	ssyncadd.s32 $0xFFFFF830  }
0xf8: {  	_ =	swait.ge [sflag:s25], $0x7D0  }
0xf9: {  	[sflag:s25] =	ssyncset.done $0x0  }
0xfa: {  	s2 =	simm.s32 $0x0;
	[sflag:s25] =	ssyncadd.s32 $0xFFFFF830  }
0xfb: {  	s0 =	simm.s32 $0x40;
	v7 =	vld [tilespmem:s2+$0x11480]  }
.LBB2_28:
0xfc: {  	p0 =	sne.s32 s0, $0x1F00;
	v8 =	vld [tilespmem:s2+$0x10480];
	_ =	sdelay $0x6  }
0xfd: {  	v9 =	vld.idx.msk [tilespmem:v7+s26+$0x0], $0xffff;
	v7 =	vmul.u32 $0x7D0, v7  }
0xfe: {  	v10 =	vld.idx.msk [tilespmem:v8+s26+$0x0], $0xffff;
	v8 =	vadd.s32 v2, v8  }
0xff: {  	v7 =	vadd.s32 v7, v8  }
0x100: {  	vm0 =	vlt.u32 v7, $0xF430  }
0x101: {  	v7 =	vnsel vm0, $0x0, v7;
	_ =	sdelay $0x1  }
.Ltmp13:
0x102: {  	(pc) =	sbr.rel @p0 .LBB2_28-.Ltmp13, $3  }
0x103: {  	v8 =	vmul.f32 v10, v9;
	_ =	sdelay $0x1  }
0x104: {  	s2 =	sshra.s32 s0, $0x2;
	[tilespmem:v7+s1+$0x0] =	vst.idx.add.f32.msk vm0, v8  }
0x105: {  	s0 =	sadd.s32 $0x40, s0;
	v7 =	vld [tilespmem:s2+$0x11480]  }
0x106: {  	_ = 	snop  }
0x107: {  	v8 =	vld [tilespmem:s2+$0x10480];
	_ =	sdelay $0x5  }
0x108: {  	v9 =	vmul.u32 $0x7D0, v7  }
0x109: {  	v7 =	vld.idx.msk [tilespmem:v7+s26+$0x0], $0xffff;
	v10 =	vadd.s32 v2, v8  }
0x10a: {  	v9 =	vadd.s32 v9, v10;
	v8 =	vld.idx.msk [tilespmem:v8+s26+$0x0], $0xffff  }
0x10b: {  	vm0 =	vlt.u32 v9, $0xF430  }
0x10c: {  	v9 =	vnsel vm0, $0x0, v9;
	_ =	sdelay $0x2  }
0x10d: {  	v7 =	vmul.f32 v8, v7;
	_ =	sdelay $0x1  }
0x10e: {  	s0 =	simm.s32 $0x0;
	[tilespmem:v9+s1+$0x0] =	vst.idx.add.f32.msk vm0, v7  }
0x10f: {  	[tilespmem:s30], [sflag:$0x1] =	stream.linear.gather [hbm4b:s17+s0], $0x7D0, $0x38;
	[tilespmem:$0x11C80] =	vst v63  }
0x110: {  	_ = 	snop  }
0x111: {  	[tilespmem:s24], [sflag:$0x1] =	stream.linear.gather [hbm4b:s10+s0], $0x7D0, $0x38;
	[tilespmem:$0x11C80] =	vst v63  }
0x112: {  	_ =	swait.ge [sflag:s25], $0x7D0  }
0x113: {  	[sflag:s25] =	ssyncset.done $0x0  }
0x114: {  	[sflag:s25] =	ssyncadd.s32 $0xFFFFF830  }
0x115: {  	_ =	swait.ge [sflag:s25], $0x7D0  }
0x116: {  	[sflag:s25] =	ssyncset.done $0x0  }
0x117: {  	s2 =	simm.s32 $0x0;
	[sflag:s25] =	ssyncadd.s32 $0xFFFFF830  }
0x118: {  	s0 =	simm.s32 $0x40;
	v7 =	vld [tilespmem:s2+$0x10C80]  }
.LBB2_30:
0x119: {  	p0 =	sne.s32 s0, $0x1F00;
	v8 =	vld [tilespmem:s2+$0xFC80];
	_ =	sdelay $0x6  }
0x11a: {  	v9 =	vld.idx.msk [tilespmem:v7+s26+$0x0], $0xffff;
	v7 =	vmul.u32 $0x7D0, v7  }
0x11b: {  	v10 =	vld.idx.msk [tilespmem:v8+s26+$0x0], $0xffff;
	v8 =	vadd.s32 v2, v8  }
0x11c: {  	v7 =	vadd.s32 v7, v8  }
0x11d: {  	vm0 =	vlt.u32 v7, $0xF430  }
0x11e: {  	v7 =	vnsel vm0, $0x0, v7;
	_ =	sdelay $0x1  }
.Ltmp14:
0x11f: {  	(pc) =	sbr.rel @p0 .LBB2_30-.Ltmp14, $3  }
0x120: {  	v8 =	vmul.f32 v10, v9;
	_ =	sdelay $0x1  }
0x121: {  	s2 =	sshra.s32 s0, $0x2;
	[tilespmem:v7+s1+$0x0] =	vst.idx.add.f32.msk vm0, v8  }
0x122: {  	s0 =	sadd.s32 $0x40, s0;
	v7 =	vld [tilespmem:s2+$0x10C80]  }
0x123: {  	_ = 	snop  }
0x124: {  	v8 =	vld [tilespmem:s2+$0xFC80];
	_ =	sdelay $0x5  }
0x125: {  	v9 =	vmul.u32 $0x7D0, v7  }
0x126: {  	v7 =	vld.idx.msk [tilespmem:v7+s26+$0x0], $0xffff;
	v10 =	vadd.s32 v2, v8  }
0x127: {  	v9 =	vadd.s32 v9, v10;
	v8 =	vld.idx.msk [tilespmem:v8+s26+$0x0], $0xffff  }
0x128: {  	vm0 =	vlt.u32 v9, $0xF430  }
0x129: {  	v9 =	vnsel vm0, $0x0, v9;
	_ =	sdelay $0x2  }
0x12a: {  	v7 =	vmul.f32 v8, v7;
	_ =	sdelay $0x1  }
0x12b: {  	s0 =	simm.s32 $0x0;
	[tilespmem:v9+s1+$0x0] =	vst.idx.add.f32.msk vm0, v7  }
0x12c: {  	[tilespmem:s29], [sflag:$0x1] =	stream.linear.gather [hbm4b:s18+s0], $0x7D0, $0x38;
	[tilespmem:$0x11C80] =	vst v63  }
0x12d: {  	_ = 	snop  }
0x12e: {  	[tilespmem:s23], [sflag:$0x1] =	stream.linear.gather [hbm4b:s11+s0], $0x7D0, $0x38;
	[tilespmem:$0x11C80] =	vst v63  }
0x12f: {  	_ =	swait.ge [sflag:s25], $0x7D0  }
0x130: {  	[sflag:s25] =	ssyncset.done $0x0  }
0x131: {  	[sflag:s25] =	ssyncadd.s32 $0xFFFFF830  }
0x132: {  	_ =	swait.ge [sflag:s25], $0x7D0  }
0x133: {  	[sflag:s25] =	ssyncset.done $0x0  }
0x134: {  	s2 =	simm.s32 $0x0;
	[sflag:s25] =	ssyncadd.s32 $0xFFFFF830  }
0x135: {  	s0 =	simm.s32 $0x40;
	v7 =	vld [tilespmem:s2+$0x11480]  }
.LBB2_32:
0x136: {  	p0 =	sne.s32 s0, $0x1F00;
	v8 =	vld [tilespmem:s2+$0x10480];
	_ =	sdelay $0x6  }
0x137: {  	v9 =	vld.idx.msk [tilespmem:v7+s26+$0x0], $0xffff;
	v7 =	vmul.u32 $0x7D0, v7  }
0x138: {  	v10 =	vld.idx.msk [tilespmem:v8+s26+$0x0], $0xffff;
	v8 =	vadd.s32 v2, v8  }
0x139: {  	v7 =	vadd.s32 v7, v8  }
0x13a: {  	vm0 =	vlt.u32 v7, $0xF430  }
0x13b: {  	v7 =	vnsel vm0, $0x0, v7;
	_ =	sdelay $0x1  }
.Ltmp15:
0x13c: {  	(pc) =	sbr.rel @p0 .LBB2_32-.Ltmp15, $3  }
0x13d: {  	v8 =	vmul.f32 v10, v9;
	_ =	sdelay $0x1  }
0x13e: {  	s2 =	sshra.s32 s0, $0x2;
	[tilespmem:v7+s1+$0x0] =	vst.idx.add.f32.msk vm0, v8  }
0x13f: {  	s0 =	sadd.s32 $0x40, s0;
	v7 =	vld [tilespmem:s2+$0x11480]  }
0x140: {  	_ = 	snop  }
0x141: {  	v8 =	vld [tilespmem:s2+$0x10480];
	_ =	sdelay $0x5  }
0x142: {  	v9 =	vmul.u32 $0x7D0, v7  }
0x143: {  	v7 =	vld.idx.msk [tilespmem:v7+s26+$0x0], $0xffff;
	v10 =	vadd.s32 v2, v8  }
0x144: {  	v9 =	vadd.s32 v9, v10;
	v8 =	vld.idx.msk [tilespmem:v8+s26+$0x0], $0xffff  }
0x145: {  	vm0 =	vlt.u32 v9, $0xF430  }
0x146: {  	v9 =	vnsel vm0, $0x0, v9;
	_ =	sdelay $0x2  }
0x147: {  	v7 =	vmul.f32 v8, v7;
	_ =	sdelay $0x1  }
0x148: {  	s0 =	simm.s32 $0x0;
	[tilespmem:v9+s1+$0x0] =	vst.idx.add.f32.msk vm0, v7  }
0x149: {  	[tilespmem:s30], [sflag:$0x1] =	stream.linear.gather [hbm4b:s19+s0], $0x7D0, $0x38;
	[tilespmem:$0x11C80] =	vst v63  }
0x14a: {  	_ = 	snop  }
0x14b: {  	[tilespmem:s24], [sflag:$0x1] =	stream.linear.gather [hbm4b:s12+s0], $0x7D0, $0x38;
	[tilespmem:$0x11C80] =	vst v63  }
0x14c: {  	_ =	swait.ge [sflag:s25], $0x7D0  }
0x14d: {  	[sflag:s25] =	ssyncset.done $0x0  }
0x14e: {  	[sflag:s25] =	ssyncadd.s32 $0xFFFFF830  }
0x14f: {  	_ =	swait.ge [sflag:s25], $0x7D0  }
0x150: {  	[sflag:s25] =	ssyncset.done $0x0  }
0x151: {  	s2 =	simm.s32 $0x0;
	[sflag:s25] =	ssyncadd.s32 $0xFFFFF830  }
0x152: {  	s0 =	simm.s32 $0x40;
	v7 =	vld [tilespmem:s2+$0x10C80]  }
.LBB2_34:
0x153: {  	p0 =	sne.s32 s0, $0x1F00;
	v8 =	vld [tilespmem:s2+$0xFC80];
	_ =	sdelay $0x6  }
0x154: {  	v9 =	vld.idx.msk [tilespmem:v7+s26+$0x0], $0xffff;
	v7 =	vmul.u32 $0x7D0, v7  }
0x155: {  	v10 =	vld.idx.msk [tilespmem:v8+s26+$0x0], $0xffff;
	v8 =	vadd.s32 v2, v8  }
0x156: {  	v7 =	vadd.s32 v7, v8  }
0x157: {  	vm0 =	vlt.u32 v7, $0xF430  }
0x158: {  	v7 =	vnsel vm0, $0x0, v7;
	_ =	sdelay $0x1  }
.Ltmp16:
0x159: {  	(pc) =	sbr.rel @p0 .LBB2_34-.Ltmp16, $3  }
0x15a: {  	v8 =	vmul.f32 v10, v9;
	_ =	sdelay $0x1  }
0x15b: {  	s2 =	sshra.s32 s0, $0x2;
	[tilespmem:v7+s1+$0x0] =	vst.idx.add.f32.msk vm0, v8  }
0x15c: {  	s0 =	sadd.s32 $0x40, s0;
	v7 =	vld [tilespmem:s2+$0x10C80]  }
0x15d: {  	_ = 	snop  }
0x15e: {  	v8 =	vld [tilespmem:s2+$0xFC80];
	_ =	sdelay $0x5  }
0x15f: {  	v9 =	vmul.u32 $0x7D0, v7  }
0x160: {  	v7 =	vld.idx.msk [tilespmem:v7+s26+$0x0], $0xffff;
	v10 =	vadd.s32 v2, v8  }
0x161: {  	v9 =	vadd.s32 v9, v10;
	v8 =	vld.idx.msk [tilespmem:v8+s26+$0x0], $0xffff  }
0x162: {  	vm0 =	vlt.u32 v9, $0xF430  }
0x163: {  	v9 =	vnsel vm0, $0x0, v9;
	_ =	sdelay $0x2  }
0x164: {  	v7 =	vmul.f32 v8, v7;
	_ =	sdelay $0x1  }
0x165: {  	[tilespmem:v9+s1+$0x0] =	vst.idx.add.f32.msk vm0, v7  }
0x166: {  	_ =	swait.ge [sflag:s25], $0x7D0  }
0x167: {  	[sflag:s25] =	ssyncset.done $0x0  }
0x168: {  	[sflag:s25] =	ssyncadd.s32 $0xFFFFF830  }
0x169: {  	_ =	swait.ge [sflag:s25], $0x7D0  }
0x16a: {  	[sflag:s25] =	ssyncset.done $0x0  }
0x16b: {  	s21 =	simm.s32 $0x0;
	[sflag:s25] =	ssyncadd.s32 $0xFFFFF830  }
0x16c: {  	s2 =	simm.s32 $0x0;
	s20 =	simm.s32 $0x40;
	v7 =	vld [tilespmem:s21+$0x11480]  }
.LBB2_36:
0x16d: {  	p0 =	sne.s32 s20, $0x1F00;
	v8 =	vld [tilespmem:s21+$0x10480];
	_ =	sdelay $0x5  }
0x16e: {  	s0 =	simm.s32 $0xF480  }
0x16f: {  	v9 =	vld.idx.msk [tilespmem:v7+s0+$0x0], $0xffff;
	v7 =	vmul.u32 $0x7D0, v7  }
0x170: {  	v10 =	vld.idx.msk [tilespmem:v8+s0+$0x0], $0xffff;
	v8 =	vadd.s32 v2, v8  }
0x171: {  	v7 =	vadd.s32 v7, v8  }
0x172: {  	vm0 =	vlt.u32 v7, $0xF430  }
0x173: {  	v7 =	vnsel vm0, $0x0, v7;
	_ =	sdelay $0x1  }
.Ltmp17:
0x174: {  	(pc) =	sbr.rel @p0 .LBB2_36-.Ltmp17, $3  }
0x175: {  	v8 =	vmul.f32 v10, v9;
	_ =	sdelay $0x1  }
0x176: {  	s21 =	sshra.s32 s20, $0x2;
	[tilespmem:v7+s2+$0x0] =	vst.idx.add.f32.msk vm0, v8  }
0x177: {  	s20 =	sadd.s32 $0x40, s20;
	v7 =	vld [tilespmem:s21+$0x11480]  }
0x178: {  	_ = 	snop  }
0x179: {  	v8 =	vld [tilespmem:s21+$0x10480];
	_ =	sdelay $0x5  }
0x17a: {  	v9 =	vmul.u32 $0x7D0, v7  }
0x17b: {  	v7 =	vld.idx.msk [tilespmem:v7+s0+$0x0], $0xffff;
	v10 =	vadd.s32 v2, v8  }
0x17c: {  	v9 =	vadd.s32 v9, v10;
	v8 =	vld.idx.msk [tilespmem:v8+s0+$0x0], $0xffff  }
0x17d: {  	vm0 =	vlt.u32 v9, $0xF430  }
0x17e: {  	v10 =	vmov s2;
	v9 =	vnsel vm0, $0x0, v9  }
0x17f: {  	v10 =	vmul.u32 $0x7D1, v10;
	_ =	sdelay $0x1  }
0x180: {  	v10 =	vsub.s32 v10, v0;
	v7 =	vmul.f32 v8, v7  }
0x181: {  	v10 =	vbroadcast v10, $0x0  }
0x182: {  	[tilespmem:v9+s2+$0x0] =	vst.idx.add.f32.msk vm0, v7  }
0x183: {  	v8 =	vadd.s32 v6, v10;
	v7 =	vld [tilespmem:s0+$0x0]  }
0x184: {  	s21 =	simm.s32 $0x10;
	vm0 =	vlt.u32 v8, $0xF430  }
0x185: {  	v9 =	vmov s21;
	s2 =	simm.s32 $0x20;
	v8 =	vnsel vm0, $0x0, v8  }
.LBB2_38:
0x186: {  	p0 =	sne.s32 s2, $0x7C0;
	v9 =	vmul.u32 $0x7D1, v9;
	_ =	sdelay $0x1  }
0x187: {  	v9 =	vsub.s32 v9, v0;
	v7 =	vmul.f32 v7, v7  }
.Ltmp18:
0x188: {  	v9 =	vbroadcast v9, $0x0;
	(pc) =	sbr.rel @p0 .LBB2_38-.Ltmp18, $4  }
0x189: {  	s0 =	sadd.s32 $0x10, s0;
	[tilespmem:v8+s1+$0x0] =	vst.idx.add.f32.msk vm0, v7  }
0x18a: {  	v7 =	vld [tilespmem:s0+$0x0];
	v8 =	vadd.s32 v6, v9  }
0x18b: {  	vm0 =	vlt.u32 v8, $0xF430  }
0x18c: {  	v9 =	vmov s2;
	s2 =	sadd.s32 $0x10, s2;
	v8 =	vnsel vm0, $0x0, v8  }
0x18d: {  	_ = 	snop  }
0x18e: {  	v9 =	vmul.u32 $0x7D1, v9;
	_ =	sdelay $0x1  }
0x18f: {  	v9 =	vsub.s32 v9, v0;
	v7 =	vmul.f32 v7, v7  }
0x190: {  	v9 =	vbroadcast v9, $0x0  }
0x191: {  	s0 =	sadd.s32 $0x10, s0;
	[tilespmem:v8+s1+$0x0] =	vst.idx.add.f32.msk vm0, v7  }
0x192: {  	v7 =	vld [tilespmem:s0+$0x0];
	v8 =	vadd.s32 v6, v9  }
0x193: {  	vm15 =	vlt.u32 v8, $0xF430  }
0x194: {  	v8 =	vnsel vm15, $0x0, v8;
	_ =	sdelay $0x2  }
0x195: {  	v7 =	vmul.f32 v7, v7;
	_ =	sdelay $0x1  }
0x196: {  	s21 =	simm.s32 $0x0;
	s2 =	rddreg [dreg:$0x2];
	[tilespmem:v8+s1+$0x0] =	vst.idx.add.f32.msk vm15, v7  }
0x197: {  	[hbm4b:s2+s21] =	stream.linear.scatter [tilespmem:s21], [sflag:$0x2], $0xF430, $0x38;
	[tilespmem:$0x11C80] =	vst v63  }
0x198: {  	_ =	swait.ge [sflag:s28], $0xF430  }
0x199: {  	[sflag:s28] =	ssyncset.done $0x0  }
0x19a: {  	[sflag:s28] =	ssyncadd.s32 $0xFFFF0BD0  }
0x19b: {  	[tilespmem:s21], [sflag:$0x2] =	stream.linear.gather [hbm4b:s5+s21], $0xF480, $0x38;
	[tilespmem:$0x11C80] =	vst v63  }
0x19c: {  	_ =	swait.ge [sflag:s28], $0xF480  }
0x19d: {  	[sflag:s28] =	ssyncset.done $0x0  }
0x19e: {  	[sflag:s28] =	ssyncadd.s32 $0xFFFF0B80  }
0x19f: {  	[tilespmem:s29], [sflag:$0x1] =	stream.linear.gather [hbm4b:s3+s21], $0x7D0, $0x38;
	[tilespmem:$0x11C80] =	vst v63  }
0x1a0: {  	_ = 	snop  }
0x1a1: {  	[tilespmem:s23], [sflag:$0x1] =	stream.linear.gather [hbm4b:s4+s21], $0x7D0, $0x38;
	[tilespmem:$0x11C80] =	vst v63  }
0x1a2: {  	_ = 	snop  }
0x1a3: {  	[tilespmem:s30], [sflag:$0x1] =	stream.linear.gather [hbm4b:s13+s21], $0x7D0, $0x38;
	[tilespmem:$0x11C80] =	vst v63  }
0x1a4: {  	_ = 	snop  }
0x1a5: {  	[tilespmem:s24], [sflag:$0x1] =	stream.linear.gather [hbm4b:s6+s21], $0x7D0, $0x38;
	[tilespmem:$0x11C80] =	vst v63  }
0x1a6: {  	_ =	swait.ge [sflag:s25], $0x7D0  }
0x1a7: {  	[sflag:s25] =	ssyncset.done $0x0  }
0x1a8: {  	[sflag:s25] =	ssyncadd.s32 $0xFFFFF830  }
0x1a9: {  	_ =	swait.ge [sflag:s25], $0x7D0  }
0x1aa: {  	[sflag:s25] =	ssyncset.done $0x0  }
0x1ab: {  	s2 =	simm.s32 $0x0;
	[sflag:s25] =	ssyncadd.s32 $0xFFFFF830  }
0x1ac: {  	s0 =	simm.s32 $0x40;
	v7 =	vld [tilespmem:s2+$0x10C80]  }
.LBB2_40:
0x1ad: {  	p0 =	sne.s32 s0, $0x1F00;
	v8 =	vld [tilespmem:s2+$0xFC80];
	_ =	sdelay $0x6  }
0x1ae: {  	v9 =	vld.idx.msk [tilespmem:v7+s26+$0x0], $0xffff;
	v7 =	vmul.u32 $0x7D0, v7  }
0x1af: {  	v10 =	vld.idx.msk [tilespmem:v8+s26+$0x0], $0xffff;
	v8 =	vadd.s32 v3, v8  }
0x1b0: {  	v7 =	vadd.s32 v7, v8  }
0x1b1: {  	vm0 =	vlt.u32 v7, $0xF430  }
0x1b2: {  	v7 =	vnsel vm0, $0x0, v7;
	_ =	sdelay $0x1  }
.Ltmp19:
0x1b3: {  	(pc) =	sbr.rel @p0 .LBB2_40-.Ltmp19, $3  }
0x1b4: {  	v8 =	vmul.f32 v10, v9;
	_ =	sdelay $0x1  }
0x1b5: {  	s2 =	sshra.s32 s0, $0x2;
	[tilespmem:v7+s1+$0x0] =	vst.idx.add.f32.msk vm0, v8  }
0x1b6: {  	s0 =	sadd.s32 $0x40, s0;
	v7 =	vld [tilespmem:s2+$0x10C80]  }
0x1b7: {  	_ = 	snop  }
0x1b8: {  	v8 =	vld [tilespmem:s2+$0xFC80];
	_ =	sdelay $0x5  }
0x1b9: {  	v9 =	vmul.u32 $0x7D0, v7  }
0x1ba: {  	v7 =	vld.idx.msk [tilespmem:v7+s26+$0x0], $0xffff;
	v10 =	vadd.s32 v3, v8  }
0x1bb: {  	v9 =	vadd.s32 v9, v10;
	v8 =	vld.idx.msk [tilespmem:v8+s26+$0x0], $0xffff  }
0x1bc: {  	vm0 =	vlt.u32 v9, $0xF430  }
0x1bd: {  	v9 =	vnsel vm0, $0x0, v9;
	_ =	sdelay $0x2  }
0x1be: {  	v7 =	vmul.f32 v8, v7;
	_ =	sdelay $0x1  }
0x1bf: {  	s0 =	simm.s32 $0x0;
	[tilespmem:v9+s1+$0x0] =	vst.idx.add.f32.msk vm0, v7  }
0x1c0: {  	[tilespmem:s29], [sflag:$0x1] =	stream.linear.gather [hbm4b:s14+s0], $0x7D0, $0x38;
	[tilespmem:$0x11C80] =	vst v63  }
0x1c1: {  	_ = 	snop  }
0x1c2: {  	[tilespmem:s23], [sflag:$0x1] =	stream.linear.gather [hbm4b:s7+s0], $0x7D0, $0x38;
	[tilespmem:$0x11C80] =	vst v63  }
0x1c3: {  	_ =	swait.ge [sflag:s25], $0x7D0  }
0x1c4: {  	[sflag:s25] =	ssyncset.done $0x0  }
0x1c5: {  	[sflag:s25] =	ssyncadd.s32 $0xFFFFF830  }
0x1c6: {  	_ =	swait.ge [sflag:s25], $0x7D0  }
0x1c7: {  	[sflag:s25] =	ssyncset.done $0x0  }
0x1c8: {  	s2 =	simm.s32 $0x0;
	[sflag:s25] =	ssyncadd.s32 $0xFFFFF830  }
0x1c9: {  	s0 =	simm.s32 $0x40;
	v7 =	vld [tilespmem:s2+$0x11480]  }
.LBB2_42:
0x1ca: {  	p0 =	sne.s32 s0, $0x1F00;
	v8 =	vld [tilespmem:s2+$0x10480];
	_ =	sdelay $0x6  }
0x1cb: {  	v9 =	vld.idx.msk [tilespmem:v7+s26+$0x0], $0xffff;
	v7 =	vmul.u32 $0x7D0, v7  }
0x1cc: {  	v10 =	vld.idx.msk [tilespmem:v8+s26+$0x0], $0xffff;
	v8 =	vadd.s32 v3, v8  }
0x1cd: {  	v7 =	vadd.s32 v7, v8  }
0x1ce: {  	vm0 =	vlt.u32 v7, $0xF430  }
0x1cf: {  	v7 =	vnsel vm0, $0x0, v7;
	_ =	sdelay $0x1  }
.Ltmp20:
0x1d0: {  	(pc) =	sbr.rel @p0 .LBB2_42-.Ltmp20, $3  }
0x1d1: {  	v8 =	vmul.f32 v10, v9;
	_ =	sdelay $0x1  }
0x1d2: {  	s2 =	sshra.s32 s0, $0x2;
	[tilespmem:v7+s1+$0x0] =	vst.idx.add.f32.msk vm0, v8  }
0x1d3: {  	s0 =	sadd.s32 $0x40, s0;
	v7 =	vld [tilespmem:s2+$0x11480]  }
0x1d4: {  	_ = 	snop  }
0x1d5: {  	v8 =	vld [tilespmem:s2+$0x10480];
	_ =	sdelay $0x5  }
0x1d6: {  	v9 =	vmul.u32 $0x7D0, v7  }
0x1d7: {  	v7 =	vld.idx.msk [tilespmem:v7+s26+$0x0], $0xffff;
	v10 =	vadd.s32 v3, v8  }
0x1d8: {  	v9 =	vadd.s32 v9, v10;
	v8 =	vld.idx.msk [tilespmem:v8+s26+$0x0], $0xffff  }
0x1d9: {  	vm0 =	vlt.u32 v9, $0xF430  }
0x1da: {  	v9 =	vnsel vm0, $0x0, v9;
	_ =	sdelay $0x2  }
0x1db: {  	v7 =	vmul.f32 v8, v7;
	_ =	sdelay $0x1  }
0x1dc: {  	s0 =	simm.s32 $0x0;
	[tilespmem:v9+s1+$0x0] =	vst.idx.add.f32.msk vm0, v7  }
0x1dd: {  	[tilespmem:s30], [sflag:$0x1] =	stream.linear.gather [hbm4b:s15+s0], $0x7D0, $0x38;
	[tilespmem:$0x11C80] =	vst v63  }
0x1de: {  	_ = 	snop  }
0x1df: {  	[tilespmem:s24], [sflag:$0x1] =	stream.linear.gather [hbm4b:s8+s0], $0x7D0, $0x38;
	[tilespmem:$0x11C80] =	vst v63  }
0x1e0: {  	_ =	swait.ge [sflag:s25], $0x7D0  }
0x1e1: {  	[sflag:s25] =	ssyncset.done $0x0  }
0x1e2: {  	[sflag:s25] =	ssyncadd.s32 $0xFFFFF830  }
0x1e3: {  	_ =	swait.ge [sflag:s25], $0x7D0  }
0x1e4: {  	[sflag:s25] =	ssyncset.done $0x0  }
0x1e5: {  	s2 =	simm.s32 $0x0;
	[sflag:s25] =	ssyncadd.s32 $0xFFFFF830  }
0x1e6: {  	s0 =	simm.s32 $0x40;
	v7 =	vld [tilespmem:s2+$0x10C80]  }
.LBB2_44:
0x1e7: {  	p0 =	sne.s32 s0, $0x1F00;
	v8 =	vld [tilespmem:s2+$0xFC80];
	_ =	sdelay $0x6  }
0x1e8: {  	v9 =	vld.idx.msk [tilespmem:v7+s26+$0x0], $0xffff;
	v7 =	vmul.u32 $0x7D0, v7  }
0x1e9: {  	v10 =	vld.idx.msk [tilespmem:v8+s26+$0x0], $0xffff;
	v8 =	vadd.s32 v3, v8  }
0x1ea: {  	v7 =	vadd.s32 v7, v8  }
0x1eb: {  	vm0 =	vlt.u32 v7, $0xF430  }
0x1ec: {  	v7 =	vnsel vm0, $0x0, v7;
	_ =	sdelay $0x1  }
.Ltmp21:
0x1ed: {  	(pc) =	sbr.rel @p0 .LBB2_44-.Ltmp21, $3  }
0x1ee: {  	v8 =	vmul.f32 v10, v9;
	_ =	sdelay $0x1  }
0x1ef: {  	s2 =	sshra.s32 s0, $0x2;
	[tilespmem:v7+s1+$0x0] =	vst.idx.add.f32.msk vm0, v8  }
0x1f0: {  	s0 =	sadd.s32 $0x40, s0;
	v7 =	vld [tilespmem:s2+$0x10C80]  }
0x1f1: {  	_ = 	snop  }
0x1f2: {  	v8 =	vld [tilespmem:s2+$0xFC80];
	_ =	sdelay $0x5  }
0x1f3: {  	v9 =	vmul.u32 $0x7D0, v7  }
0x1f4: {  	v7 =	vld.idx.msk [tilespmem:v7+s26+$0x0], $0xffff;
	v10 =	vadd.s32 v3, v8  }
0x1f5: {  	v9 =	vadd.s32 v9, v10;
	v8 =	vld.idx.msk [tilespmem:v8+s26+$0x0], $0xffff  }
0x1f6: {  	vm0 =	vlt.u32 v9, $0xF430  }
0x1f7: {  	v9 =	vnsel vm0, $0x0, v9;
	_ =	sdelay $0x2  }
0x1f8: {  	v7 =	vmul.f32 v8, v7;
	_ =	sdelay $0x1  }
0x1f9: {  	s0 =	simm.s32 $0x0;
	[tilespmem:v9+s1+$0x0] =	vst.idx.add.f32.msk vm0, v7  }
0x1fa: {  	[tilespmem:s29], [sflag:$0x1] =	stream.linear.gather [hbm4b:s16+s0], $0x7D0, $0x38;
	[tilespmem:$0x11C80] =	vst v63  }
0x1fb: {  	_ = 	snop  }
0x1fc: {  	[tilespmem:s23], [sflag:$0x1] =	stream.linear.gather [hbm4b:s9+s0], $0x7D0, $0x38;
	[tilespmem:$0x11C80] =	vst v63  }
0x1fd: {  	_ =	swait.ge [sflag:s25], $0x7D0  }
0x1fe: {  	[sflag:s25] =	ssyncset.done $0x0  }
0x1ff: {  	[sflag:s25] =	ssyncadd.s32 $0xFFFFF830  }
0x200: {  	_ =	swait.ge [sflag:s25], $0x7D0  }
0x201: {  	[sflag:s25] =	ssyncset.done $0x0  }
0x202: {  	s2 =	simm.s32 $0x0;
	[sflag:s25] =	ssyncadd.s32 $0xFFFFF830  }
0x203: {  	s0 =	simm.s32 $0x40;
	v7 =	vld [tilespmem:s2+$0x11480]  }
.LBB2_46:
0x204: {  	p0 =	sne.s32 s0, $0x1F00;
	v8 =	vld [tilespmem:s2+$0x10480];
	_ =	sdelay $0x6  }
0x205: {  	v9 =	vld.idx.msk [tilespmem:v7+s26+$0x0], $0xffff;
	v7 =	vmul.u32 $0x7D0, v7  }
0x206: {  	v10 =	vld.idx.msk [tilespmem:v8+s26+$0x0], $0xffff;
	v8 =	vadd.s32 v3, v8  }
0x207: {  	v7 =	vadd.s32 v7, v8  }
0x208: {  	vm0 =	vlt.u32 v7, $0xF430  }
0x209: {  	v7 =	vnsel vm0, $0x0, v7;
	_ =	sdelay $0x1  }
.Ltmp22:
0x20a: {  	(pc) =	sbr.rel @p0 .LBB2_46-.Ltmp22, $3  }
0x20b: {  	v8 =	vmul.f32 v10, v9;
	_ =	sdelay $0x1  }
0x20c: {  	s2 =	sshra.s32 s0, $0x2;
	[tilespmem:v7+s1+$0x0] =	vst.idx.add.f32.msk vm0, v8  }
0x20d: {  	s0 =	sadd.s32 $0x40, s0;
	v7 =	vld [tilespmem:s2+$0x11480]  }
0x20e: {  	_ = 	snop  }
0x20f: {  	v8 =	vld [tilespmem:s2+$0x10480];
	_ =	sdelay $0x5  }
0x210: {  	v9 =	vmul.u32 $0x7D0, v7  }
0x211: {  	v7 =	vld.idx.msk [tilespmem:v7+s26+$0x0], $0xffff;
	v10 =	vadd.s32 v3, v8  }
0x212: {  	v9 =	vadd.s32 v9, v10;
	v8 =	vld.idx.msk [tilespmem:v8+s26+$0x0], $0xffff  }
0x213: {  	vm0 =	vlt.u32 v9, $0xF430  }
0x214: {  	v9 =	vnsel vm0, $0x0, v9;
	_ =	sdelay $0x2  }
0x215: {  	v7 =	vmul.f32 v8, v7;
	_ =	sdelay $0x1  }
0x216: {  	s0 =	simm.s32 $0x0;
	[tilespmem:v9+s1+$0x0] =	vst.idx.add.f32.msk vm0, v7  }
0x217: {  	[tilespmem:s30], [sflag:$0x1] =	stream.linear.gather [hbm4b:s17+s0], $0x7D0, $0x38;
	[tilespmem:$0x11C80] =	vst v63  }
0x218: {  	_ = 	snop  }
0x219: {  	[tilespmem:s24], [sflag:$0x1] =	stream.linear.gather [hbm4b:s10+s0], $0x7D0, $0x38;
	[tilespmem:$0x11C80] =	vst v63  }
0x21a: {  	_ =	swait.ge [sflag:s25], $0x7D0  }
0x21b: {  	[sflag:s25] =	ssyncset.done $0x0  }
0x21c: {  	[sflag:s25] =	ssyncadd.s32 $0xFFFFF830  }
0x21d: {  	_ =	swait.ge [sflag:s25], $0x7D0  }
0x21e: {  	[sflag:s25] =	ssyncset.done $0x0  }
0x21f: {  	s2 =	simm.s32 $0x0;
	[sflag:s25] =	ssyncadd.s32 $0xFFFFF830  }
0x220: {  	s0 =	simm.s32 $0x40;
	v7 =	vld [tilespmem:s2+$0x10C80]  }
.LBB2_48:
0x221: {  	p0 =	sne.s32 s0, $0x1F00;
	v8 =	vld [tilespmem:s2+$0xFC80];
	_ =	sdelay $0x6  }
0x222: {  	v9 =	vld.idx.msk [tilespmem:v7+s26+$0x0], $0xffff;
	v7 =	vmul.u32 $0x7D0, v7  }
0x223: {  	v10 =	vld.idx.msk [tilespmem:v8+s26+$0x0], $0xffff;
	v8 =	vadd.s32 v3, v8  }
0x224: {  	v7 =	vadd.s32 v7, v8  }
0x225: {  	vm0 =	vlt.u32 v7, $0xF430  }
0x226: {  	v7 =	vnsel vm0, $0x0, v7;
	_ =	sdelay $0x1  }
.Ltmp23:
0x227: {  	(pc) =	sbr.rel @p0 .LBB2_48-.Ltmp23, $3  }
0x228: {  	v8 =	vmul.f32 v10, v9;
	_ =	sdelay $0x1  }
0x229: {  	s2 =	sshra.s32 s0, $0x2;
	[tilespmem:v7+s1+$0x0] =	vst.idx.add.f32.msk vm0, v8  }
0x22a: {  	s0 =	sadd.s32 $0x40, s0;
	v7 =	vld [tilespmem:s2+$0x10C80]  }
0x22b: {  	_ = 	snop  }
0x22c: {  	v8 =	vld [tilespmem:s2+$0xFC80];
	_ =	sdelay $0x5  }
0x22d: {  	v9 =	vmul.u32 $0x7D0, v7  }
0x22e: {  	v7 =	vld.idx.msk [tilespmem:v7+s26+$0x0], $0xffff;
	v10 =	vadd.s32 v3, v8  }
0x22f: {  	v9 =	vadd.s32 v9, v10;
	v8 =	vld.idx.msk [tilespmem:v8+s26+$0x0], $0xffff  }
0x230: {  	vm0 =	vlt.u32 v9, $0xF430  }
0x231: {  	v9 =	vnsel vm0, $0x0, v9;
	_ =	sdelay $0x2  }
0x232: {  	v7 =	vmul.f32 v8, v7;
	_ =	sdelay $0x1  }
0x233: {  	s0 =	simm.s32 $0x0;
	[tilespmem:v9+s1+$0x0] =	vst.idx.add.f32.msk vm0, v7  }
0x234: {  	[tilespmem:s29], [sflag:$0x1] =	stream.linear.gather [hbm4b:s18+s0], $0x7D0, $0x38;
	[tilespmem:$0x11C80] =	vst v63  }
0x235: {  	_ = 	snop  }
0x236: {  	[tilespmem:s23], [sflag:$0x1] =	stream.linear.gather [hbm4b:s11+s0], $0x7D0, $0x38;
	[tilespmem:$0x11C80] =	vst v63  }
0x237: {  	_ =	swait.ge [sflag:s25], $0x7D0  }
0x238: {  	[sflag:s25] =	ssyncset.done $0x0  }
0x239: {  	[sflag:s25] =	ssyncadd.s32 $0xFFFFF830  }
0x23a: {  	_ =	swait.ge [sflag:s25], $0x7D0  }
0x23b: {  	[sflag:s25] =	ssyncset.done $0x0  }
0x23c: {  	s2 =	simm.s32 $0x0;
	[sflag:s25] =	ssyncadd.s32 $0xFFFFF830  }
0x23d: {  	s0 =	simm.s32 $0x40;
	v7 =	vld [tilespmem:s2+$0x11480]  }
.LBB2_50:
0x23e: {  	p0 =	sne.s32 s0, $0x1F00;
	v8 =	vld [tilespmem:s2+$0x10480];
	_ =	sdelay $0x6  }
0x23f: {  	v9 =	vld.idx.msk [tilespmem:v7+s26+$0x0], $0xffff;
	v7 =	vmul.u32 $0x7D0, v7  }
0x240: {  	v10 =	vld.idx.msk [tilespmem:v8+s26+$0x0], $0xffff;
	v8 =	vadd.s32 v3, v8  }
0x241: {  	v7 =	vadd.s32 v7, v8  }
0x242: {  	vm0 =	vlt.u32 v7, $0xF430  }
0x243: {  	v7 =	vnsel vm0, $0x0, v7;
	_ =	sdelay $0x1  }
.Ltmp24:
0x244: {  	(pc) =	sbr.rel @p0 .LBB2_50-.Ltmp24, $3  }
0x245: {  	v8 =	vmul.f32 v10, v9;
	_ =	sdelay $0x1  }
0x246: {  	s2 =	sshra.s32 s0, $0x2;
	[tilespmem:v7+s1+$0x0] =	vst.idx.add.f32.msk vm0, v8  }
0x247: {  	s0 =	sadd.s32 $0x40, s0;
	v7 =	vld [tilespmem:s2+$0x11480]  }
0x248: {  	_ = 	snop  }
0x249: {  	v8 =	vld [tilespmem:s2+$0x10480];
	_ =	sdelay $0x5  }
0x24a: {  	v9 =	vmul.u32 $0x7D0, v7  }
0x24b: {  	v7 =	vld.idx.msk [tilespmem:v7+s26+$0x0], $0xffff;
	v10 =	vadd.s32 v3, v8  }
0x24c: {  	v9 =	vadd.s32 v9, v10;
	v8 =	vld.idx.msk [tilespmem:v8+s26+$0x0], $0xffff  }
0x24d: {  	vm0 =	vlt.u32 v9, $0xF430  }
0x24e: {  	v9 =	vnsel vm0, $0x0, v9;
	_ =	sdelay $0x2  }
0x24f: {  	v7 =	vmul.f32 v8, v7;
	_ =	sdelay $0x1  }
0x250: {  	s0 =	simm.s32 $0x0;
	[tilespmem:v9+s1+$0x0] =	vst.idx.add.f32.msk vm0, v7  }
0x251: {  	[tilespmem:s30], [sflag:$0x1] =	stream.linear.gather [hbm4b:s19+s0], $0x7D0, $0x38;
	[tilespmem:$0x11C80] =	vst v63  }
0x252: {  	_ = 	snop  }
0x253: {  	[tilespmem:s24], [sflag:$0x1] =	stream.linear.gather [hbm4b:s12+s0], $0x7D0, $0x38;
	[tilespmem:$0x11C80] =	vst v63  }
0x254: {  	_ =	swait.ge [sflag:s25], $0x7D0  }
0x255: {  	[sflag:s25] =	ssyncset.done $0x0  }
0x256: {  	[sflag:s25] =	ssyncadd.s32 $0xFFFFF830  }
0x257: {  	_ =	swait.ge [sflag:s25], $0x7D0  }
0x258: {  	[sflag:s25] =	ssyncset.done $0x0  }
0x259: {  	s2 =	simm.s32 $0x0;
	[sflag:s25] =	ssyncadd.s32 $0xFFFFF830  }
0x25a: {  	s0 =	simm.s32 $0x40;
	v7 =	vld [tilespmem:s2+$0x10C80]  }
.LBB2_52:
0x25b: {  	p0 =	sne.s32 s0, $0x1F00;
	v8 =	vld [tilespmem:s2+$0xFC80];
	_ =	sdelay $0x6  }
0x25c: {  	v9 =	vld.idx.msk [tilespmem:v7+s26+$0x0], $0xffff;
	v7 =	vmul.u32 $0x7D0, v7  }
0x25d: {  	v10 =	vld.idx.msk [tilespmem:v8+s26+$0x0], $0xffff;
	v8 =	vadd.s32 v3, v8  }
0x25e: {  	v7 =	vadd.s32 v7, v8  }
0x25f: {  	vm0 =	vlt.u32 v7, $0xF430  }
0x260: {  	v7 =	vnsel vm0, $0x0, v7;
	_ =	sdelay $0x1  }
.Ltmp25:
0x261: {  	(pc) =	sbr.rel @p0 .LBB2_52-.Ltmp25, $3  }
0x262: {  	v8 =	vmul.f32 v10, v9;
	_ =	sdelay $0x1  }
0x263: {  	s2 =	sshra.s32 s0, $0x2;
	[tilespmem:v7+s1+$0x0] =	vst.idx.add.f32.msk vm0, v8  }
0x264: {  	s0 =	sadd.s32 $0x40, s0;
	v7 =	vld [tilespmem:s2+$0x10C80]  }
0x265: {  	_ = 	snop  }
0x266: {  	v8 =	vld [tilespmem:s2+$0xFC80];
	_ =	sdelay $0x5  }
0x267: {  	v9 =	vmul.u32 $0x7D0, v7  }
0x268: {  	v7 =	vld.idx.msk [tilespmem:v7+s26+$0x0], $0xffff;
	v10 =	vadd.s32 v3, v8  }
0x269: {  	v9 =	vadd.s32 v9, v10;
	v8 =	vld.idx.msk [tilespmem:v8+s26+$0x0], $0xffff  }
0x26a: {  	vm0 =	vlt.u32 v9, $0xF430  }
0x26b: {  	v9 =	vnsel vm0, $0x0, v9;
	_ =	sdelay $0x2  }
0x26c: {  	v7 =	vmul.f32 v8, v7;
	_ =	sdelay $0x1  }
0x26d: {  	[tilespmem:v9+s1+$0x0] =	vst.idx.add.f32.msk vm0, v7  }
0x26e: {  	_ =	swait.ge [sflag:s25], $0x7D0  }
0x26f: {  	[sflag:s25] =	ssyncset.done $0x0  }
0x270: {  	[sflag:s25] =	ssyncadd.s32 $0xFFFFF830  }
0x271: {  	_ =	swait.ge [sflag:s25], $0x7D0  }
0x272: {  	[sflag:s25] =	ssyncset.done $0x0  }
0x273: {  	s21 =	simm.s32 $0x0;
	[sflag:s25] =	ssyncadd.s32 $0xFFFFF830  }
0x274: {  	s2 =	simm.s32 $0x0;
	s20 =	simm.s32 $0x40;
	v7 =	vld [tilespmem:s21+$0x11480]  }
.LBB2_54:
0x275: {  	p0 =	sne.s32 s20, $0x1F00;
	v8 =	vld [tilespmem:s21+$0x10480];
	_ =	sdelay $0x5  }
0x276: {  	s0 =	simm.s32 $0xF480  }
0x277: {  	v9 =	vld.idx.msk [tilespmem:v7+s0+$0x0], $0xffff;
	v7 =	vmul.u32 $0x7D0, v7  }
0x278: {  	v10 =	vld.idx.msk [tilespmem:v8+s0+$0x0], $0xffff;
	v8 =	vadd.s32 v3, v8  }
0x279: {  	v7 =	vadd.s32 v7, v8  }
0x27a: {  	vm0 =	vlt.u32 v7, $0xF430  }
0x27b: {  	v7 =	vnsel vm0, $0x0, v7;
	_ =	sdelay $0x1  }
.Ltmp26:
0x27c: {  	(pc) =	sbr.rel @p0 .LBB2_54-.Ltmp26, $3  }
0x27d: {  	v8 =	vmul.f32 v10, v9;
	_ =	sdelay $0x1  }
0x27e: {  	s21 =	sshra.s32 s20, $0x2;
	[tilespmem:v7+s2+$0x0] =	vst.idx.add.f32.msk vm0, v8  }
0x27f: {  	s20 =	sadd.s32 $0x40, s20;
	v7 =	vld [tilespmem:s21+$0x11480]  }
0x280: {  	_ = 	snop  }
0x281: {  	v8 =	vld [tilespmem:s21+$0x10480];
	_ =	sdelay $0x5  }
0x282: {  	v9 =	vmul.u32 $0x7D0, v7  }
0x283: {  	v7 =	vld.idx.msk [tilespmem:v7+s0+$0x0], $0xffff;
	v10 =	vadd.s32 v3, v8  }
0x284: {  	v9 =	vadd.s32 v9, v10;
	v8 =	vld.idx.msk [tilespmem:v8+s0+$0x0], $0xffff  }
0x285: {  	vm0 =	vlt.u32 v9, $0xF430  }
0x286: {  	v10 =	vmov s2;
	v9 =	vnsel vm0, $0x0, v9  }
0x287: {  	v10 =	vmul.u32 $0x7D1, v10;
	_ =	sdelay $0x1  }
0x288: {  	v10 =	vsub.s32 v10, v1;
	v7 =	vmul.f32 v8, v7  }
0x289: {  	v10 =	vbroadcast v10, $0x0  }
0x28a: {  	[tilespmem:v9+s2+$0x0] =	vst.idx.add.f32.msk vm0, v7  }
0x28b: {  	v8 =	vadd.s32 v6, v10;
	v7 =	vld [tilespmem:s0+$0x0]  }
0x28c: {  	s21 =	simm.s32 $0x10;
	vm0 =	vlt.u32 v8, $0xF430  }
0x28d: {  	v9 =	vmov s21;
	s2 =	simm.s32 $0x20;
	v8 =	vnsel vm0, $0x0, v8  }
.LBB2_56:
0x28e: {  	p0 =	sne.s32 s2, $0x7C0;
	v9 =	vmul.u32 $0x7D1, v9;
	_ =	sdelay $0x1  }
0x28f: {  	v9 =	vsub.s32 v9, v1;
	v7 =	vmul.f32 v7, v7  }
.Ltmp27:
0x290: {  	v9 =	vbroadcast v9, $0x0;
	(pc) =	sbr.rel @p0 .LBB2_56-.Ltmp27, $4  }
0x291: {  	s0 =	sadd.s32 $0x10, s0;
	[tilespmem:v8+s1+$0x0] =	vst.idx.add.f32.msk vm0, v7  }
0x292: {  	v7 =	vld [tilespmem:s0+$0x0];
	v8 =	vadd.s32 v6, v9  }
0x293: {  	vm0 =	vlt.u32 v8, $0xF430  }
0x294: {  	v9 =	vmov s2;
	s2 =	sadd.s32 $0x10, s2;
	v8 =	vnsel vm0, $0x0, v8  }
0x295: {  	_ = 	snop  }
0x296: {  	v9 =	vmul.u32 $0x7D1, v9;
	_ =	sdelay $0x1  }
0x297: {  	v9 =	vsub.s32 v9, v1;
	v7 =	vmul.f32 v7, v7  }
0x298: {  	v9 =	vbroadcast v9, $0x0  }
0x299: {  	s0 =	sadd.s32 $0x10, s0;
	[tilespmem:v8+s1+$0x0] =	vst.idx.add.f32.msk vm0, v7  }
0x29a: {  	v7 =	vld [tilespmem:s0+$0x0];
	v8 =	vadd.s32 v6, v9  }
0x29b: {  	vm15 =	vlt.u32 v8, $0xF430  }
0x29c: {  	v8 =	vnsel vm15, $0x0, v8;
	_ =	sdelay $0x2  }
0x29d: {  	s31 =	sadd.s32 $0x1, s31;
	v7 =	vmul.f32 v7, v7  }
0x29e: {  	p0 =	sne.s32 s31, s22  }
.Ltmp28:
0x29f: {  	s21 =	rddreg [dreg:$0x3];
	[tilespmem:v8+s1+$0x0] =	vst.idx.add.f32.msk vm15, v7;
	(pc) =	sbr.rel @p0 .LBB2_1-.Ltmp28, $4  }
0x2a0: {  	[hbm4b:s21+s1] =	stream.linear.scatter [tilespmem:s1], [sflag:$0x2], $0xF430, $0x38;
	[tilespmem:$0x11C80] =	vst v63  }
0x2a1: {  	_ =	swait.ge [sflag:s28], $0xF430  }
0x2a2: {  	[sflag:s28] =	ssyncset.done $0x0  }
0x2a3: {  	[sflag:s28] =	ssyncadd.s32 $0xFFFF0BD0  }
0x2a4: {  	_ =	sfence.sel $0x180000  }
0x2a5: {  	[bflag:$0x0] =	sbarrier.arrive $0xFFFF  }
0x2a6: {  	_ =	strace $0x90000047  }
0x2a7: {  	s0 =	stileid.u32;
	[bflag:$0x2] =	sbarrier.arrive $0xFFFF  }
0x2a8: {  	p0 =	sne.s32 s0, $0x0;
	s0 =	rddreg [dreg:$0x1]  }
0x2a9: {  	s0 =	sadd.s32 @!p0 $0x100000, s0  }
0x2aa: {  	[sflag:s0] =	ssyncadd.tile.s32 @!p0 $0x1;
	_ =	shalt  }
.Lfunc_end2:
_tile_overlayer_lowered:
.L_overlay_start_2:
0x2ab: {  	(tag) =	ssettag $0x2  }
0x2ac: {  	s0 =	rddreg [dreg:$0x0];
	s2 =	stileid.u32  }
0x2ad: {  	s1 =	rddreg [dreg:$0x1];
	p0 =	sne.s32 s2, $0x0  }
0x2ae: {  	s3 =	rddreg [dreg:$0x2];
	[bflag:$0x3] =	sbarrier.arrive $0xFFFF;
	s2 =	simm.s32 @!p0 $0x1C03  }
0x2af: {  	[timem:s3], [sflag:s2] =	dma.local @!p0 [hbm:s0], s1  }
0x2b0: {  	s0 =	simm.s32 @!p0 $0x3  }
0x2b1: {  	_ =	swait.ge @!p0 [sflag:s0], s1  }
0x2b2: {  	s1 =	ssub.s32 @!p0 $0x0, s1;
	[sflag:s0] =	ssyncset.done @!p0 $0x0  }
0x2b3: {  	[sflag:s0] =	ssyncadd.s32 @!p0 s1  }
0x2b4: {  	[bflag:$0x3] =	sbarrier.arrive $0xFFFF  }
0x2b5: {  	_ =	shalt  }

</sc_bundles>
